<compile_context>
chip_gen: v7x
topology: tpu7x:2x2x1
jax: 0.10.2.dev20260603
libtpu: 0.0.44.dev20260713+nightly
codegen_flags: <defaults>
</compile_context>

<pallas_src>
import functools
import jax
import jax.numpy as jnp
from jax import lax
from jax.experimental import pallas as pl
from jax.experimental.pallas import tpu as pltpu
from jax.experimental.pallas import tpu_sc as plsc

_NC, _NS = 2, 16
_NW = _NC * _NS
_N = 10000
_NP = 10240
_E = 320000
_EPW = _E // _NW
_RW = 128
_RND = 160
_RND0 = 120
_GRP = 8
_EP = _NS * _RND * _RW
_ROWS_PW = _NP // _NS
_DF = 128
_GC = 128
_SF = 32
_T = 20
_H = 64



@functools.partial(
    pl.kernel,
    out_type=jax.ShapeDtypeStruct((_NW, _NP), jnp.float32),
    mesh=plsc.VectorSubcoreMesh(core_axis_name="c", subcore_axis_name="s"),
    scratch_types=[
        pltpu.VMEM((_EPW,), jnp.int32),
        pltpu.VMEM((_NP,), jnp.float32),
    ],
    compiler_params=pltpu.CompilerParams(needs_layout_passes=False),
)
def _deg_kernel(dst_hbm, out_hbm, idx_v, acc_v):
    wid = lax.axis_index("s") * _NC + lax.axis_index("c")

    def zero_body(i, carry):
        acc_v[pl.ds(i * 16, 16)] = jnp.zeros((16,), jnp.float32)
        return carry

    lax.fori_loop(0, _NP // 16, zero_body, 0)

    pltpu.sync_copy(dst_hbm.at[pl.ds(wid * _EPW, _EPW)], idx_v)

    ones16 = jnp.ones((16,), jnp.float32)

    def scat_body(i, carry):
        idx16 = idx_v[pl.ds(i * 16, 16)]
        plsc.addupdate_scatter(acc_v, [idx16], ones16)
        return carry

    lax.fori_loop(0, _EPW // 16, scat_body, 0)
    pltpu.sync_copy(acc_v, out_hbm.at[wid])



@functools.partial(
    pl.kernel,
    out_type=jax.ShapeDtypeStruct((_NC, _NP, _GC), jnp.float32),
    mesh=plsc.VectorSubcoreMesh(core_axis_name="c", subcore_axis_name="s"),
    scratch_types=[
        pltpu.VMEM((2, _GRP, _RW), jnp.int32),
        pltpu.VMEM((2, _GRP, _RW), jnp.int32),
        pltpu.VMEM((2, _RW, _GC), jnp.float32),
        pltpu.VMEM_SHARED((_NP, _GC), jnp.float32),
        [pltpu.SemaphoreType.DMA] * 2,
        pltpu.SemaphoreType.DMA,
    ],
)
def _scat_kernel(src_hbm, dst_hbm, y_hbm, z_hbm, out_hbm,
                 sidx_v, didx_v, rows_v, acc_s, gsem, isem):
    c = lax.axis_index("c")
    s = lax.axis_index("s")
    base0 = s * _RND + c * _RND0
    nrnd = jnp.where(c == 0, _RND0, _RND - _RND0)
    ngrp = nrnd // _GRP

    pltpu.sync_copy(z_hbm.at[pl.ds(s * _ROWS_PW, _ROWS_PW)],
                    acc_s.at[pl.ds(s * _ROWS_PW, _ROWS_PW)])
    pltpu.async_copy(src_hbm.at[pl.ds(base0, _GRP)], sidx_v.at[0], isem)
    pltpu.async_copy(dst_hbm.at[pl.ds(base0, _GRP)], didx_v.at[0], isem)
    plsc.subcore_barrier()

    def group(gi, carry):
        par = lax.rem(gi, 2)
        base = base0 + gi * _GRP
        pltpu.make_async_copy(
            src_hbm.at[pl.ds(base, _GRP)], sidx_v.at[par], isem).wait()
        pltpu.make_async_copy(
            dst_hbm.at[pl.ds(base, _GRP)], didx_v.at[par], isem).wait()
        nbase = base0 + jnp.minimum(gi + 1, ngrp - 1) * _GRP
        pltpu.async_copy(src_hbm.at[pl.ds(nbase, _GRP)],
                         sidx_v.at[1 - par], isem)
        pltpu.async_copy(dst_hbm.at[pl.ds(nbase, _GRP)],
                         didx_v.at[1 - par], isem)
        sidx = sidx_v.at[par]
        didx = didx_v.at[par]
        for b in range(2):
            pltpu.async_copy(y_hbm.at[sidx.at[b]], rows_v.at[b], gsem[b])
        for b in range(_GRP):
            p = b % 2
            pltpu.make_async_copy(
                y_hbm.at[sidx.at[b]], rows_v.at[p], gsem[p]).wait()
            pltpu.sync_copy(rows_v.at[p], acc_s.at[didx.at[b]], add=True)
            if b + 2 < _GRP:
                pltpu.async_copy(
                    y_hbm.at[sidx.at[b + 2]], rows_v.at[p], gsem[p])
        return carry

    lax.fori_loop(0, ngrp, group, 0)
    lastb = base0 + (ngrp - 1) * _GRP
    drb = lax.rem(ngrp, 2)
    pltpu.make_async_copy(
        src_hbm.at[pl.ds(lastb, _GRP)], sidx_v.at[drb], isem).wait()
    pltpu.make_async_copy(
        dst_hbm.at[pl.ds(lastb, _GRP)], didx_v.at[drb], isem).wait()
    plsc.subcore_barrier()
    pltpu.sync_copy(acc_s.at[pl.ds(s * _ROWS_PW, _ROWS_PW)],
                    out_hbm.at[c, pl.ds(s * _ROWS_PW, _ROWS_PW)])



def _prep_body(dp_ref, nf_ref, wg_ref, bg_ref, y_ref, sb_ref, di_ref):
    deg = jnp.sum(dp_ref[...], axis=0) + 1.0
    dinv = lax.rsqrt(deg)
    xw = jnp.dot(nf_ref[...], wg_ref[...], preferred_element_type=jnp.float32)
    y_ref[...] = dinv[:, None] * xw
    sb_ref[...] = (dinv * dinv)[:, None] * xw + bg_ref[...]
    di_ref[...] = dinv[:, None]


_prep_call = pl.pallas_call(
    _prep_body,
    grid=(10,),
    in_specs=[
        pl.BlockSpec((_NW, 1024), lambda i: (0, i)),
        pl.BlockSpec((1024, _DF), lambda i: (i, 0)),
        pl.BlockSpec((_DF, _GC), lambda i: (0, 0)),
        pl.BlockSpec((1, _GC), lambda i: (0, 0)),
    ],
    out_specs=[
        pl.BlockSpec((1024, _GC), lambda i: (i, 0)),
        pl.BlockSpec((1024, _GC), lambda i: (i, 0)),
        pl.BlockSpec((1024, 1), lambda i: (i, 0)),
    ],
    out_shape=[
        jax.ShapeDtypeStruct((_NP, _GC), jnp.float32),
        jax.ShapeDtypeStruct((_NP, _GC), jnp.float32),
        jax.ShapeDtypeStruct((_NP, 1), jnp.float32),
    ],
)



def _lstm_body(seq_ref, acc_ref, sb_ref, di_ref,
               wst_ref, wgt_ref, wht_ref, b_ref, fcw_ref, fcb_ref, out_ref):
    acc = acc_ref[0] + acc_ref[1]
    gcn = di_ref[...] * acc + sb_ref[...]
    gbase = jnp.dot(gcn, wgt_ref[...], preferred_element_type=jnp.float32) + b_ref[...]
    nb = gcn.shape[0]
    wst = wst_ref[...]
    wht = wht_ref[...]
    h = jnp.zeros((nb, _H), jnp.float32)
    cc = jnp.zeros((nb, _H), jnp.float32)
    for t in range(_T):
        xt = seq_ref[:, t * _SF:(t + 1) * _SF]
        g = (jnp.dot(xt, wst, preferred_element_type=jnp.float32) + gbase
             + jnp.dot(h, wht, preferred_element_type=jnp.float32))
        sg = jax.nn.sigmoid(g[:, 0:3 * _H])
        ig = sg[:, 0:_H]
        fg = sg[:, _H:2 * _H]
        og = sg[:, 2 * _H:3 * _H]
        gg = jnp.tanh(g[:, 3 * _H:4 * _H])
        cc = fg * cc + ig * gg
        h = og * jnp.tanh(cc)
    out_ref[...] = jnp.dot(h, fcw_ref[...], preferred_element_type=jnp.float32) + fcb_ref[...]


_lstm_call = pl.pallas_call(
    _lstm_body,
    grid=(10,),
    in_specs=[
        pl.BlockSpec((1000, _T * _SF), lambda i: (i, 0)),
        pl.BlockSpec((2, 1000, _GC), lambda i: (0, i, 0)),
        pl.BlockSpec((1000, _GC), lambda i: (i, 0)),
        pl.BlockSpec((1000, 1), lambda i: (i, 0)),
        pl.BlockSpec((_SF, 4 * _H), lambda i: (0, 0)),
        pl.BlockSpec((_GC, 4 * _H), lambda i: (0, 0)),
        pl.BlockSpec((_H, 4 * _H), lambda i: (0, 0)),
        pl.BlockSpec((1, 4 * _H), lambda i: (0, 0)),
        pl.BlockSpec((_H, 1), lambda i: (0, 0)),
        pl.BlockSpec((1, 1), lambda i: (0, 0)),
    ],
    out_specs=pl.BlockSpec((1000, 1), lambda i: (i, 0)),
    out_shape=jax.ShapeDtypeStruct((_N, 1), jnp.float32),
)


def kernel(sequences, edge_index, edge_attr, node_features, node_indices,
           Wg, bg, W_ih, W_hh, b_ih, b_hh, fc_w, fc_b):
    del edge_attr, node_indices
    src = edge_index[0]
    dst = edge_index[1]

    deg_part = _deg_kernel(dst)

    nf_pad = jnp.concatenate(
        [node_features, jnp.zeros((_NP - _N, _DF), jnp.float32)], axis=0)
    y, sbase, dinv = _prep_call(deg_part, nf_pad, Wg, bg.reshape(1, _GC))

    pad = jnp.full((_EP - _E,), _N, jnp.int32)
    src2d = jnp.concatenate([src, pad]).reshape(-1, _RW)
    dst2d = jnp.concatenate([dst, pad]).reshape(-1, _RW)
    zeros = jnp.zeros((_NP, _GC), jnp.float32)
    acc = _scat_kernel(src2d, dst2d, y, zeros)

    seq2d = sequences.reshape(_N, _T * _SF)
    perm = jnp.concatenate([
        jnp.arange(2 * _H, dtype=jnp.int32),
        jnp.arange(3 * _H, 4 * _H, dtype=jnp.int32),
        jnp.arange(2 * _H, 3 * _H, dtype=jnp.int32),
    ])
    w_ih_t = W_ih.T[:, perm]
    out = _lstm_call(
        seq2d, acc, sbase, dinv,
        w_ih_t[:_SF], w_ih_t[_SF:], W_hh.T[:, perm],
        (b_ih + b_hh)[perm].reshape(1, 4 * _H),
        fc_w.T, fc_b.reshape(1, 1),
    )
    return out

# --- scband reference (transcript-rebuilt; emitter-appended) ---
"""Pipeline reference for scband-gcn-lstm-13116830122541 (READ-ONLY COPY).

The authoritative reference and input builder live on the scoring server;
editing this copy changes nothing except your own understanding.
"""

import jax, jax.numpy as jnp
import numpy as np

N = 10000
E = 320000
DF = 128
GC = 128
SF = 32
T = 20
H = 64
DE = 4


def lstm_layer(x, W_ih, W_hh, b_ih, b_hh):
    B, Tn, _ = x.shape
    Hn = W_hh.shape[1]

    def step(carry, xt):
        h, c = carry
        gates = xt @ W_ih.T + h @ W_hh.T + b_ih + b_hh
        i, f, g, o = jnp.split(gates, 4, axis=-1)
        c = jax.nn.sigmoid(f) * c + jax.nn.sigmoid(i) * jnp.tanh(g)
        h = jax.nn.sigmoid(o) * jnp.tanh(c)
        return (h, c), h

    h0 = jnp.zeros((B, Hn), x.dtype)
    c0 = jnp.zeros((B, Hn), x.dtype)
    (_, _), hs = jax.lax.scan(step, (h0, c0), jnp.swapaxes(x, 0, 1))
    return jnp.swapaxes(hs, 0, 1)


def setup_inputs(seed: int = 0) -> dict:
    key = jax.random.key(seed)
    ks = jax.random.split(key, 16)
    D = SF + GC
    return {
        "sequences": jax.random.normal(ks[0], (N, T, SF), dtype=jnp.float32),
        "edge_index": jax.random.randint(ks[1], (2, E), 0, N, dtype=jnp.int32),
        "edge_attr": jax.random.normal(ks[2], (E, DE), dtype=jnp.float32),
        "node_features": jax.random.normal(ks[3], (N, DF), dtype=jnp.float32),
        "node_indices": jnp.arange(N, dtype=jnp.int32),
        "Wg": jax.random.normal(ks[4], (DF, GC), dtype=jnp.float32) * (1.0 / np.sqrt(DF)),
        "bg": jnp.zeros((GC,), jnp.float32),
        "W_ih": jax.random.normal(ks[5], (4 * H, D), dtype=jnp.float32) * (1.0 / np.sqrt(D)),
        "W_hh": jax.random.normal(ks[6], (4 * H, H), dtype=jnp.float32) * (1.0 / np.sqrt(H)),
        "b_ih": jnp.zeros((4 * H,), jnp.float32),
        "b_hh": jnp.zeros((4 * H,), jnp.float32),
        "fc_w": jax.random.normal(ks[7], (1, H), dtype=jnp.float32) * (1.0 / np.sqrt(H)),
        "fc_b": jnp.zeros((1,), jnp.float32),
    }


def reference(sequences, edge_index, edge_attr, node_features, node_indices, Wg, bg, W_ih, W_hh, b_ih, b_hh, fc_w, fc_b):
    n = node_features.shape[0]
    loop = jnp.arange(n, dtype=edge_index.dtype)
    src = jnp.concatenate([edge_index[0], loop])
    dst = jnp.concatenate([edge_index[1], loop])
    deg = jnp.zeros((n,), jnp.float32).at[dst].add(1.0)
    dinv = jnp.where(deg > 0, jax.lax.rsqrt(jnp.maximum(deg, 1e-12)), 0.0)
    norm = dinv[src] * dinv[dst]
    xw = node_features @ Wg
    gcn_out = jax.ops.segment_sum(xw[src] * norm[:, None], dst, num_segments=n) + bg
    # dropout is identity at inference
    gcn_rep = jnp.broadcast_to(gcn_out[:, None, :], (n, sequences.shape[1], gcn_out.shape[-1]))
    combined = jnp.concatenate([sequences, gcn_rep], axis=-1)
    lstm_out = lstm_layer(combined, W_ih, W_hh, b_ih, b_hh)
    last = lstm_out[:, -1, :]
    return last @ fc_w.T + fc_b

if __name__ == "__main__":
    import jax
    _d = setup_inputs()
    print(jax.jit(kernel)(*tuple(_d.values())))

</pallas_src>

<mosaic_0001>
#map = affine_map<(d0, d1) -> (0)>
#map1 = affine_map<(d0, d1) -> (0, 0)>
module attributes {stable_mosaic.version = 14 : i64} {
  func.func @_deg_kernel(%arg0: i32, %arg1: i32, %arg2: memref<320000xi32, #tpu.memory_space<hbm>>, %arg3: memref<32x10240xf32, #tpu.memory_space<hbm>>, %arg4: memref<10000xi32, #tpu.memory_space<vmem>>, %arg5: memref<10240xf32, #tpu.memory_space<vmem>>) attributes {dimension_semantics = [#tpu.dimension_semantics<core_parallel>, #tpu.dimension_semantics<subcore_parallel>], iteration_bounds = array<i64: 2, 16>, scalar_prefetch = 0 : i64, scratch_operands = 2 : i64, tpu.core_type = #tpu.core_type<sc_vector_subcore>, window_params = [{transform_indices = #map}, {transform_indices = #map1}]} {
    %mul3A = arith.constant 2 : i32
    %mul3A_0 = arith.muli %arg1, %mul3A : i32
    %add3A = arith.addi %mul3A_0, %arg0 : i32
    %scan3A = arith.constant 0 : i32
    %scan3A_1 = arith.constant 0 : i32
    %scan3A_2 = arith.constant 640 : i32
    %scan3A_3 = arith.addi %scan3A_1, %scan3A_2 : i32
    %scan3A_4 = arith.constant 1 : i32
    scf.for %scan3A_15 = %scan3A_1 to %scan3A_3 step %scan3A_4  : i32 {
      %broadcast_in_dim3A_16 = arith.constant 0.000000e+00 : f32
      %broadcast_in_dim3A_17 = vector.broadcast %broadcast_in_dim3A_16 : f32 to vector<16xf32>
      %mul3A_18 = arith.constant 16 : i32
      %mul3A_19 = arith.muli %scan3A_15, %mul3A_18 : i32
      %swap3A = arith.index_cast %mul3A_19 : i32 to index
      %swap3A_20 = tpu.vector_load %arg5[%swap3A] {strides = array<i32>} : memref<10240xf32, #tpu.memory_space<vmem>>, vector<16xf32>,
      tpu.vector_store %arg5[%swap3A], %broadcast_in_dim3A_17 {strides = array<i32>} : memref<10240xf32, #tpu.memory_space<vmem>>, vector<16xf32>,
    }
    %scan3A_5 = arith.constant 640 : i32
    %mul3A_6 = arith.constant 10000 : i32
    %mul3A_7 = arith.muli %add3A, %mul3A_6 : i32
    "tpu.region"() ({
      %run_scoped3A = tpu.sem_alloc : memref<!tpu.dma_semaphore, #tpu.memory_space<semaphore_mem>>
      %dma_start3A = tpu.memref_slice %arg2[%mul3A_7] : memref<320000xi32, #tpu.memory_space<hbm>> -> memref<10000xi32, #tpu.memory_space<hbm>>
      %dma_start3A_15 = tpu.memref_slice %arg2[%mul3A_7] : memref<320000xi32, #tpu.memory_space<hbm>> -> memref<10000xi32, #tpu.memory_space<hbm>>
      tpu.enqueue_dma source(%dma_start3A_15 : memref<10000xi32, #tpu.memory_space<hbm>>) target(%arg4 : memref<10000xi32, #tpu.memory_space<vmem>>) target_semaphore(%run_scoped3A : memref<!tpu.dma_semaphore, #tpu.memory_space<semaphore_mem>>)
      %dma_wait3A = tpu.memref_slice %arg2[%mul3A_7] : memref<320000xi32, #tpu.memory_space<hbm>> -> memref<10000xi32, #tpu.memory_space<hbm>>
      %dma_wait3A_16 = tpu.memref_slice %arg2[%mul3A_7] : memref<320000xi32, #tpu.memory_space<hbm>> -> memref<10000xi32, #tpu.memory_space<hbm>>
      tpu.wait_dma2 semaphore(%run_scoped3A : memref<!tpu.dma_semaphore, #tpu.memory_space<semaphore_mem>>) src(%dma_wait3A_16 : memref<10000xi32, #tpu.memory_space<hbm>>) dst(%arg4 : memref<10000xi32, #tpu.memory_space<vmem>>)
      tpu.yield
    }) : () -> ()
    %broadcast_in_dim3A = arith.constant 1.000000e+00 : f32
    %broadcast_in_dim3A_8 = vector.broadcast %broadcast_in_dim3A : f32 to vector<16xf32>
    %scan3A_9 = arith.constant 0 : i32
    %scan3A_10 = arith.constant 0 : i32
    %scan3A_11 = arith.constant 625 : i32
    %scan3A_12 = arith.addi %scan3A_10, %scan3A_11 : i32
    %scan3A_13 = arith.constant 1 : i32
    scf.for %scan3A_15 = %scan3A_10 to %scan3A_12 step %scan3A_13  : i32 {
      %mul3A_16 = arith.constant 16 : i32
      %mul3A_17 = arith.muli %scan3A_15, %mul3A_16 : i32
      %get3A = arith.index_cast %mul3A_17 : i32 to index
      %get3A_18 = tpu.vector_load %arg4[%get3A] {strides = array<i32>} : memref<10000xi32, #tpu.memory_space<vmem>>, vector<16xi32>,
      tpu.vector_store_idx %arg5[%get3A_18], %broadcast_in_dim3A_8 {add = true} : memref<10240xf32, #tpu.memory_space<vmem>>[vector<16xi32>], vector<16xf32>,
    }
    %scan3A_14 = arith.constant 625 : i32
    "tpu.region"() ({
      %run_scoped3A = tpu.sem_alloc : memref<!tpu.dma_semaphore, #tpu.memory_space<semaphore_mem>>
      %dma_start3A = arith.constant 0 : i32
      %dma_start3A_15 = tpu.memref_slice %arg3[%add3A, %dma_start3A] : memref<32x10240xf32, #tpu.memory_space<hbm>> -> memref<1x10240xf32, #tpu.memory_space<hbm>>
      %dma_start3A_16 = tpu.memref_squeeze %dma_start3A_15 : memref<1x10240xf32, #tpu.memory_space<hbm>> -> memref<10240xf32, #tpu.memory_space<hbm>>
      %dma_start3A_17 = arith.constant 0 : i32
      %dma_start3A_18 = tpu.memref_slice %arg3[%add3A, %dma_start3A_17] : memref<32x10240xf32, #tpu.memory_space<hbm>> -> memref<1x10240xf32, #tpu.memory_space<hbm>>
      %dma_start3A_19 = tpu.memref_squeeze %dma_start3A_18 : memref<1x10240xf32, #tpu.memory_space<hbm>> -> memref<10240xf32, #tpu.memory_space<hbm>>
      tpu.enqueue_dma source(%arg5 : memref<10240xf32, #tpu.memory_space<vmem>>) target(%dma_start3A_19 : memref<10240xf32, #tpu.memory_space<hbm>>) target_semaphore(%run_scoped3A : memref<!tpu.dma_semaphore, #tpu.memory_space<semaphore_mem>>)
      %dma_wait3A = arith.constant 0 : i32
      %dma_wait3A_20 = tpu.memref_slice %arg3[%add3A, %dma_wait3A] : memref<32x10240xf32, #tpu.memory_space<hbm>> -> memref<1x10240xf32, #tpu.memory_space<hbm>>
      %dma_wait3A_21 = tpu.memref_squeeze %dma_wait3A_20 : memref<1x10240xf32, #tpu.memory_space<hbm>> -> memref<10240xf32, #tpu.memory_space<hbm>>
      %dma_wait3A_22 = arith.constant 0 : i32
      %dma_wait3A_23 = tpu.memref_slice %arg3[%add3A, %dma_wait3A_22] : memref<32x10240xf32, #tpu.memory_space<hbm>> -> memref<1x10240xf32, #tpu.memory_space<hbm>>
      %dma_wait3A_24 = tpu.memref_squeeze %dma_wait3A_23 : memref<1x10240xf32, #tpu.memory_space<hbm>> -> memref<10240xf32, #tpu.memory_space<hbm>>
      tpu.wait_dma2 semaphore(%run_scoped3A : memref<!tpu.dma_semaphore, #tpu.memory_space<semaphore_mem>>) src(%arg5 : memref<10240xf32, #tpu.memory_space<vmem>>) dst(%dma_wait3A_24 : memref<10240xf32, #tpu.memory_space<hbm>>)
      tpu.yield
    }) : () -> ()
    return
  }
}

#map = affine_map<(d0, d1) -> (0, 0)>
#map1 = affine_map<(d0, d1) -> (0, 0, 0)>
module attributes {stable_mosaic.version = 14 : i64} {
  func.func @_scat_kernel(%arg0: i32, %arg1: i32, %arg2: memref<2560x128xi32, #tpu.memory_space<hbm>>, %arg3: memref<2560x128xi32, #tpu.memory_space<hbm>>, %arg4: memref<10240x128xf32, #tpu.memory_space<hbm>>, %arg5: memref<10240x128xf32, #tpu.memory_space<hbm>>, %arg6: memref<2x10240x128xf32, #tpu.memory_space<hbm>>, %arg7: memref<2x8x128xi32, #tpu.memory_space<vmem>>, %arg8: memref<2x8x128xi32, #tpu.memory_space<vmem>>, %arg9: memref<2x128x128xf32, #tpu.memory_space<vmem>>, %arg10: memref<10240x128xf32, #tpu.memory_space<vmem_shared>>, %arg11: memref<!tpu.dma_semaphore, #tpu.memory_space<semaphore_mem>>, %arg12: memref<!tpu.dma_semaphore, #tpu.memory_space<semaphore_mem>>, %arg13: memref<!tpu.dma_semaphore, #tpu.memory_space<semaphore_mem>>) attributes {dimension_semantics = [#tpu.dimension_semantics<core_parallel>, #tpu.dimension_semantics<subcore_parallel>], iteration_bounds = array<i64: 2, 16>, scalar_prefetch = 0 : i64, scratch_operands = 7 : i64, tpu.core_type = #tpu.core_type<sc_vector_subcore>, window_params = [{transform_indices = #map}, {transform_indices = #map}, {transform_indices = #map}, {transform_indices = #map}, {transform_indices = #map1}]} {
    %mul3A = arith.constant 160 : i32
    %mul3A_0 = arith.muli %arg1, %mul3A : i32
    %mul3A_1 = arith.constant 120 : i32
    %mul3A_2 = arith.muli %arg0, %mul3A_1 : i32
    %add3A = arith.addi %mul3A_0, %mul3A_2 : i32
    %eq3A = arith.constant 0 : i32
    %eq3A_3 = arith.cmpi eq, %arg0, %eq3A : i32
    %jit3A = arith.constant 120 : i32
    %jit3A_4 = arith.constant 40 : i32
    %select_n3A = arith.select %eq3A_3, %jit3A, %jit3A_4 : i32
    %jit3A_5 = arith.constant 8 : i32
    %div3A = arith.divsi %select_n3A, %jit3A_5 : i32
    %sign3A = arith.constant 0 : i32
    %sign3A_6 = arith.cmpi sgt, %select_n3A, %sign3A : i32
    %sign3A_7 = arith.extui %sign3A_6 : i1 to i32
    %sign3A_8 = arith.constant 0 : i32
    %sign3A_9 = arith.cmpi slt, %select_n3A, %sign3A_8 : i32
    %sign3A_10 = arith.extui %sign3A_9 : i1 to i32
    %sign3A_11 = arith.subi %sign3A_7, %sign3A_10 : i32
    %sign3A_12 = arith.constant 0 : i32
    %sign3A_13 = arith.cmpi sgt, %jit3A_5, %sign3A_12 : i32
    %sign3A_14 = arith.extui %sign3A_13 : i1 to i32
    %sign3A_15 = arith.constant 0 : i32
    %sign3A_16 = arith.cmpi slt, %jit3A_5, %sign3A_15 : i32
    %sign3A_17 = arith.extui %sign3A_16 : i1 to i32
    %sign3A_18 = arith.subi %sign3A_14, %sign3A_17 : i32
    %ne3A = arith.cmpi ne, %sign3A_11, %sign3A_18 : i32
    %rem3A = arith.remsi %select_n3A, %jit3A_5 : i32
    %ne3A_19 = arith.constant 0 : i32
    %ne3A_20 = arith.cmpi ne, %rem3A, %ne3A_19 : i32
    %and3A = arith.andi %ne3A, %ne3A_20 : i1
    %sub3A = arith.constant 1 : i32
    %sub3A_21 = arith.subi %div3A, %sub3A : i32
    %select_n3A_22 = arith.select %and3A, %sub3A_21, %div3A : i32
    %mul3A_23 = arith.constant 640 : i32
    %mul3A_24 = arith.muli %arg1, %mul3A_23 : i32
    %mul3A_25 = arith.constant 640 : i32
    %mul3A_26 = arith.muli %arg1, %mul3A_25 : i32
    "tpu.region"() ({
      %run_scoped3A = tpu.sem_alloc : memref<!tpu.dma_semaphore, #tpu.memory_space<semaphore_mem>>
      %dma_start3A_96 = arith.constant 0 : i32
      %dma_start3A_97 = tpu.memref_slice %arg10[%mul3A_26, %dma_start3A_96] : memref<10240x128xf32, #tpu.memory_space<vmem_shared>> -> memref<640x128xf32, #tpu.memory_space<vmem_shared>>
      %dma_start3A_98 = arith.constant 0 : i32
      %dma_start3A_99 = tpu.memref_slice %arg5[%mul3A_24, %dma_start3A_98] : memref<10240x128xf32, #tpu.memory_space<hbm>> -> memref<640x128xf32, #tpu.memory_space<hbm>>
      tpu.enqueue_dma source(%dma_start3A_99 : memref<640x128xf32, #tpu.memory_space<hbm>>) target(%dma_start3A_97 : memref<640x128xf32, #tpu.memory_space<vmem_shared>>) target_semaphore(%run_scoped3A : memref<!tpu.dma_semaphore, #tpu.memory_space<semaphore_mem>>)
      %dma_wait3A_100 = arith.constant 0 : i32
      %dma_wait3A_101 = tpu.memref_slice %arg10[%mul3A_26, %dma_wait3A_100] : memref<10240x128xf32, #tpu.memory_space<vmem_shared>> -> memref<640x128xf32, #tpu.memory_space<vmem_shared>>
      %dma_wait3A_102 = arith.constant 0 : i32
      %dma_wait3A_103 = tpu.memref_slice %arg5[%mul3A_24, %dma_wait3A_102] : memref<10240x128xf32, #tpu.memory_space<hbm>> -> memref<640x128xf32, #tpu.memory_space<hbm>>
      tpu.wait_dma2 semaphore(%run_scoped3A : memref<!tpu.dma_semaphore, #tpu.memory_space<semaphore_mem>>) src(%dma_wait3A_103 : memref<640x128xf32, #tpu.memory_space<hbm>>) dst(%dma_wait3A_101 : memref<640x128xf32, #tpu.memory_space<vmem_shared>>)
      tpu.yield
    }) : () -> ()
    %dma_start3A = arith.constant 0 : i32
    %dma_start3A_27 = arith.constant 0 : i32
    %dma_start3A_28 = arith.constant 0 : i32
    %dma_start3A_29 = tpu.memref_slice %arg7[%dma_start3A, %dma_start3A_27, %dma_start3A_28] : memref<2x8x128xi32, #tpu.memory_space<vmem>> -> memref<1x8x128xi32, #tpu.memory_space<vmem>>
    %dma_start3A_30 = tpu.memref_squeeze %dma_start3A_29 : memref<1x8x128xi32, #tpu.memory_space<vmem>> -> memref<8x128xi32, #tpu.memory_space<vmem>>
    %dma_start3A_31 = arith.constant 0 : i32
    %dma_start3A_32 = tpu.memref_slice %arg2[%add3A, %dma_start3A_31] : memref<2560x128xi32, #tpu.memory_space<hbm>> -> memref<8x128xi32, #tpu.memory_space<hbm>>
    %dma_start3A_33 = arith.constant 0 : i32
    %dma_start3A_34 = arith.constant 0 : i32
    %dma_start3A_35 = tpu.memref_slice %arg7[%dma_start3A, %dma_start3A_33, %dma_start3A_34] : memref<2x8x128xi32, #tpu.memory_space<vmem>> -> memref<1x8x128xi32, #tpu.memory_space<vmem>>
    %dma_start3A_36 = tpu.memref_squeeze %dma_start3A_35 : memref<1x8x128xi32, #tpu.memory_space<vmem>> -> memref<8x128xi32, #tpu.memory_space<vmem>>
    %dma_start3A_37 = arith.constant 0 : i32
    %dma_start3A_38 = tpu.memref_slice %arg2[%add3A, %dma_start3A_37] : memref<2560x128xi32, #tpu.memory_space<hbm>> -> memref<8x128xi32, #tpu.memory_space<hbm>>
    tpu.enqueue_dma source(%dma_start3A_38 : memref<8x128xi32, #tpu.memory_space<hbm>>) target(%dma_start3A_36 : memref<8x128xi32, #tpu.memory_space<vmem>>) target_semaphore(%arg13 : memref<!tpu.dma_semaphore, #tpu.memory_space<semaphore_mem>>)
    %dma_start3A_39 = arith.constant 0 : i32
    %dma_start3A_40 = arith.constant 0 : i32
    %dma_start3A_41 = arith.constant 0 : i32
    %dma_start3A_42 = tpu.memref_slice %arg8[%dma_start3A_39, %dma_start3A_40, %dma_start3A_41] : memref<2x8x128xi32, #tpu.memory_space<vmem>> -> memref<1x8x128xi32, #tpu.memory_space<vmem>>
    %dma_start3A_43 = tpu.memref_squeeze %dma_start3A_42 : memref<1x8x128xi32, #tpu.memory_space<vmem>> -> memref<8x128xi32, #tpu.memory_space<vmem>>
    %dma_start3A_44 = arith.constant 0 : i32
    %dma_start3A_45 = tpu.memref_slice %arg3[%add3A, %dma_start3A_44] : memref<2560x128xi32, #tpu.memory_space<hbm>> -> memref<8x128xi32, #tpu.memory_space<hbm>>
    %dma_start3A_46 = arith.constant 0 : i32
    %dma_start3A_47 = arith.constant 0 : i32
    %dma_start3A_48 = tpu.memref_slice %arg8[%dma_start3A_39, %dma_start3A_46, %dma_start3A_47] : memref<2x8x128xi32, #tpu.memory_space<vmem>> -> memref<1x8x128xi32, #tpu.memory_space<vmem>>
    %dma_start3A_49 = tpu.memref_squeeze %dma_start3A_48 : memref<1x8x128xi32, #tpu.memory_space<vmem>> -> memref<8x128xi32, #tpu.memory_space<vmem>>
    %dma_start3A_50 = arith.constant 0 : i32
    %dma_start3A_51 = tpu.memref_slice %arg3[%add3A, %dma_start3A_50] : memref<2560x128xi32, #tpu.memory_space<hbm>> -> memref<8x128xi32, #tpu.memory_space<hbm>>
    tpu.enqueue_dma source(%dma_start3A_51 : memref<8x128xi32, #tpu.memory_space<hbm>>) target(%dma_start3A_49 : memref<8x128xi32, #tpu.memory_space<vmem>>) target_semaphore(%arg13 : memref<!tpu.dma_semaphore, #tpu.memory_space<semaphore_mem>>)
    %barrier3A = arith.constant 0 : index
    tpu.barrier barrier_id(%barrier3A)
    %while3A = arith.constant 0 : i32
    %while3A_52 = arith.constant 0 : i32
    %while3A_53 = arith.subi %select_n3A_22, %while3A_52 : i32
    %while3A_54 = arith.addi %while3A_52, %while3A_53 : i32
    %while3A_55 = arith.constant 1 : i32
    %while3A_56 = arith.divsi %while3A_53, %while3A_55 : i32
    %while3A_57 = arith.muli %while3A_56, %while3A_55 : i32
    %while3A_58 = arith.addi %while3A_52, %while3A_57 : i32
    %while3A_59 = arith.constant 1 : i32
    scf.for %while3A_96 = %while3A_52 to %while3A_58 step %while3A_59  : i32 {
      %rem3A_97 = arith.constant 2 : i32
      %rem3A_98 = arith.remsi %while3A_96, %rem3A_97 : i32
      %mul3A_99 = arith.constant 8 : i32
      %mul3A_100 = arith.muli %while3A_96, %mul3A_99 : i32
      %add3A_101 = arith.addi %add3A, %mul3A_100 : i32
      %dma_wait3A_102 = arith.constant 0 : i32
      %dma_wait3A_103 = arith.constant 0 : i32
      %dma_wait3A_104 = tpu.memref_slice %arg7[%rem3A_98, %dma_wait3A_102, %dma_wait3A_103] : memref<2x8x128xi32, #tpu.memory_space<vmem>> -> memref<1x8x128xi32, #tpu.memory_space<vmem>>
      %dma_wait3A_105 = tpu.memref_squeeze %dma_wait3A_104 : memref<1x8x128xi32, #tpu.memory_space<vmem>> -> memref<8x128xi32, #tpu.memory_space<vmem>>
      %dma_wait3A_106 = arith.constant 0 : i32
      %dma_wait3A_107 = tpu.memref_slice %arg2[%add3A_101, %dma_wait3A_106] : memref<2560x128xi32, #tpu.memory_space<hbm>> -> memref<8x128xi32, #tpu.memory_space<hbm>>
      %dma_wait3A_108 = arith.constant 0 : i32
      %dma_wait3A_109 = arith.constant 0 : i32
      %dma_wait3A_110 = tpu.memref_slice %arg7[%rem3A_98, %dma_wait3A_108, %dma_wait3A_109] : memref<2x8x128xi32, #tpu.memory_space<vmem>> -> memref<1x8x128xi32, #tpu.memory_space<vmem>>
      %dma_wait3A_111 = tpu.memref_squeeze %dma_wait3A_110 : memref<1x8x128xi32, #tpu.memory_space<vmem>> -> memref<8x128xi32, #tpu.memory_space<vmem>>
      %dma_wait3A_112 = arith.constant 0 : i32
      %dma_wait3A_113 = tpu.memref_slice %arg2[%add3A_101, %dma_wait3A_112] : memref<2560x128xi32, #tpu.memory_space<hbm>> -> memref<8x128xi32, #tpu.memory_space<hbm>>
      tpu.wait_dma2 semaphore(%arg13 : memref<!tpu.dma_semaphore, #tpu.memory_space<semaphore_mem>>) src(%dma_wait3A_113 : memref<8x128xi32, #tpu.memory_space<hbm>>) dst(%dma_wait3A_111 : memref<8x128xi32, #tpu.memory_space<vmem>>)
      %dma_wait3A_114 = arith.constant 0 : i32
      %dma_wait3A_115 = arith.constant 0 : i32
      %dma_wait3A_116 = tpu.memref_slice %arg8[%rem3A_98, %dma_wait3A_114, %dma_wait3A_115] : memref<2x8x128xi32, #tpu.memory_space<vmem>> -> memref<1x8x128xi32, #tpu.memory_space<vmem>>
      %dma_wait3A_117 = tpu.memref_squeeze %dma_wait3A_116 : memref<1x8x128xi32, #tpu.memory_space<vmem>> -> memref<8x128xi32, #tpu.memory_space<vmem>>
      %dma_wait3A_118 = arith.constant 0 : i32
      %dma_wait3A_119 = tpu.memref_slice %arg3[%add3A_101, %dma_wait3A_118] : memref<2560x128xi32, #tpu.memory_space<hbm>> -> memref<8x128xi32, #tpu.memory_space<hbm>>
      %dma_wait3A_120 = arith.constant 0 : i32
      %dma_wait3A_121 = arith.constant 0 : i32
      %dma_wait3A_122 = tpu.memref_slice %arg8[%rem3A_98, %dma_wait3A_120, %dma_wait3A_121] : memref<2x8x128xi32, #tpu.memory_space<vmem>> -> memref<1x8x128xi32, #tpu.memory_space<vmem>>
      %dma_wait3A_123 = tpu.memref_squeeze %dma_wait3A_122 : memref<1x8x128xi32, #tpu.memory_space<vmem>> -> memref<8x128xi32, #tpu.memory_space<vmem>>
      %dma_wait3A_124 = arith.constant 0 : i32
      %dma_wait3A_125 = tpu.memref_slice %arg3[%add3A_101, %dma_wait3A_124] : memref<2560x128xi32, #tpu.memory_space<hbm>> -> memref<8x128xi32, #tpu.memory_space<hbm>>
      tpu.wait_dma2 semaphore(%arg13 : memref<!tpu.dma_semaphore, #tpu.memory_space<semaphore_mem>>) src(%dma_wait3A_125 : memref<8x128xi32, #tpu.memory_space<hbm>>) dst(%dma_wait3A_123 : memref<8x128xi32, #tpu.memory_space<vmem>>)
      %add3A_126 = arith.constant 1 : i32
      %add3A_127 = arith.addi %while3A_96, %add3A_126 : i32
      %sub3A_128 = arith.constant 1 : i32
      %sub3A_129 = arith.subi %select_n3A_22, %sub3A_128 : i32
      %min3A = arith.minsi %add3A_127, %sub3A_129 : i32
      %mul3A_130 = arith.constant 8 : i32
      %mul3A_131 = arith.muli %min3A, %mul3A_130 : i32
      %add3A_132 = arith.addi %add3A, %mul3A_131 : i32
      %sub3A_133 = arith.constant 1 : i32
      %sub3A_134 = arith.subi %sub3A_133, %rem3A_98 : i32
      %dma_start3A_135 = arith.constant 0 : i32
      %dma_start3A_136 = arith.constant 0 : i32
      %dma_start3A_137 = tpu.memref_slice %arg7[%sub3A_134, %dma_start3A_135, %dma_start3A_136] : memref<2x8x128xi32, #tpu.memory_space<vmem>> -> memref<1x8x128xi32, #tpu.memory_space<vmem>>
      %dma_start3A_138 = tpu.memref_squeeze %dma_start3A_137 : memref<1x8x128xi32, #tpu.memory_space<vmem>> -> memref<8x128xi32, #tpu.memory_space<vmem>>
      %dma_start3A_139 = arith.constant 0 : i32
      %dma_start3A_140 = tpu.memref_slice %arg2[%add3A_132, %dma_start3A_139] : memref<2560x128xi32, #tpu.memory_space<hbm>> -> memref<8x128xi32, #tpu.memory_space<hbm>>
      %dma_start3A_141 = arith.constant 0 : i32
      %dma_start3A_142 = arith.constant 0 : i32
      %dma_start3A_143 = tpu.memref_slice %arg7[%sub3A_134, %dma_start3A_141, %dma_start3A_142] : memref<2x8x128xi32, #tpu.memory_space<vmem>> -> memref<1x8x128xi32, #tpu.memory_space<vmem>>
      %dma_start3A_144 = tpu.memref_squeeze %dma_start3A_143 : memref<1x8x128xi32, #tpu.memory_space<vmem>> -> memref<8x128xi32, #tpu.memory_space<vmem>>
      %dma_start3A_145 = arith.constant 0 : i32
      %dma_start3A_146 = tpu.memref_slice %arg2[%add3A_132, %dma_start3A_145] : memref<2560x128xi32, #tpu.memory_space<hbm>> -> memref<8x128xi32, #tpu.memory_space<hbm>>
      tpu.enqueue_dma source(%dma_start3A_146 : memref<8x128xi32, #tpu.memory_space<hbm>>) target(%dma_start3A_144 : memref<8x128xi32, #tpu.memory_space<vmem>>) target_semaphore(%arg13 : memref<!tpu.dma_semaphore, #tpu.memory_space<semaphore_mem>>)
      %sub3A_147 = arith.constant 1 : i32
      %sub3A_148 = arith.subi %sub3A_147, %rem3A_98 : i32
      %dma_start3A_149 = arith.constant 0 : i32
      %dma_start3A_150 = arith.constant 0 : i32
      %dma_start3A_151 = tpu.memref_slice %arg8[%sub3A_148, %dma_start3A_149, %dma_start3A_150] : memref<2x8x128xi32, #tpu.memory_space<vmem>> -> memref<1x8x128xi32, #tpu.memory_space<vmem>>
      %dma_start3A_152 = tpu.memref_squeeze %dma_start3A_151 : memref<1x8x128xi32, #tpu.memory_space<vmem>> -> memref<8x128xi32, #tpu.memory_space<vmem>>
      %dma_start3A_153 = arith.constant 0 : i32
      %dma_start3A_154 = tpu.memref_slice %arg3[%add3A_132, %dma_start3A_153] : memref<2560x128xi32, #tpu.memory_space<hbm>> -> memref<8x128xi32, #tpu.memory_space<hbm>>
      %dma_start3A_155 = arith.constant 0 : i32
      %dma_start3A_156 = arith.constant 0 : i32
      %dma_start3A_157 = tpu.memref_slice %arg8[%sub3A_148, %dma_start3A_155, %dma_start3A_156] : memref<2x8x128xi32, #tpu.memory_space<vmem>> -> memref<1x8x128xi32, #tpu.memory_space<vmem>>
      %dma_start3A_158 = tpu.memref_squeeze %dma_start3A_157 : memref<1x8x128xi32, #tpu.memory_space<vmem>> -> memref<8x128xi32, #tpu.memory_space<vmem>>
      %dma_start3A_159 = arith.constant 0 : i32
      %dma_start3A_160 = tpu.memref_slice %arg3[%add3A_132, %dma_start3A_159] : memref<2560x128xi32, #tpu.memory_space<hbm>> -> memref<8x128xi32, #tpu.memory_space<hbm>>
      tpu.enqueue_dma source(%dma_start3A_160 : memref<8x128xi32, #tpu.memory_space<hbm>>) target(%dma_start3A_158 : memref<8x128xi32, #tpu.memory_space<vmem>>) target_semaphore(%arg13 : memref<!tpu.dma_semaphore, #tpu.memory_space<semaphore_mem>>)
      %dma_start3A_161 = arith.constant 0 : i32
      %dma_start3A_162 = arith.constant 0 : i32
      %dma_start3A_163 = arith.constant 0 : i32
      %dma_start3A_164 = arith.constant 0 : i32
      %dma_start3A_165 = tpu.memref_slice %arg9[%dma_start3A_162, %dma_start3A_163, %dma_start3A_164] : memref<2x128x128xf32, #tpu.memory_space<vmem>> -> memref<1x128x128xf32, #tpu.memory_space<vmem>>
      %dma_start3A_166 = tpu.memref_squeeze %dma_start3A_165 : memref<1x128x128xf32, #tpu.memory_space<vmem>> -> memref<128x128xf32, #tpu.memory_space<vmem>>
      %dma_start3A_167 = arith.constant 0 : i32
      %dma_start3A_168 = arith.constant 0 : i32
      %dma_start3A_169 = tpu.memref_slice %arg7[%rem3A_98, %dma_start3A_167, %dma_start3A_168] : memref<2x8x128xi32, #tpu.memory_space<vmem>> -> memref<1x8x128xi32, #tpu.memory_space<vmem>>
      %dma_start3A_170 = tpu.memref_squeeze %dma_start3A_169 : memref<1x8x128xi32, #tpu.memory_space<vmem>> -> memref<8x128xi32, #tpu.memory_space<vmem>>
      %dma_start3A_171 = arith.constant 0 : i32
      %dma_start3A_172 = tpu.memref_slice %dma_start3A_170[%dma_start3A_161, %dma_start3A_171] : memref<8x128xi32, #tpu.memory_space<vmem>> -> memref<1x128xi32, #tpu.memory_space<vmem>>
      %dma_start3A_173 = tpu.memref_squeeze %dma_start3A_172 : memref<1x128xi32, #tpu.memory_space<vmem>> -> memref<128xi32, #tpu.memory_space<vmem>>
      %dma_start3A_174 = arith.constant 0 : i32
      %dma_start3A_175 = arith.constant 0 : i32
      %dma_start3A_176 = tpu.memref_slice %arg4[%dma_start3A_174, %dma_start3A_175] : memref<10240x128xf32, #tpu.memory_space<hbm>> -> memref<10240x128xf32, #tpu.memory_space<hbm>>
      tpu.enqueue_indirect_dma source(%dma_start3A_176 : memref<10240x128xf32, #tpu.memory_space<hbm>>) target(%dma_start3A_166 : memref<128x128xf32, #tpu.memory_space<vmem>>) offsets(%dma_start3A_173 : memref<128xi32, #tpu.memory_space<vmem>>) semaphore(%arg11 : memref<!tpu.dma_semaphore, #tpu.memory_space<semaphore_mem>>)
      %dma_start3A_177 = arith.constant 1 : i32
      %dma_start3A_178 = arith.constant 1 : i32
      %dma_start3A_179 = arith.constant 0 : i32
      %dma_start3A_180 = arith.constant 0 : i32
      %dma_start3A_181 = tpu.memref_slice %arg9[%dma_start3A_178, %dma_start3A_179, %dma_start3A_180] : memref<2x128x128xf32, #tpu.memory_space<vmem>> -> memref<1x128x128xf32, #tpu.memory_space<vmem>>
      %dma_start3A_182 = tpu.memref_squeeze %dma_start3A_181 : memref<1x128x128xf32, #tpu.memory_space<vmem>> -> memref<128x128xf32, #tpu.memory_space<vmem>>
      %dma_start3A_183 = arith.constant 0 : i32
      %dma_start3A_184 = arith.constant 0 : i32
      %dma_start3A_185 = tpu.memref_slice %arg7[%rem3A_98, %dma_start3A_183, %dma_start3A_184] : memref<2x8x128xi32, #tpu.memory_space<vmem>> -> memref<1x8x128xi32, #tpu.memory_space<vmem>>
      %dma_start3A_186 = tpu.memref_squeeze %dma_start3A_185 : memref<1x8x128xi32, #tpu.memory_space<vmem>> -> memref<8x128xi32, #tpu.memory_space<vmem>>
      %dma_start3A_187 = arith.constant 0 : i32
      %dma_start3A_188 = tpu.memref_slice %dma_start3A_186[%dma_start3A_177, %dma_start3A_187] : memref<8x128xi32, #tpu.memory_space<vmem>> -> memref<1x128xi32, #tpu.memory_space<vmem>>
      %dma_start3A_189 = tpu.memref_squeeze %dma_start3A_188 : memref<1x128xi32, #tpu.memory_space<vmem>> -> memref<128xi32, #tpu.memory_space<vmem>>
      %dma_start3A_190 = arith.constant 0 : i32
      %dma_start3A_191 = arith.constant 0 : i32
      %dma_start3A_192 = tpu.memref_slice %arg4[%dma_start3A_190, %dma_start3A_191] : memref<10240x128xf32, #tpu.memory_space<hbm>> -> memref<10240x128xf32, #tpu.memory_space<hbm>>
      tpu.enqueue_indirect_dma source(%dma_start3A_192 : memref<10240x128xf32, #tpu.memory_space<hbm>>) target(%dma_start3A_182 : memref<128x128xf32, #tpu.memory_space<vmem>>) offsets(%dma_start3A_189 : memref<128xi32, #tpu.memory_space<vmem>>) semaphore(%arg12 : memref<!tpu.dma_semaphore, #tpu.memory_space<semaphore_mem>>)
      %dma_wait3A_193 = arith.constant 0 : i32
      %dma_wait3A_194 = arith.constant 0 : i32
      %dma_wait3A_195 = arith.constant 0 : i32
      %dma_wait3A_196 = arith.constant 0 : i32
      %dma_wait3A_197 = tpu.memref_slice %arg9[%dma_wait3A_194, %dma_wait3A_195, %dma_wait3A_196] : memref<2x128x128xf32, #tpu.memory_space<vmem>> -> memref<1x128x128xf32, #tpu.memory_space<vmem>>
      %dma_wait3A_198 = tpu.memref_squeeze %dma_wait3A_197 : memref<1x128x128xf32, #tpu.memory_space<vmem>> -> memref<128x128xf32, #tpu.memory_space<vmem>>
      %dma_wait3A_199 = arith.constant 0 : i32
      %dma_wait3A_200 = arith.constant 0 : i32
      %dma_wait3A_201 = tpu.memref_slice %arg7[%rem3A_98, %dma_wait3A_199, %dma_wait3A_200] : memref<2x8x128xi32, #tpu.memory_space<vmem>> -> memref<1x8x128xi32, #tpu.memory_space<vmem>>
      %dma_wait3A_202 = tpu.memref_squeeze %dma_wait3A_201 : memref<1x8x128xi32, #tpu.memory_space<vmem>> -> memref<8x128xi32, #tpu.memory_space<vmem>>
      %dma_wait3A_203 = arith.constant 0 : i32
      %dma_wait3A_204 = tpu.memref_slice %dma_wait3A_202[%dma_wait3A_193, %dma_wait3A_203] : memref<8x128xi32, #tpu.memory_space<vmem>> -> memref<1x128xi32, #tpu.memory_space<vmem>>
      %dma_wait3A_205 = tpu.memref_squeeze %dma_wait3A_204 : memref<1x128xi32, #tpu.memory_space<vmem>> -> memref<128xi32, #tpu.memory_space<vmem>>
      %dma_wait3A_206 = arith.constant 0 : i32
      %dma_wait3A_207 = arith.constant 0 : i32
      %dma_wait3A_208 = tpu.memref_slice %arg4[%dma_wait3A_206, %dma_wait3A_207] : memref<10240x128xf32, #tpu.memory_space<hbm>> -> memref<10240x128xf32, #tpu.memory_space<hbm>>
      tpu.wait_indirect_dma semaphore(%arg11 : memref<!tpu.dma_semaphore, #tpu.memory_space<semaphore_mem>>) src(%dma_wait3A_208 : memref<10240x128xf32, #tpu.memory_space<hbm>>) dst(%dma_wait3A_198 : memref<128x128xf32, #tpu.memory_space<vmem>>)
      %run_scoped3A = arith.constant 0 : i32
      %run_scoped3A_209 = arith.constant 0 : i32
      "tpu.region"() ({
        %run_scoped3A_432 = tpu.sem_alloc : memref<!tpu.dma_semaphore, #tpu.memory_space<semaphore_mem>>
        %dma_start3A_433 = arith.constant 0 : i32
        %dma_start3A_434 = arith.constant 0 : i32
        %dma_start3A_435 = tpu.memref_slice %arg9[%run_scoped3A, %dma_start3A_433, %dma_start3A_434] : memref<2x128x128xf32, #tpu.memory_space<vmem>> -> memref<1x128x128xf32, #tpu.memory_space<vmem>>
        %dma_start3A_436 = tpu.memref_squeeze %dma_start3A_435 : memref<1x128x128xf32, #tpu.memory_space<vmem>> -> memref<128x128xf32, #tpu.memory_space<vmem>>
        %dma_start3A_437 = arith.constant 0 : i32
        %dma_start3A_438 = arith.constant 0 : i32
        %dma_start3A_439 = tpu.memref_slice %arg8[%rem3A_98, %dma_start3A_437, %dma_start3A_438] : memref<2x8x128xi32, #tpu.memory_space<vmem>> -> memref<1x8x128xi32, #tpu.memory_space<vmem>>
        %dma_start3A_440 = tpu.memref_squeeze %dma_start3A_439 : memref<1x8x128xi32, #tpu.memory_space<vmem>> -> memref<8x128xi32, #tpu.memory_space<vmem>>
        %dma_start3A_441 = arith.constant 0 : i32
        %dma_start3A_442 = tpu.memref_slice %dma_start3A_440[%run_scoped3A_209, %dma_start3A_441] : memref<8x128xi32, #tpu.memory_space<vmem>> -> memref<1x128xi32, #tpu.memory_space<vmem>>
        %dma_start3A_443 = tpu.memref_squeeze %dma_start3A_442 : memref<1x128xi32, #tpu.memory_space<vmem>> -> memref<128xi32, #tpu.memory_space<vmem>>
        %dma_start3A_444 = arith.constant 0 : i32
        %dma_start3A_445 = arith.constant 0 : i32
        %dma_start3A_446 = tpu.memref_slice %arg10[%dma_start3A_444, %dma_start3A_445] : memref<10240x128xf32, #tpu.memory_space<vmem_shared>> -> memref<10240x128xf32, #tpu.memory_space<vmem_shared>>
        tpu.enqueue_indirect_dma source(%dma_start3A_436 : memref<128x128xf32, #tpu.memory_space<vmem>>) target(%dma_start3A_446 : memref<10240x128xf32, #tpu.memory_space<vmem_shared>>) offsets(%dma_start3A_443 : memref<128xi32, #tpu.memory_space<vmem>>) semaphore(%run_scoped3A_432 : memref<!tpu.dma_semaphore, #tpu.memory_space<semaphore_mem>>) {add = true}
        %dma_wait3A_447 = arith.constant 0 : i32
        %dma_wait3A_448 = arith.constant 0 : i32
        %dma_wait3A_449 = tpu.memref_slice %arg9[%run_scoped3A, %dma_wait3A_447, %dma_wait3A_448] : memref<2x128x128xf32, #tpu.memory_space<vmem>> -> memref<1x128x128xf32, #tpu.memory_space<vmem>>
        %dma_wait3A_450 = tpu.memref_squeeze %dma_wait3A_449 : memref<1x128x128xf32, #tpu.memory_space<vmem>> -> memref<128x128xf32, #tpu.memory_space<vmem>>
        %dma_wait3A_451 = arith.constant 0 : i32
        %dma_wait3A_452 = arith.constant 0 : i32
        %dma_wait3A_453 = tpu.memref_slice %arg8[%rem3A_98, %dma_wait3A_451, %dma_wait3A_452] : memref<2x8x128xi32, #tpu.memory_space<vmem>> -> memref<1x8x128xi32, #tpu.memory_space<vmem>>
        %dma_wait3A_454 = tpu.memref_squeeze %dma_wait3A_453 : memref<1x8x128xi32, #tpu.memory_space<vmem>> -> memref<8x128xi32, #tpu.memory_space<vmem>>
        %dma_wait3A_455 = arith.constant 0 : i32
        %dma_wait3A_456 = tpu.memref_slice %dma_wait3A_454[%run_scoped3A_209, %dma_wait3A_455] : memref<8x128xi32, #tpu.memory_space<vmem>> -> memref<1x128xi32, #tpu.memory_space<vmem>>
        %dma_wait3A_457 = tpu.memref_squeeze %dma_wait3A_456 : memref<1x128xi32, #tpu.memory_space<vmem>> -> memref<128xi32, #tpu.memory_space<vmem>>
        %dma_wait3A_458 = arith.constant 0 : i32
        %dma_wait3A_459 = arith.constant 0 : i32
        %dma_wait3A_460 = tpu.memref_slice %arg10[%dma_wait3A_458, %dma_wait3A_459] : memref<10240x128xf32, #tpu.memory_space<vmem_shared>> -> memref<10240x128xf32, #tpu.memory_space<vmem_shared>>
        tpu.wait_indirect_dma semaphore(%run_scoped3A_432 : memref<!tpu.dma_semaphore, #tpu.memory_space<semaphore_mem>>) src(%dma_wait3A_450 : memref<128x128xf32, #tpu.memory_space<vmem>>) dst(%dma_wait3A_460 : memref<10240x128xf32, #tpu.memory_space<vmem_shared>>)
        tpu.yield
      }) : () -> ()
      %dma_start3A_210 = arith.constant 2 : i32
      %dma_start3A_211 = arith.constant 0 : i32
      %dma_start3A_212 = arith.constant 0 : i32
      %dma_start3A_213 = arith.constant 0 : i32
      %dma_start3A_214 = tpu.memref_slice %arg9[%dma_start3A_211, %dma_start3A_212, %dma_start3A_213] : memref<2x128x128xf32, #tpu.memory_space<vmem>> -> memref<1x128x128xf32, #tpu.memory_space<vmem>>
      %dma_start3A_215 = tpu.memref_squeeze %dma_start3A_214 : memref<1x128x128xf32, #tpu.memory_space<vmem>> -> memref<128x128xf32, #tpu.memory_space<vmem>>
      %dma_start3A_216 = arith.constant 0 : i32
      %dma_start3A_217 = arith.constant 0 : i32
      %dma_start3A_218 = tpu.memref_slice %arg7[%rem3A_98, %dma_start3A_216, %dma_start3A_217] : memref<2x8x128xi32, #tpu.memory_space<vmem>> -> memref<1x8x128xi32, #tpu.memory_space<vmem>>
      %dma_start3A_219 = tpu.memref_squeeze %dma_start3A_218 : memref<1x8x128xi32, #tpu.memory_space<vmem>> -> memref<8x128xi32, #tpu.memory_space<vmem>>
      %dma_start3A_220 = arith.constant 0 : i32
      %dma_start3A_221 = tpu.memref_slice %dma_start3A_219[%dma_start3A_210, %dma_start3A_220] : memref<8x128xi32, #tpu.memory_space<vmem>> -> memref<1x128xi32, #tpu.memory_space<vmem>>
      %dma_start3A_222 = tpu.memref_squeeze %dma_start3A_221 : memref<1x128xi32, #tpu.memory_space<vmem>> -> memref<128xi32, #tpu.memory_space<vmem>>
      %dma_start3A_223 = arith.constant 0 : i32
      %dma_start3A_224 = arith.constant 0 : i32
      %dma_start3A_225 = tpu.memref_slice %arg4[%dma_start3A_223, %dma_start3A_224] : memref<10240x128xf32, #tpu.memory_space<hbm>> -> memref<10240x128xf32, #tpu.memory_space<hbm>>
      tpu.enqueue_indirect_dma source(%dma_start3A_225 : memref<10240x128xf32, #tpu.memory_space<hbm>>) target(%dma_start3A_215 : memref<128x128xf32, #tpu.memory_space<vmem>>) offsets(%dma_start3A_222 : memref<128xi32, #tpu.memory_space<vmem>>) semaphore(%arg11 : memref<!tpu.dma_semaphore, #tpu.memory_space<semaphore_mem>>)
      %dma_wait3A_226 = arith.constant 1 : i32
      %dma_wait3A_227 = arith.constant 1 : i32
      %dma_wait3A_228 = arith.constant 0 : i32
      %dma_wait3A_229 = arith.constant 0 : i32
      %dma_wait3A_230 = tpu.memref_slice %arg9[%dma_wait3A_227, %dma_wait3A_228, %dma_wait3A_229] : memref<2x128x128xf32, #tpu.memory_space<vmem>> -> memref<1x128x128xf32, #tpu.memory_space<vmem>>
      %dma_wait3A_231 = tpu.memref_squeeze %dma_wait3A_230 : memref<1x128x128xf32, #tpu.memory_space<vmem>> -> memref<128x128xf32, #tpu.memory_space<vmem>>
      %dma_wait3A_232 = arith.constant 0 : i32
      %dma_wait3A_233 = arith.constant 0 : i32
      %dma_wait3A_234 = tpu.memref_slice %arg7[%rem3A_98, %dma_wait3A_232, %dma_wait3A_233] : memref<2x8x128xi32, #tpu.memory_space<vmem>> -> memref<1x8x128xi32, #tpu.memory_space<vmem>>
      %dma_wait3A_235 = tpu.memref_squeeze %dma_wait3A_234 : memref<1x8x128xi32, #tpu.memory_space<vmem>> -> memref<8x128xi32, #tpu.memory_space<vmem>>
      %dma_wait3A_236 = arith.constant 0 : i32
      %dma_wait3A_237 = tpu.memref_slice %dma_wait3A_235[%dma_wait3A_226, %dma_wait3A_236] : memref<8x128xi32, #tpu.memory_space<vmem>> -> memref<1x128xi32, #tpu.memory_space<vmem>>
      %dma_wait3A_238 = tpu.memref_squeeze %dma_wait3A_237 : memref<1x128xi32, #tpu.memory_space<vmem>> -> memref<128xi32, #tpu.memory_space<vmem>>
      %dma_wait3A_239 = arith.constant 0 : i32
      %dma_wait3A_240 = arith.constant 0 : i32
      %dma_wait3A_241 = tpu.memref_slice %arg4[%dma_wait3A_239, %dma_wait3A_240] : memref<10240x128xf32, #tpu.memory_space<hbm>> -> memref<10240x128xf32, #tpu.memory_space<hbm>>
      tpu.wait_indirect_dma semaphore(%arg12 : memref<!tpu.dma_semaphore, #tpu.memory_space<semaphore_mem>>) src(%dma_wait3A_241 : memref<10240x128xf32, #tpu.memory_space<hbm>>) dst(%dma_wait3A_231 : memref<128x128xf32, #tpu.memory_space<vmem>>)
      %run_scoped3A_242 = arith.constant 1 : i32
      %run_scoped3A_243 = arith.constant 1 : i32
      "tpu.region"() ({
        %run_scoped3A_432 = tpu.sem_alloc : memref<!tpu.dma_semaphore, #tpu.memory_space<semaphore_mem>>
        %dma_start3A_433 = arith.constant 0 : i32
        %dma_start3A_434 = arith.constant 0 : i32
        %dma_start3A_435 = tpu.memref_slice %arg9[%run_scoped3A_242, %dma_start3A_433, %dma_start3A_434] : memref<2x128x128xf32, #tpu.memory_space<vmem>> -> memref<1x128x128xf32, #tpu.memory_space<vmem>>
        %dma_start3A_436 = tpu.memref_squeeze %dma_start3A_435 : memref<1x128x128xf32, #tpu.memory_space<vmem>> -> memref<128x128xf32, #tpu.memory_space<vmem>>
        %dma_start3A_437 = arith.constant 0 : i32
        %dma_start3A_438 = arith.constant 0 : i32
        %dma_start3A_439 = tpu.memref_slice %arg8[%rem3A_98, %dma_start3A_437, %dma_start3A_438] : memref<2x8x128xi32, #tpu.memory_space<vmem>> -> memref<1x8x128xi32, #tpu.memory_space<vmem>>
        %dma_start3A_440 = tpu.memref_squeeze %dma_start3A_439 : memref<1x8x128xi32, #tpu.memory_space<vmem>> -> memref<8x128xi32, #tpu.memory_space<vmem>>
        %dma_start3A_441 = arith.constant 0 : i32
        %dma_start3A_442 = tpu.memref_slice %dma_start3A_440[%run_scoped3A_243, %dma_start3A_441] : memref<8x128xi32, #tpu.memory_space<vmem>> -> memref<1x128xi32, #tpu.memory_space<vmem>>
        %dma_start3A_443 = tpu.memref_squeeze %dma_start3A_442 : memref<1x128xi32, #tpu.memory_space<vmem>> -> memref<128xi32, #tpu.memory_space<vmem>>
        %dma_start3A_444 = arith.constant 0 : i32
        %dma_start3A_445 = arith.constant 0 : i32
        %dma_start3A_446 = tpu.memref_slice %arg10[%dma_start3A_444, %dma_start3A_445] : memref<10240x128xf32, #tpu.memory_space<vmem_shared>> -> memref<10240x128xf32, #tpu.memory_space<vmem_shared>>
        tpu.enqueue_indirect_dma source(%dma_start3A_436 : memref<128x128xf32, #tpu.memory_space<vmem>>) target(%dma_start3A_446 : memref<10240x128xf32, #tpu.memory_space<vmem_shared>>) offsets(%dma_start3A_443 : memref<128xi32, #tpu.memory_space<vmem>>) semaphore(%run_scoped3A_432 : memref<!tpu.dma_semaphore, #tpu.memory_space<semaphore_mem>>) {add = true}
        %dma_wait3A_447 = arith.constant 0 : i32
        %dma_wait3A_448 = arith.constant 0 : i32
        %dma_wait3A_449 = tpu.memref_slice %arg9[%run_scoped3A_242, %dma_wait3A_447, %dma_wait3A_448] : memref<2x128x128xf32, #tpu.memory_space<vmem>> -> memref<1x128x128xf32, #tpu.memory_space<vmem>>
        %dma_wait3A_450 = tpu.memref_squeeze %dma_wait3A_449 : memref<1x128x128xf32, #tpu.memory_space<vmem>> -> memref<128x128xf32, #tpu.memory_space<vmem>>
        %dma_wait3A_451 = arith.constant 0 : i32
        %dma_wait3A_452 = arith.constant 0 : i32
        %dma_wait3A_453 = tpu.memref_slice %arg8[%rem3A_98, %dma_wait3A_451, %dma_wait3A_452] : memref<2x8x128xi32, #tpu.memory_space<vmem>> -> memref<1x8x128xi32, #tpu.memory_space<vmem>>
        %dma_wait3A_454 = tpu.memref_squeeze %dma_wait3A_453 : memref<1x8x128xi32, #tpu.memory_space<vmem>> -> memref<8x128xi32, #tpu.memory_space<vmem>>
        %dma_wait3A_455 = arith.constant 0 : i32
        %dma_wait3A_456 = tpu.memref_slice %dma_wait3A_454[%run_scoped3A_243, %dma_wait3A_455] : memref<8x128xi32, #tpu.memory_space<vmem>> -> memref<1x128xi32, #tpu.memory_space<vmem>>
        %dma_wait3A_457 = tpu.memref_squeeze %dma_wait3A_456 : memref<1x128xi32, #tpu.memory_space<vmem>> -> memref<128xi32, #tpu.memory_space<vmem>>
        %dma_wait3A_458 = arith.constant 0 : i32
        %dma_wait3A_459 = arith.constant 0 : i32
        %dma_wait3A_460 = tpu.memref_slice %arg10[%dma_wait3A_458, %dma_wait3A_459] : memref<10240x128xf32, #tpu.memory_space<vmem_shared>> -> memref<10240x128xf32, #tpu.memory_space<vmem_shared>>
        tpu.wait_indirect_dma semaphore(%run_scoped3A_432 : memref<!tpu.dma_semaphore, #tpu.memory_space<semaphore_mem>>) src(%dma_wait3A_450 : memref<128x128xf32, #tpu.memory_space<vmem>>) dst(%dma_wait3A_460 : memref<10240x128xf32, #tpu.memory_space<vmem_shared>>)
        tpu.yield
      }) : () -> ()
      %dma_start3A_244 = arith.constant 3 : i32
      %dma_start3A_245 = arith.constant 1 : i32
      %dma_start3A_246 = arith.constant 0 : i32
      %dma_start3A_247 = arith.constant 0 : i32
      %dma_start3A_248 = tpu.memref_slice %arg9[%dma_start3A_245, %dma_start3A_246, %dma_start3A_247] : memref<2x128x128xf32, #tpu.memory_space<vmem>> -> memref<1x128x128xf32, #tpu.memory_space<vmem>>
      %dma_start3A_249 = tpu.memref_squeeze %dma_start3A_248 : memref<1x128x128xf32, #tpu.memory_space<vmem>> -> memref<128x128xf32, #tpu.memory_space<vmem>>
      %dma_start3A_250 = arith.constant 0 : i32
      %dma_start3A_251 = arith.constant 0 : i32
      %dma_start3A_252 = tpu.memref_slice %arg7[%rem3A_98, %dma_start3A_250, %dma_start3A_251] : memref<2x8x128xi32, #tpu.memory_space<vmem>> -> memref<1x8x128xi32, #tpu.memory_space<vmem>>
      %dma_start3A_253 = tpu.memref_squeeze %dma_start3A_252 : memref<1x8x128xi32, #tpu.memory_space<vmem>> -> memref<8x128xi32, #tpu.memory_space<vmem>>
      %dma_start3A_254 = arith.constant 0 : i32
      %dma_start3A_255 = tpu.memref_slice %dma_start3A_253[%dma_start3A_244, %dma_start3A_254] : memref<8x128xi32, #tpu.memory_space<vmem>> -> memref<1x128xi32, #tpu.memory_space<vmem>>
      %dma_start3A_256 = tpu.memref_squeeze %dma_start3A_255 : memref<1x128xi32, #tpu.memory_space<vmem>> -> memref<128xi32, #tpu.memory_space<vmem>>
      %dma_start3A_257 = arith.constant 0 : i32
      %dma_start3A_258 = arith.constant 0 : i32
      %dma_start3A_259 = tpu.memref_slice %arg4[%dma_start3A_257, %dma_start3A_258] : memref<10240x128xf32, #tpu.memory_space<hbm>> -> memref<10240x128xf32, #tpu.memory_space<hbm>>
      tpu.enqueue_indirect_dma source(%dma_start3A_259 : memref<10240x128xf32, #tpu.memory_space<hbm>>) target(%dma_start3A_249 : memref<128x128xf32, #tpu.memory_space<vmem>>) offsets(%dma_start3A_256 : memref<128xi32, #tpu.memory_space<vmem>>) semaphore(%arg12 : memref<!tpu.dma_semaphore, #tpu.memory_space<semaphore_mem>>)
      %dma_wait3A_260 = arith.constant 2 : i32
      %dma_wait3A_261 = arith.constant 0 : i32
      %dma_wait3A_262 = arith.constant 0 : i32
      %dma_wait3A_263 = arith.constant 0 : i32
      %dma_wait3A_264 = tpu.memref_slice %arg9[%dma_wait3A_261, %dma_wait3A_262, %dma_wait3A_263] : memref<2x128x128xf32, #tpu.memory_space<vmem>> -> memref<1x128x128xf32, #tpu.memory_space<vmem>>
      %dma_wait3A_265 = tpu.memref_squeeze %dma_wait3A_264 : memref<1x128x128xf32, #tpu.memory_space<vmem>> -> memref<128x128xf32, #tpu.memory_space<vmem>>
      %dma_wait3A_266 = arith.constant 0 : i32
      %dma_wait3A_267 = arith.constant 0 : i32
      %dma_wait3A_268 = tpu.memref_slice %arg7[%rem3A_98, %dma_wait3A_266, %dma_wait3A_267] : memref<2x8x128xi32, #tpu.memory_space<vmem>> -> memref<1x8x128xi32, #tpu.memory_space<vmem>>
      %dma_wait3A_269 = tpu.memref_squeeze %dma_wait3A_268 : memref<1x8x128xi32, #tpu.memory_space<vmem>> -> memref<8x128xi32, #tpu.memory_space<vmem>>
      %dma_wait3A_270 = arith.constant 0 : i32
      %dma_wait3A_271 = tpu.memref_slice %dma_wait3A_269[%dma_wait3A_260, %dma_wait3A_270] : memref<8x128xi32, #tpu.memory_space<vmem>> -> memref<1x128xi32, #tpu.memory_space<vmem>>
      %dma_wait3A_272 = tpu.memref_squeeze %dma_wait3A_271 : memref<1x128xi32, #tpu.memory_space<vmem>> -> memref<128xi32, #tpu.memory_space<vmem>>
      %dma_wait3A_273 = arith.constant 0 : i32
      %dma_wait3A_274 = arith.constant 0 : i32
      %dma_wait3A_275 = tpu.memref_slice %arg4[%dma_wait3A_273, %dma_wait3A_274] : memref<10240x128xf32, #tpu.memory_space<hbm>> -> memref<10240x128xf32, #tpu.memory_space<hbm>>
      tpu.wait_indirect_dma semaphore(%arg11 : memref<!tpu.dma_semaphore, #tpu.memory_space<semaphore_mem>>) src(%dma_wait3A_275 : memref<10240x128xf32, #tpu.memory_space<hbm>>) dst(%dma_wait3A_265 : memref<128x128xf32, #tpu.memory_space<vmem>>)
      %run_scoped3A_276 = arith.constant 0 : i32
      %run_scoped3A_277 = arith.constant 2 : i32
      "tpu.region"() ({
        %run_scoped3A_432 = tpu.sem_alloc : memref<!tpu.dma_semaphore, #tpu.memory_space<semaphore_mem>>
        %dma_start3A_433 = arith.constant 0 : i32
        %dma_start3A_434 = arith.constant 0 : i32
        %dma_start3A_435 = tpu.memref_slice %arg9[%run_scoped3A_276, %dma_start3A_433, %dma_start3A_434] : memref<2x128x128xf32, #tpu.memory_space<vmem>> -> memref<1x128x128xf32, #tpu.memory_space<vmem>>
        %dma_start3A_436 = tpu.memref_squeeze %dma_start3A_435 : memref<1x128x128xf32, #tpu.memory_space<vmem>> -> memref<128x128xf32, #tpu.memory_space<vmem>>
        %dma_start3A_437 = arith.constant 0 : i32
        %dma_start3A_438 = arith.constant 0 : i32
        %dma_start3A_439 = tpu.memref_slice %arg8[%rem3A_98, %dma_start3A_437, %dma_start3A_438] : memref<2x8x128xi32, #tpu.memory_space<vmem>> -> memref<1x8x128xi32, #tpu.memory_space<vmem>>
        %dma_start3A_440 = tpu.memref_squeeze %dma_start3A_439 : memref<1x8x128xi32, #tpu.memory_space<vmem>> -> memref<8x128xi32, #tpu.memory_space<vmem>>
        %dma_start3A_441 = arith.constant 0 : i32
        %dma_start3A_442 = tpu.memref_slice %dma_start3A_440[%run_scoped3A_277, %dma_start3A_441] : memref<8x128xi32, #tpu.memory_space<vmem>> -> memref<1x128xi32, #tpu.memory_space<vmem>>
        %dma_start3A_443 = tpu.memref_squeeze %dma_start3A_442 : memref<1x128xi32, #tpu.memory_space<vmem>> -> memref<128xi32, #tpu.memory_space<vmem>>
        %dma_start3A_444 = arith.constant 0 : i32
        %dma_start3A_445 = arith.constant 0 : i32
        %dma_start3A_446 = tpu.memref_slice %arg10[%dma_start3A_444, %dma_start3A_445] : memref<10240x128xf32, #tpu.memory_space<vmem_shared>> -> memref<10240x128xf32, #tpu.memory_space<vmem_shared>>
        tpu.enqueue_indirect_dma source(%dma_start3A_436 : memref<128x128xf32, #tpu.memory_space<vmem>>) target(%dma_start3A_446 : memref<10240x128xf32, #tpu.memory_space<vmem_shared>>) offsets(%dma_start3A_443 : memref<128xi32, #tpu.memory_space<vmem>>) semaphore(%run_scoped3A_432 : memref<!tpu.dma_semaphore, #tpu.memory_space<semaphore_mem>>) {add = true}
        %dma_wait3A_447 = arith.constant 0 : i32
        %dma_wait3A_448 = arith.constant 0 : i32
        %dma_wait3A_449 = tpu.memref_slice %arg9[%run_scoped3A_276, %dma_wait3A_447, %dma_wait3A_448] : memref<2x128x128xf32, #tpu.memory_space<vmem>> -> memref<1x128x128xf32, #tpu.memory_space<vmem>>
        %dma_wait3A_450 = tpu.memref_squeeze %dma_wait3A_449 : memref<1x128x128xf32, #tpu.memory_space<vmem>> -> memref<128x128xf32, #tpu.memory_space<vmem>>
        %dma_wait3A_451 = arith.constant 0 : i32
        %dma_wait3A_452 = arith.constant 0 : i32
        %dma_wait3A_453 = tpu.memref_slice %arg8[%rem3A_98, %dma_wait3A_451, %dma_wait3A_452] : memref<2x8x128xi32, #tpu.memory_space<vmem>> -> memref<1x8x128xi32, #tpu.memory_space<vmem>>
        %dma_wait3A_454 = tpu.memref_squeeze %dma_wait3A_453 : memref<1x8x128xi32, #tpu.memory_space<vmem>> -> memref<8x128xi32, #tpu.memory_space<vmem>>
        %dma_wait3A_455 = arith.constant 0 : i32
        %dma_wait3A_456 = tpu.memref_slice %dma_wait3A_454[%run_scoped3A_277, %dma_wait3A_455] : memref<8x128xi32, #tpu.memory_space<vmem>> -> memref<1x128xi32, #tpu.memory_space<vmem>>
        %dma_wait3A_457 = tpu.memref_squeeze %dma_wait3A_456 : memref<1x128xi32, #tpu.memory_space<vmem>> -> memref<128xi32, #tpu.memory_space<vmem>>
        %dma_wait3A_458 = arith.constant 0 : i32
        %dma_wait3A_459 = arith.constant 0 : i32
        %dma_wait3A_460 = tpu.memref_slice %arg10[%dma_wait3A_458, %dma_wait3A_459] : memref<10240x128xf32, #tpu.memory_space<vmem_shared>> -> memref<10240x128xf32, #tpu.memory_space<vmem_shared>>
        tpu.wait_indirect_dma semaphore(%run_scoped3A_432 : memref<!tpu.dma_semaphore, #tpu.memory_space<semaphore_mem>>) src(%dma_wait3A_450 : memref<128x128xf32, #tpu.memory_space<vmem>>) dst(%dma_wait3A_460 : memref<10240x128xf32, #tpu.memory_space<vmem_shared>>)
        tpu.yield
      }) : () -> ()
      %dma_start3A_278 = arith.constant 4 : i32
      %dma_start3A_279 = arith.constant 0 : i32
      %dma_start3A_280 = arith.constant 0 : i32
      %dma_start3A_281 = arith.constant 0 : i32
      %dma_start3A_282 = tpu.memref_slice %arg9[%dma_start3A_279, %dma_start3A_280, %dma_start3A_281] : memref<2x128x128xf32, #tpu.memory_space<vmem>> -> memref<1x128x128xf32, #tpu.memory_space<vmem>>
      %dma_start3A_283 = tpu.memref_squeeze %dma_start3A_282 : memref<1x128x128xf32, #tpu.memory_space<vmem>> -> memref<128x128xf32, #tpu.memory_space<vmem>>
      %dma_start3A_284 = arith.constant 0 : i32
      %dma_start3A_285 = arith.constant 0 : i32
      %dma_start3A_286 = tpu.memref_slice %arg7[%rem3A_98, %dma_start3A_284, %dma_start3A_285] : memref<2x8x128xi32, #tpu.memory_space<vmem>> -> memref<1x8x128xi32, #tpu.memory_space<vmem>>
      %dma_start3A_287 = tpu.memref_squeeze %dma_start3A_286 : memref<1x8x128xi32, #tpu.memory_space<vmem>> -> memref<8x128xi32, #tpu.memory_space<vmem>>
      %dma_start3A_288 = arith.constant 0 : i32
      %dma_start3A_289 = tpu.memref_slice %dma_start3A_287[%dma_start3A_278, %dma_start3A_288] : memref<8x128xi32, #tpu.memory_space<vmem>> -> memref<1x128xi32, #tpu.memory_space<vmem>>
      %dma_start3A_290 = tpu.memref_squeeze %dma_start3A_289 : memref<1x128xi32, #tpu.memory_space<vmem>> -> memref<128xi32, #tpu.memory_space<vmem>>
      %dma_start3A_291 = arith.constant 0 : i32
      %dma_start3A_292 = arith.constant 0 : i32
      %dma_start3A_293 = tpu.memref_slice %arg4[%dma_start3A_291, %dma_start3A_292] : memref<10240x128xf32, #tpu.memory_space<hbm>> -> memref<10240x128xf32, #tpu.memory_space<hbm>>
      tpu.enqueue_indirect_dma source(%dma_start3A_293 : memref<10240x128xf32, #tpu.memory_space<hbm>>) target(%dma_start3A_283 : memref<128x128xf32, #tpu.memory_space<vmem>>) offsets(%dma_start3A_290 : memref<128xi32, #tpu.memory_space<vmem>>) semaphore(%arg11 : memref<!tpu.dma_semaphore, #tpu.memory_space<semaphore_mem>>)
      %dma_wait3A_294 = arith.constant 3 : i32
      %dma_wait3A_295 = arith.constant 1 : i32
      %dma_wait3A_296 = arith.constant 0 : i32
      %dma_wait3A_297 = arith.constant 0 : i32
      %dma_wait3A_298 = tpu.memref_slice %arg9[%dma_wait3A_295, %dma_wait3A_296, %dma_wait3A_297] : memref<2x128x128xf32, #tpu.memory_space<vmem>> -> memref<1x128x128xf32, #tpu.memory_space<vmem>>
      %dma_wait3A_299 = tpu.memref_squeeze %dma_wait3A_298 : memref<1x128x128xf32, #tpu.memory_space<vmem>> -> memref<128x128xf32, #tpu.memory_space<vmem>>
      %dma_wait3A_300 = arith.constant 0 : i32
      %dma_wait3A_301 = arith.constant 0 : i32
      %dma_wait3A_302 = tpu.memref_slice %arg7[%rem3A_98, %dma_wait3A_300, %dma_wait3A_301] : memref<2x8x128xi32, #tpu.memory_space<vmem>> -> memref<1x8x128xi32, #tpu.memory_space<vmem>>
      %dma_wait3A_303 = tpu.memref_squeeze %dma_wait3A_302 : memref<1x8x128xi32, #tpu.memory_space<vmem>> -> memref<8x128xi32, #tpu.memory_space<vmem>>
      %dma_wait3A_304 = arith.constant 0 : i32
      %dma_wait3A_305 = tpu.memref_slice %dma_wait3A_303[%dma_wait3A_294, %dma_wait3A_304] : memref<8x128xi32, #tpu.memory_space<vmem>> -> memref<1x128xi32, #tpu.memory_space<vmem>>
      %dma_wait3A_306 = tpu.memref_squeeze %dma_wait3A_305 : memref<1x128xi32, #tpu.memory_space<vmem>> -> memref<128xi32, #tpu.memory_space<vmem>>
      %dma_wait3A_307 = arith.constant 0 : i32
      %dma_wait3A_308 = arith.constant 0 : i32
      %dma_wait3A_309 = tpu.memref_slice %arg4[%dma_wait3A_307, %dma_wait3A_308] : memref<10240x128xf32, #tpu.memory_space<hbm>> -> memref<10240x128xf32, #tpu.memory_space<hbm>>
      tpu.wait_indirect_dma semaphore(%arg12 : memref<!tpu.dma_semaphore, #tpu.memory_space<semaphore_mem>>) src(%dma_wait3A_309 : memref<10240x128xf32, #tpu.memory_space<hbm>>) dst(%dma_wait3A_299 : memref<128x128xf32, #tpu.memory_space<vmem>>)
      %run_scoped3A_310 = arith.constant 1 : i32
      %run_scoped3A_311 = arith.constant 3 : i32
      "tpu.region"() ({
        %run_scoped3A_432 = tpu.sem_alloc : memref<!tpu.dma_semaphore, #tpu.memory_space<semaphore_mem>>
        %dma_start3A_433 = arith.constant 0 : i32
        %dma_start3A_434 = arith.constant 0 : i32
        %dma_start3A_435 = tpu.memref_slice %arg9[%run_scoped3A_310, %dma_start3A_433, %dma_start3A_434] : memref<2x128x128xf32, #tpu.memory_space<vmem>> -> memref<1x128x128xf32, #tpu.memory_space<vmem>>
        %dma_start3A_436 = tpu.memref_squeeze %dma_start3A_435 : memref<1x128x128xf32, #tpu.memory_space<vmem>> -> memref<128x128xf32, #tpu.memory_space<vmem>>
        %dma_start3A_437 = arith.constant 0 : i32
        %dma_start3A_438 = arith.constant 0 : i32
        %dma_start3A_439 = tpu.memref_slice %arg8[%rem3A_98, %dma_start3A_437, %dma_start3A_438] : memref<2x8x128xi32, #tpu.memory_space<vmem>> -> memref<1x8x128xi32, #tpu.memory_space<vmem>>
        %dma_start3A_440 = tpu.memref_squeeze %dma_start3A_439 : memref<1x8x128xi32, #tpu.memory_space<vmem>> -> memref<8x128xi32, #tpu.memory_space<vmem>>
        %dma_start3A_441 = arith.constant 0 : i32
        %dma_start3A_442 = tpu.memref_slice %dma_start3A_440[%run_scoped3A_311, %dma_start3A_441] : memref<8x128xi32, #tpu.memory_space<vmem>> -> memref<1x128xi32, #tpu.memory_space<vmem>>
        %dma_start3A_443 = tpu.memref_squeeze %dma_start3A_442 : memref<1x128xi32, #tpu.memory_space<vmem>> -> memref<128xi32, #tpu.memory_space<vmem>>
        %dma_start3A_444 = arith.constant 0 : i32
        %dma_start3A_445 = arith.constant 0 : i32
        %dma_start3A_446 = tpu.memref_slice %arg10[%dma_start3A_444, %dma_start3A_445] : memref<10240x128xf32, #tpu.memory_space<vmem_shared>> -> memref<10240x128xf32, #tpu.memory_space<vmem_shared>>
        tpu.enqueue_indirect_dma source(%dma_start3A_436 : memref<128x128xf32, #tpu.memory_space<vmem>>) target(%dma_start3A_446 : memref<10240x128xf32, #tpu.memory_space<vmem_shared>>) offsets(%dma_start3A_443 : memref<128xi32, #tpu.memory_space<vmem>>) semaphore(%run_scoped3A_432 : memref<!tpu.dma_semaphore, #tpu.memory_space<semaphore_mem>>) {add = true}
        %dma_wait3A_447 = arith.constant 0 : i32
        %dma_wait3A_448 = arith.constant 0 : i32
        %dma_wait3A_449 = tpu.memref_slice %arg9[%run_scoped3A_310, %dma_wait3A_447, %dma_wait3A_448] : memref<2x128x128xf32, #tpu.memory_space<vmem>> -> memref<1x128x128xf32, #tpu.memory_space<vmem>>
        %dma_wait3A_450 = tpu.memref_squeeze %dma_wait3A_449 : memref<1x128x128xf32, #tpu.memory_space<vmem>> -> memref<128x128xf32, #tpu.memory_space<vmem>>
        %dma_wait3A_451 = arith.constant 0 : i32
        %dma_wait3A_452 = arith.constant 0 : i32
        %dma_wait3A_453 = tpu.memref_slice %arg8[%rem3A_98, %dma_wait3A_451, %dma_wait3A_452] : memref<2x8x128xi32, #tpu.memory_space<vmem>> -> memref<1x8x128xi32, #tpu.memory_space<vmem>>
        %dma_wait3A_454 = tpu.memref_squeeze %dma_wait3A_453 : memref<1x8x128xi32, #tpu.memory_space<vmem>> -> memref<8x128xi32, #tpu.memory_space<vmem>>
        %dma_wait3A_455 = arith.constant 0 : i32
        %dma_wait3A_456 = tpu.memref_slice %dma_wait3A_454[%run_scoped3A_311, %dma_wait3A_455] : memref<8x128xi32, #tpu.memory_space<vmem>> -> memref<1x128xi32, #tpu.memory_space<vmem>>
        %dma_wait3A_457 = tpu.memref_squeeze %dma_wait3A_456 : memref<1x128xi32, #tpu.memory_space<vmem>> -> memref<128xi32, #tpu.memory_space<vmem>>
        %dma_wait3A_458 = arith.constant 0 : i32
        %dma_wait3A_459 = arith.constant 0 : i32
        %dma_wait3A_460 = tpu.memref_slice %arg10[%dma_wait3A_458, %dma_wait3A_459] : memref<10240x128xf32, #tpu.memory_space<vmem_shared>> -> memref<10240x128xf32, #tpu.memory_space<vmem_shared>>
        tpu.wait_indirect_dma semaphore(%run_scoped3A_432 : memref<!tpu.dma_semaphore, #tpu.memory_space<semaphore_mem>>) src(%dma_wait3A_450 : memref<128x128xf32, #tpu.memory_space<vmem>>) dst(%dma_wait3A_460 : memref<10240x128xf32, #tpu.memory_space<vmem_shared>>)
        tpu.yield
      }) : () -> ()
      %dma_start3A_312 = arith.constant 5 : i32
      %dma_start3A_313 = arith.constant 1 : i32
      %dma_start3A_314 = arith.constant 0 : i32
      %dma_start3A_315 = arith.constant 0 : i32
      %dma_start3A_316 = tpu.memref_slice %arg9[%dma_start3A_313, %dma_start3A_314, %dma_start3A_315] : memref<2x128x128xf32, #tpu.memory_space<vmem>> -> memref<1x128x128xf32, #tpu.memory_space<vmem>>
      %dma_start3A_317 = tpu.memref_squeeze %dma_start3A_316 : memref<1x128x128xf32, #tpu.memory_space<vmem>> -> memref<128x128xf32, #tpu.memory_space<vmem>>
      %dma_start3A_318 = arith.constant 0 : i32
      %dma_start3A_319 = arith.constant 0 : i32
      %dma_start3A_320 = tpu.memref_slice %arg7[%rem3A_98, %dma_start3A_318, %dma_start3A_319] : memref<2x8x128xi32, #tpu.memory_space<vmem>> -> memref<1x8x128xi32, #tpu.memory_space<vmem>>
      %dma_start3A_321 = tpu.memref_squeeze %dma_start3A_320 : memref<1x8x128xi32, #tpu.memory_space<vmem>> -> memref<8x128xi32, #tpu.memory_space<vmem>>
      %dma_start3A_322 = arith.constant 0 : i32
      %dma_start3A_323 = tpu.memref_slice %dma_start3A_321[%dma_start3A_312, %dma_start3A_322] : memref<8x128xi32, #tpu.memory_space<vmem>> -> memref<1x128xi32, #tpu.memory_space<vmem>>
      %dma_start3A_324 = tpu.memref_squeeze %dma_start3A_323 : memref<1x128xi32, #tpu.memory_space<vmem>> -> memref<128xi32, #tpu.memory_space<vmem>>
      %dma_start3A_325 = arith.constant 0 : i32
      %dma_start3A_326 = arith.constant 0 : i32
      %dma_start3A_327 = tpu.memref_slice %arg4[%dma_start3A_325, %dma_start3A_326] : memref<10240x128xf32, #tpu.memory_space<hbm>> -> memref<10240x128xf32, #tpu.memory_space<hbm>>
      tpu.enqueue_indirect_dma source(%dma_start3A_327 : memref<10240x128xf32, #tpu.memory_space<hbm>>) target(%dma_start3A_317 : memref<128x128xf32, #tpu.memory_space<vmem>>) offsets(%dma_start3A_324 : memref<128xi32, #tpu.memory_space<vmem>>) semaphore(%arg12 : memref<!tpu.dma_semaphore, #tpu.memory_space<semaphore_mem>>)
      %dma_wait3A_328 = arith.constant 4 : i32
      %dma_wait3A_329 = arith.constant 0 : i32
      %dma_wait3A_330 = arith.constant 0 : i32
      %dma_wait3A_331 = arith.constant 0 : i32
      %dma_wait3A_332 = tpu.memref_slice %arg9[%dma_wait3A_329, %dma_wait3A_330, %dma_wait3A_331] : memref<2x128x128xf32, #tpu.memory_space<vmem>> -> memref<1x128x128xf32, #tpu.memory_space<vmem>>
      %dma_wait3A_333 = tpu.memref_squeeze %dma_wait3A_332 : memref<1x128x128xf32, #tpu.memory_space<vmem>> -> memref<128x128xf32, #tpu.memory_space<vmem>>
      %dma_wait3A_334 = arith.constant 0 : i32
      %dma_wait3A_335 = arith.constant 0 : i32
      %dma_wait3A_336 = tpu.memref_slice %arg7[%rem3A_98, %dma_wait3A_334, %dma_wait3A_335] : memref<2x8x128xi32, #tpu.memory_space<vmem>> -> memref<1x8x128xi32, #tpu.memory_space<vmem>>
      %dma_wait3A_337 = tpu.memref_squeeze %dma_wait3A_336 : memref<1x8x128xi32, #tpu.memory_space<vmem>> -> memref<8x128xi32, #tpu.memory_space<vmem>>
      %dma_wait3A_338 = arith.constant 0 : i32
      %dma_wait3A_339 = tpu.memref_slice %dma_wait3A_337[%dma_wait3A_328, %dma_wait3A_338] : memref<8x128xi32, #tpu.memory_space<vmem>> -> memref<1x128xi32, #tpu.memory_space<vmem>>
      %dma_wait3A_340 = tpu.memref_squeeze %dma_wait3A_339 : memref<1x128xi32, #tpu.memory_space<vmem>> -> memref<128xi32, #tpu.memory_space<vmem>>
      %dma_wait3A_341 = arith.constant 0 : i32
      %dma_wait3A_342 = arith.constant 0 : i32
      %dma_wait3A_343 = tpu.memref_slice %arg4[%dma_wait3A_341, %dma_wait3A_342] : memref<10240x128xf32, #tpu.memory_space<hbm>> -> memref<10240x128xf32, #tpu.memory_space<hbm>>
      tpu.wait_indirect_dma semaphore(%arg11 : memref<!tpu.dma_semaphore, #tpu.memory_space<semaphore_mem>>) src(%dma_wait3A_343 : memref<10240x128xf32, #tpu.memory_space<hbm>>) dst(%dma_wait3A_333 : memref<128x128xf32, #tpu.memory_space<vmem>>)
      %run_scoped3A_344 = arith.constant 0 : i32
      %run_scoped3A_345 = arith.constant 4 : i32
      "tpu.region"() ({
        %run_scoped3A_432 = tpu.sem_alloc : memref<!tpu.dma_semaphore, #tpu.memory_space<semaphore_mem>>
        %dma_start3A_433 = arith.constant 0 : i32
        %dma_start3A_434 = arith.constant 0 : i32
        %dma_start3A_435 = tpu.memref_slice %arg9[%run_scoped3A_344, %dma_start3A_433, %dma_start3A_434] : memref<2x128x128xf32, #tpu.memory_space<vmem>> -> memref<1x128x128xf32, #tpu.memory_space<vmem>>
        %dma_start3A_436 = tpu.memref_squeeze %dma_start3A_435 : memref<1x128x128xf32, #tpu.memory_space<vmem>> -> memref<128x128xf32, #tpu.memory_space<vmem>>
        %dma_start3A_437 = arith.constant 0 : i32
        %dma_start3A_438 = arith.constant 0 : i32
        %dma_start3A_439 = tpu.memref_slice %arg8[%rem3A_98, %dma_start3A_437, %dma_start3A_438] : memref<2x8x128xi32, #tpu.memory_space<vmem>> -> memref<1x8x128xi32, #tpu.memory_space<vmem>>
        %dma_start3A_440 = tpu.memref_squeeze %dma_start3A_439 : memref<1x8x128xi32, #tpu.memory_space<vmem>> -> memref<8x128xi32, #tpu.memory_space<vmem>>
        %dma_start3A_441 = arith.constant 0 : i32
        %dma_start3A_442 = tpu.memref_slice %dma_start3A_440[%run_scoped3A_345, %dma_start3A_441] : memref<8x128xi32, #tpu.memory_space<vmem>> -> memref<1x128xi32, #tpu.memory_space<vmem>>
        %dma_start3A_443 = tpu.memref_squeeze %dma_start3A_442 : memref<1x128xi32, #tpu.memory_space<vmem>> -> memref<128xi32, #tpu.memory_space<vmem>>
        %dma_start3A_444 = arith.constant 0 : i32
        %dma_start3A_445 = arith.constant 0 : i32
        %dma_start3A_446 = tpu.memref_slice %arg10[%dma_start3A_444, %dma_start3A_445] : memref<10240x128xf32, #tpu.memory_space<vmem_shared>> -> memref<10240x128xf32, #tpu.memory_space<vmem_shared>>
        tpu.enqueue_indirect_dma source(%dma_start3A_436 : memref<128x128xf32, #tpu.memory_space<vmem>>) target(%dma_start3A_446 : memref<10240x128xf32, #tpu.memory_space<vmem_shared>>) offsets(%dma_start3A_443 : memref<128xi32, #tpu.memory_space<vmem>>) semaphore(%run_scoped3A_432 : memref<!tpu.dma_semaphore, #tpu.memory_space<semaphore_mem>>) {add = true}
        %dma_wait3A_447 = arith.constant 0 : i32
        %dma_wait3A_448 = arith.constant 0 : i32
        %dma_wait3A_449 = tpu.memref_slice %arg9[%run_scoped3A_344, %dma_wait3A_447, %dma_wait3A_448] : memref<2x128x128xf32, #tpu.memory_space<vmem>> -> memref<1x128x128xf32, #tpu.memory_space<vmem>>
        %dma_wait3A_450 = tpu.memref_squeeze %dma_wait3A_449 : memref<1x128x128xf32, #tpu.memory_space<vmem>> -> memref<128x128xf32, #tpu.memory_space<vmem>>
        %dma_wait3A_451 = arith.constant 0 : i32
        %dma_wait3A_452 = arith.constant 0 : i32
        %dma_wait3A_453 = tpu.memref_slice %arg8[%rem3A_98, %dma_wait3A_451, %dma_wait3A_452] : memref<2x8x128xi32, #tpu.memory_space<vmem>> -> memref<1x8x128xi32, #tpu.memory_space<vmem>>
        %dma_wait3A_454 = tpu.memref_squeeze %dma_wait3A_453 : memref<1x8x128xi32, #tpu.memory_space<vmem>> -> memref<8x128xi32, #tpu.memory_space<vmem>>
        %dma_wait3A_455 = arith.constant 0 : i32
        %dma_wait3A_456 = tpu.memref_slice %dma_wait3A_454[%run_scoped3A_345, %dma_wait3A_455] : memref<8x128xi32, #tpu.memory_space<vmem>> -> memref<1x128xi32, #tpu.memory_space<vmem>>
        %dma_wait3A_457 = tpu.memref_squeeze %dma_wait3A_456 : memref<1x128xi32, #tpu.memory_space<vmem>> -> memref<128xi32, #tpu.memory_space<vmem>>
        %dma_wait3A_458 = arith.constant 0 : i32
        %dma_wait3A_459 = arith.constant 0 : i32
        %dma_wait3A_460 = tpu.memref_slice %arg10[%dma_wait3A_458, %dma_wait3A_459] : memref<10240x128xf32, #tpu.memory_space<vmem_shared>> -> memref<10240x128xf32, #tpu.memory_space<vmem_shared>>
        tpu.wait_indirect_dma semaphore(%run_scoped3A_432 : memref<!tpu.dma_semaphore, #tpu.memory_space<semaphore_mem>>) src(%dma_wait3A_450 : memref<128x128xf32, #tpu.memory_space<vmem>>) dst(%dma_wait3A_460 : memref<10240x128xf32, #tpu.memory_space<vmem_shared>>)
        tpu.yield
      }) : () -> ()
      %dma_start3A_346 = arith.constant 6 : i32
      %dma_start3A_347 = arith.constant 0 : i32
      %dma_start3A_348 = arith.constant 0 : i32
      %dma_start3A_349 = arith.constant 0 : i32
      %dma_start3A_350 = tpu.memref_slice %arg9[%dma_start3A_347, %dma_start3A_348, %dma_start3A_349] : memref<2x128x128xf32, #tpu.memory_space<vmem>> -> memref<1x128x128xf32, #tpu.memory_space<vmem>>
      %dma_start3A_351 = tpu.memref_squeeze %dma_start3A_350 : memref<1x128x128xf32, #tpu.memory_space<vmem>> -> memref<128x128xf32, #tpu.memory_space<vmem>>
      %dma_start3A_352 = arith.constant 0 : i32
      %dma_start3A_353 = arith.constant 0 : i32
      %dma_start3A_354 = tpu.memref_slice %arg7[%rem3A_98, %dma_start3A_352, %dma_start3A_353] : memref<2x8x128xi32, #tpu.memory_space<vmem>> -> memref<1x8x128xi32, #tpu.memory_space<vmem>>
      %dma_start3A_355 = tpu.memref_squeeze %dma_start3A_354 : memref<1x8x128xi32, #tpu.memory_space<vmem>> -> memref<8x128xi32, #tpu.memory_space<vmem>>
      %dma_start3A_356 = arith.constant 0 : i32
      %dma_start3A_357 = tpu.memref_slice %dma_start3A_355[%dma_start3A_346, %dma_start3A_356] : memref<8x128xi32, #tpu.memory_space<vmem>> -> memref<1x128xi32, #tpu.memory_space<vmem>>
      %dma_start3A_358 = tpu.memref_squeeze %dma_start3A_357 : memref<1x128xi32, #tpu.memory_space<vmem>> -> memref<128xi32, #tpu.memory_space<vmem>>
      %dma_start3A_359 = arith.constant 0 : i32
      %dma_start3A_360 = arith.constant 0 : i32
      %dma_start3A_361 = tpu.memref_slice %arg4[%dma_start3A_359, %dma_start3A_360] : memref<10240x128xf32, #tpu.memory_space<hbm>> -> memref<10240x128xf32, #tpu.memory_space<hbm>>
      tpu.enqueue_indirect_dma source(%dma_start3A_361 : memref<10240x128xf32, #tpu.memory_space<hbm>>) target(%dma_start3A_351 : memref<128x128xf32, #tpu.memory_space<vmem>>) offsets(%dma_start3A_358 : memref<128xi32, #tpu.memory_space<vmem>>) semaphore(%arg11 : memref<!tpu.dma_semaphore, #tpu.memory_space<semaphore_mem>>)
      %dma_wait3A_362 = arith.constant 5 : i32
      %dma_wait3A_363 = arith.constant 1 : i32
      %dma_wait3A_364 = arith.constant 0 : i32
      %dma_wait3A_365 = arith.constant 0 : i32
      %dma_wait3A_366 = tpu.memref_slice %arg9[%dma_wait3A_363, %dma_wait3A_364, %dma_wait3A_365] : memref<2x128x128xf32, #tpu.memory_space<vmem>> -> memref<1x128x128xf32, #tpu.memory_space<vmem>>
      %dma_wait3A_367 = tpu.memref_squeeze %dma_wait3A_366 : memref<1x128x128xf32, #tpu.memory_space<vmem>> -> memref<128x128xf32, #tpu.memory_space<vmem>>
      %dma_wait3A_368 = arith.constant 0 : i32
      %dma_wait3A_369 = arith.constant 0 : i32
      %dma_wait3A_370 = tpu.memref_slice %arg7[%rem3A_98, %dma_wait3A_368, %dma_wait3A_369] : memref<2x8x128xi32, #tpu.memory_space<vmem>> -> memref<1x8x128xi32, #tpu.memory_space<vmem>>
      %dma_wait3A_371 = tpu.memref_squeeze %dma_wait3A_370 : memref<1x8x128xi32, #tpu.memory_space<vmem>> -> memref<8x128xi32, #tpu.memory_space<vmem>>
      %dma_wait3A_372 = arith.constant 0 : i32
      %dma_wait3A_373 = tpu.memref_slice %dma_wait3A_371[%dma_wait3A_362, %dma_wait3A_372] : memref<8x128xi32, #tpu.memory_space<vmem>> -> memref<1x128xi32, #tpu.memory_space<vmem>>
      %dma_wait3A_374 = tpu.memref_squeeze %dma_wait3A_373 : memref<1x128xi32, #tpu.memory_space<vmem>> -> memref<128xi32, #tpu.memory_space<vmem>>
      %dma_wait3A_375 = arith.constant 0 : i32
      %dma_wait3A_376 = arith.constant 0 : i32
      %dma_wait3A_377 = tpu.memref_slice %arg4[%dma_wait3A_375, %dma_wait3A_376] : memref<10240x128xf32, #tpu.memory_space<hbm>> -> memref<10240x128xf32, #tpu.memory_space<hbm>>
      tpu.wait_indirect_dma semaphore(%arg12 : memref<!tpu.dma_semaphore, #tpu.memory_space<semaphore_mem>>) src(%dma_wait3A_377 : memref<10240x128xf32, #tpu.memory_space<hbm>>) dst(%dma_wait3A_367 : memref<128x128xf32, #tpu.memory_space<vmem>>)
      %run_scoped3A_378 = arith.constant 1 : i32
      %run_scoped3A_379 = arith.constant 5 : i32
      "tpu.region"() ({
        %run_scoped3A_432 = tpu.sem_alloc : memref<!tpu.dma_semaphore, #tpu.memory_space<semaphore_mem>>
        %dma_start3A_433 = arith.constant 0 : i32
        %dma_start3A_434 = arith.constant 0 : i32
        %dma_start3A_435 = tpu.memref_slice %arg9[%run_scoped3A_378, %dma_start3A_433, %dma_start3A_434] : memref<2x128x128xf32, #tpu.memory_space<vmem>> -> memref<1x128x128xf32, #tpu.memory_space<vmem>>
        %dma_start3A_436 = tpu.memref_squeeze %dma_start3A_435 : memref<1x128x128xf32, #tpu.memory_space<vmem>> -> memref<128x128xf32, #tpu.memory_space<vmem>>
        %dma_start3A_437 = arith.constant 0 : i32
        %dma_start3A_438 = arith.constant 0 : i32
        %dma_start3A_439 = tpu.memref_slice %arg8[%rem3A_98, %dma_start3A_437, %dma_start3A_438] : memref<2x8x128xi32, #tpu.memory_space<vmem>> -> memref<1x8x128xi32, #tpu.memory_space<vmem>>
        %dma_start3A_440 = tpu.memref_squeeze %dma_start3A_439 : memref<1x8x128xi32, #tpu.memory_space<vmem>> -> memref<8x128xi32, #tpu.memory_space<vmem>>
        %dma_start3A_441 = arith.constant 0 : i32
        %dma_start3A_442 = tpu.memref_slice %dma_start3A_440[%run_scoped3A_379, %dma_start3A_441] : memref<8x128xi32, #tpu.memory_space<vmem>> -> memref<1x128xi32, #tpu.memory_space<vmem>>
        %dma_start3A_443 = tpu.memref_squeeze %dma_start3A_442 : memref<1x128xi32, #tpu.memory_space<vmem>> -> memref<128xi32, #tpu.memory_space<vmem>>
        %dma_start3A_444 = arith.constant 0 : i32
        %dma_start3A_445 = arith.constant 0 : i32
        %dma_start3A_446 = tpu.memref_slice %arg10[%dma_start3A_444, %dma_start3A_445] : memref<10240x128xf32, #tpu.memory_space<vmem_shared>> -> memref<10240x128xf32, #tpu.memory_space<vmem_shared>>
        tpu.enqueue_indirect_dma source(%dma_start3A_436 : memref<128x128xf32, #tpu.memory_space<vmem>>) target(%dma_start3A_446 : memref<10240x128xf32, #tpu.memory_space<vmem_shared>>) offsets(%dma_start3A_443 : memref<128xi32, #tpu.memory_space<vmem>>) semaphore(%run_scoped3A_432 : memref<!tpu.dma_semaphore, #tpu.memory_space<semaphore_mem>>) {add = true}
        %dma_wait3A_447 = arith.constant 0 : i32
        %dma_wait3A_448 = arith.constant 0 : i32
        %dma_wait3A_449 = tpu.memref_slice %arg9[%run_scoped3A_378, %dma_wait3A_447, %dma_wait3A_448] : memref<2x128x128xf32, #tpu.memory_space<vmem>> -> memref<1x128x128xf32, #tpu.memory_space<vmem>>
        %dma_wait3A_450 = tpu.memref_squeeze %dma_wait3A_449 : memref<1x128x128xf32, #tpu.memory_space<vmem>> -> memref<128x128xf32, #tpu.memory_space<vmem>>
        %dma_wait3A_451 = arith.constant 0 : i32
        %dma_wait3A_452 = arith.constant 0 : i32
        %dma_wait3A_453 = tpu.memref_slice %arg8[%rem3A_98, %dma_wait3A_451, %dma_wait3A_452] : memref<2x8x128xi32, #tpu.memory_space<vmem>> -> memref<1x8x128xi32, #tpu.memory_space<vmem>>
        %dma_wait3A_454 = tpu.memref_squeeze %dma_wait3A_453 : memref<1x8x128xi32, #tpu.memory_space<vmem>> -> memref<8x128xi32, #tpu.memory_space<vmem>>
        %dma_wait3A_455 = arith.constant 0 : i32
        %dma_wait3A_456 = tpu.memref_slice %dma_wait3A_454[%run_scoped3A_379, %dma_wait3A_455] : memref<8x128xi32, #tpu.memory_space<vmem>> -> memref<1x128xi32, #tpu.memory_space<vmem>>
        %dma_wait3A_457 = tpu.memref_squeeze %dma_wait3A_456 : memref<1x128xi32, #tpu.memory_space<vmem>> -> memref<128xi32, #tpu.memory_space<vmem>>
        %dma_wait3A_458 = arith.constant 0 : i32
        %dma_wait3A_459 = arith.constant 0 : i32
        %dma_wait3A_460 = tpu.memref_slice %arg10[%dma_wait3A_458, %dma_wait3A_459] : memref<10240x128xf32, #tpu.memory_space<vmem_shared>> -> memref<10240x128xf32, #tpu.memory_space<vmem_shared>>
        tpu.wait_indirect_dma semaphore(%run_scoped3A_432 : memref<!tpu.dma_semaphore, #tpu.memory_space<semaphore_mem>>) src(%dma_wait3A_450 : memref<128x128xf32, #tpu.memory_space<vmem>>) dst(%dma_wait3A_460 : memref<10240x128xf32, #tpu.memory_space<vmem_shared>>)
        tpu.yield
      }) : () -> ()
      %dma_start3A_380 = arith.constant 7 : i32
      %dma_start3A_381 = arith.constant 1 : i32
      %dma_start3A_382 = arith.constant 0 : i32
      %dma_start3A_383 = arith.constant 0 : i32
      %dma_start3A_384 = tpu.memref_slice %arg9[%dma_start3A_381, %dma_start3A_382, %dma_start3A_383] : memref<2x128x128xf32, #tpu.memory_space<vmem>> -> memref<1x128x128xf32, #tpu.memory_space<vmem>>
      %dma_start3A_385 = tpu.memref_squeeze %dma_start3A_384 : memref<1x128x128xf32, #tpu.memory_space<vmem>> -> memref<128x128xf32, #tpu.memory_space<vmem>>
      %dma_start3A_386 = arith.constant 0 : i32
      %dma_start3A_387 = arith.constant 0 : i32
      %dma_start3A_388 = tpu.memref_slice %arg7[%rem3A_98, %dma_start3A_386, %dma_start3A_387] : memref<2x8x128xi32, #tpu.memory_space<vmem>> -> memref<1x8x128xi32, #tpu.memory_space<vmem>>
      %dma_start3A_389 = tpu.memref_squeeze %dma_start3A_388 : memref<1x8x128xi32, #tpu.memory_space<vmem>> -> memref<8x128xi32, #tpu.memory_space<vmem>>
      %dma_start3A_390 = arith.constant 0 : i32
      %dma_start3A_391 = tpu.memref_slice %dma_start3A_389[%dma_start3A_380, %dma_start3A_390] : memref<8x128xi32, #tpu.memory_space<vmem>> -> memref<1x128xi32, #tpu.memory_space<vmem>>
      %dma_start3A_392 = tpu.memref_squeeze %dma_start3A_391 : memref<1x128xi32, #tpu.memory_space<vmem>> -> memref<128xi32, #tpu.memory_space<vmem>>
      %dma_start3A_393 = arith.constant 0 : i32
      %dma_start3A_394 = arith.constant 0 : i32
      %dma_start3A_395 = tpu.memref_slice %arg4[%dma_start3A_393, %dma_start3A_394] : memref<10240x128xf32, #tpu.memory_space<hbm>> -> memref<10240x128xf32, #tpu.memory_space<hbm>>
      tpu.enqueue_indirect_dma source(%dma_start3A_395 : memref<10240x128xf32, #tpu.memory_space<hbm>>) target(%dma_start3A_385 : memref<128x128xf32, #tpu.memory_space<vmem>>) offsets(%dma_start3A_392 : memref<128xi32, #tpu.memory_space<vmem>>) semaphore(%arg12 : memref<!tpu.dma_semaphore, #tpu.memory_space<semaphore_mem>>)
      %dma_wait3A_396 = arith.constant 6 : i32
      %dma_wait3A_397 = arith.constant 0 : i32
      %dma_wait3A_398 = arith.constant 0 : i32
      %dma_wait3A_399 = arith.constant 0 : i32
      %dma_wait3A_400 = tpu.memref_slice %arg9[%dma_wait3A_397, %dma_wait3A_398, %dma_wait3A_399] : memref<2x128x128xf32, #tpu.memory_space<vmem>> -> memref<1x128x128xf32, #tpu.memory_space<vmem>>
      %dma_wait3A_401 = tpu.memref_squeeze %dma_wait3A_400 : memref<1x128x128xf32, #tpu.memory_space<vmem>> -> memref<128x128xf32, #tpu.memory_space<vmem>>
      %dma_wait3A_402 = arith.constant 0 : i32
      %dma_wait3A_403 = arith.constant 0 : i32
      %dma_wait3A_404 = tpu.memref_slice %arg7[%rem3A_98, %dma_wait3A_402, %dma_wait3A_403] : memref<2x8x128xi32, #tpu.memory_space<vmem>> -> memref<1x8x128xi32, #tpu.memory_space<vmem>>
      %dma_wait3A_405 = tpu.memref_squeeze %dma_wait3A_404 : memref<1x8x128xi32, #tpu.memory_space<vmem>> -> memref<8x128xi32, #tpu.memory_space<vmem>>
      %dma_wait3A_406 = arith.constant 0 : i32
      %dma_wait3A_407 = tpu.memref_slice %dma_wait3A_405[%dma_wait3A_396, %dma_wait3A_406] : memref<8x128xi32, #tpu.memory_space<vmem>> -> memref<1x128xi32, #tpu.memory_space<vmem>>
      %dma_wait3A_408 = tpu.memref_squeeze %dma_wait3A_407 : memref<1x128xi32, #tpu.memory_space<vmem>> -> memref<128xi32, #tpu.memory_space<vmem>>
      %dma_wait3A_409 = arith.constant 0 : i32
      %dma_wait3A_410 = arith.constant 0 : i32
      %dma_wait3A_411 = tpu.memref_slice %arg4[%dma_wait3A_409, %dma_wait3A_410] : memref<10240x128xf32, #tpu.memory_space<hbm>> -> memref<10240x128xf32, #tpu.memory_space<hbm>>
      tpu.wait_indirect_dma semaphore(%arg11 : memref<!tpu.dma_semaphore, #tpu.memory_space<semaphore_mem>>) src(%dma_wait3A_411 : memref<10240x128xf32, #tpu.memory_space<hbm>>) dst(%dma_wait3A_401 : memref<128x128xf32, #tpu.memory_space<vmem>>)
      %run_scoped3A_412 = arith.constant 0 : i32
      %run_scoped3A_413 = arith.constant 6 : i32
      "tpu.region"() ({
        %run_scoped3A_432 = tpu.sem_alloc : memref<!tpu.dma_semaphore, #tpu.memory_space<semaphore_mem>>
        %dma_start3A_433 = arith.constant 0 : i32
        %dma_start3A_434 = arith.constant 0 : i32
        %dma_start3A_435 = tpu.memref_slice %arg9[%run_scoped3A_412, %dma_start3A_433, %dma_start3A_434] : memref<2x128x128xf32, #tpu.memory_space<vmem>> -> memref<1x128x128xf32, #tpu.memory_space<vmem>>
        %dma_start3A_436 = tpu.memref_squeeze %dma_start3A_435 : memref<1x128x128xf32, #tpu.memory_space<vmem>> -> memref<128x128xf32, #tpu.memory_space<vmem>>
        %dma_start3A_437 = arith.constant 0 : i32
        %dma_start3A_438 = arith.constant 0 : i32
        %dma_start3A_439 = tpu.memref_slice %arg8[%rem3A_98, %dma_start3A_437, %dma_start3A_438] : memref<2x8x128xi32, #tpu.memory_space<vmem>> -> memref<1x8x128xi32, #tpu.memory_space<vmem>>
        %dma_start3A_440 = tpu.memref_squeeze %dma_start3A_439 : memref<1x8x128xi32, #tpu.memory_space<vmem>> -> memref<8x128xi32, #tpu.memory_space<vmem>>
        %dma_start3A_441 = arith.constant 0 : i32
        %dma_start3A_442 = tpu.memref_slice %dma_start3A_440[%run_scoped3A_413, %dma_start3A_441] : memref<8x128xi32, #tpu.memory_space<vmem>> -> memref<1x128xi32, #tpu.memory_space<vmem>>
        %dma_start3A_443 = tpu.memref_squeeze %dma_start3A_442 : memref<1x128xi32, #tpu.memory_space<vmem>> -> memref<128xi32, #tpu.memory_space<vmem>>
        %dma_start3A_444 = arith.constant 0 : i32
        %dma_start3A_445 = arith.constant 0 : i32
        %dma_start3A_446 = tpu.memref_slice %arg10[%dma_start3A_444, %dma_start3A_445] : memref<10240x128xf32, #tpu.memory_space<vmem_shared>> -> memref<10240x128xf32, #tpu.memory_space<vmem_shared>>
        tpu.enqueue_indirect_dma source(%dma_start3A_436 : memref<128x128xf32, #tpu.memory_space<vmem>>) target(%dma_start3A_446 : memref<10240x128xf32, #tpu.memory_space<vmem_shared>>) offsets(%dma_start3A_443 : memref<128xi32, #tpu.memory_space<vmem>>) semaphore(%run_scoped3A_432 : memref<!tpu.dma_semaphore, #tpu.memory_space<semaphore_mem>>) {add = true}
        %dma_wait3A_447 = arith.constant 0 : i32
        %dma_wait3A_448 = arith.constant 0 : i32
        %dma_wait3A_449 = tpu.memref_slice %arg9[%run_scoped3A_412, %dma_wait3A_447, %dma_wait3A_448] : memref<2x128x128xf32, #tpu.memory_space<vmem>> -> memref<1x128x128xf32, #tpu.memory_space<vmem>>
        %dma_wait3A_450 = tpu.memref_squeeze %dma_wait3A_449 : memref<1x128x128xf32, #tpu.memory_space<vmem>> -> memref<128x128xf32, #tpu.memory_space<vmem>>
        %dma_wait3A_451 = arith.constant 0 : i32
        %dma_wait3A_452 = arith.constant 0 : i32
        %dma_wait3A_453 = tpu.memref_slice %arg8[%rem3A_98, %dma_wait3A_451, %dma_wait3A_452] : memref<2x8x128xi32, #tpu.memory_space<vmem>> -> memref<1x8x128xi32, #tpu.memory_space<vmem>>
        %dma_wait3A_454 = tpu.memref_squeeze %dma_wait3A_453 : memref<1x8x128xi32, #tpu.memory_space<vmem>> -> memref<8x128xi32, #tpu.memory_space<vmem>>
        %dma_wait3A_455 = arith.constant 0 : i32
        %dma_wait3A_456 = tpu.memref_slice %dma_wait3A_454[%run_scoped3A_413, %dma_wait3A_455] : memref<8x128xi32, #tpu.memory_space<vmem>> -> memref<1x128xi32, #tpu.memory_space<vmem>>
        %dma_wait3A_457 = tpu.memref_squeeze %dma_wait3A_456 : memref<1x128xi32, #tpu.memory_space<vmem>> -> memref<128xi32, #tpu.memory_space<vmem>>
        %dma_wait3A_458 = arith.constant 0 : i32
        %dma_wait3A_459 = arith.constant 0 : i32
        %dma_wait3A_460 = tpu.memref_slice %arg10[%dma_wait3A_458, %dma_wait3A_459] : memref<10240x128xf32, #tpu.memory_space<vmem_shared>> -> memref<10240x128xf32, #tpu.memory_space<vmem_shared>>
        tpu.wait_indirect_dma semaphore(%run_scoped3A_432 : memref<!tpu.dma_semaphore, #tpu.memory_space<semaphore_mem>>) src(%dma_wait3A_450 : memref<128x128xf32, #tpu.memory_space<vmem>>) dst(%dma_wait3A_460 : memref<10240x128xf32, #tpu.memory_space<vmem_shared>>)
        tpu.yield
      }) : () -> ()
      %dma_wait3A_414 = arith.constant 7 : i32
      %dma_wait3A_415 = arith.constant 1 : i32
      %dma_wait3A_416 = arith.constant 0 : i32
      %dma_wait3A_417 = arith.constant 0 : i32
      %dma_wait3A_418 = tpu.memref_slice %arg9[%dma_wait3A_415, %dma_wait3A_416, %dma_wait3A_417] : memref<2x128x128xf32, #tpu.memory_space<vmem>> -> memref<1x128x128xf32, #tpu.memory_space<vmem>>
      %dma_wait3A_419 = tpu.memref_squeeze %dma_wait3A_418 : memref<1x128x128xf32, #tpu.memory_space<vmem>> -> memref<128x128xf32, #tpu.memory_space<vmem>>
      %dma_wait3A_420 = arith.constant 0 : i32
      %dma_wait3A_421 = arith.constant 0 : i32
      %dma_wait3A_422 = tpu.memref_slice %arg7[%rem3A_98, %dma_wait3A_420, %dma_wait3A_421] : memref<2x8x128xi32, #tpu.memory_space<vmem>> -> memref<1x8x128xi32, #tpu.memory_space<vmem>>
      %dma_wait3A_423 = tpu.memref_squeeze %dma_wait3A_422 : memref<1x8x128xi32, #tpu.memory_space<vmem>> -> memref<8x128xi32, #tpu.memory_space<vmem>>
      %dma_wait3A_424 = arith.constant 0 : i32
      %dma_wait3A_425 = tpu.memref_slice %dma_wait3A_423[%dma_wait3A_414, %dma_wait3A_424] : memref<8x128xi32, #tpu.memory_space<vmem>> -> memref<1x128xi32, #tpu.memory_space<vmem>>
      %dma_wait3A_426 = tpu.memref_squeeze %dma_wait3A_425 : memref<1x128xi32, #tpu.memory_space<vmem>> -> memref<128xi32, #tpu.memory_space<vmem>>
      %dma_wait3A_427 = arith.constant 0 : i32
      %dma_wait3A_428 = arith.constant 0 : i32
      %dma_wait3A_429 = tpu.memref_slice %arg4[%dma_wait3A_427, %dma_wait3A_428] : memref<10240x128xf32, #tpu.memory_space<hbm>> -> memref<10240x128xf32, #tpu.memory_space<hbm>>
      tpu.wait_indirect_dma semaphore(%arg12 : memref<!tpu.dma_semaphore, #tpu.memory_space<semaphore_mem>>) src(%dma_wait3A_429 : memref<10240x128xf32, #tpu.memory_space<hbm>>) dst(%dma_wait3A_419 : memref<128x128xf32, #tpu.memory_space<vmem>>)
      %run_scoped3A_430 = arith.constant 1 : i32
      %run_scoped3A_431 = arith.constant 7 : i32
      "tpu.region"() ({
        %run_scoped3A_432 = tpu.sem_alloc : memref<!tpu.dma_semaphore, #tpu.memory_space<semaphore_mem>>
        %dma_start3A_433 = arith.constant 0 : i32
        %dma_start3A_434 = arith.constant 0 : i32
        %dma_start3A_435 = tpu.memref_slice %arg9[%run_scoped3A_430, %dma_start3A_433, %dma_start3A_434] : memref<2x128x128xf32, #tpu.memory_space<vmem>> -> memref<1x128x128xf32, #tpu.memory_space<vmem>>
        %dma_start3A_436 = tpu.memref_squeeze %dma_start3A_435 : memref<1x128x128xf32, #tpu.memory_space<vmem>> -> memref<128x128xf32, #tpu.memory_space<vmem>>
        %dma_start3A_437 = arith.constant 0 : i32
        %dma_start3A_438 = arith.constant 0 : i32
        %dma_start3A_439 = tpu.memref_slice %arg8[%rem3A_98, %dma_start3A_437, %dma_start3A_438] : memref<2x8x128xi32, #tpu.memory_space<vmem>> -> memref<1x8x128xi32, #tpu.memory_space<vmem>>
        %dma_start3A_440 = tpu.memref_squeeze %dma_start3A_439 : memref<1x8x128xi32, #tpu.memory_space<vmem>> -> memref<8x128xi32, #tpu.memory_space<vmem>>
        %dma_start3A_441 = arith.constant 0 : i32
        %dma_start3A_442 = tpu.memref_slice %dma_start3A_440[%run_scoped3A_431, %dma_start3A_441] : memref<8x128xi32, #tpu.memory_space<vmem>> -> memref<1x128xi32, #tpu.memory_space<vmem>>
        %dma_start3A_443 = tpu.memref_squeeze %dma_start3A_442 : memref<1x128xi32, #tpu.memory_space<vmem>> -> memref<128xi32, #tpu.memory_space<vmem>>
        %dma_start3A_444 = arith.constant 0 : i32
        %dma_start3A_445 = arith.constant 0 : i32
        %dma_start3A_446 = tpu.memref_slice %arg10[%dma_start3A_444, %dma_start3A_445] : memref<10240x128xf32, #tpu.memory_space<vmem_shared>> -> memref<10240x128xf32, #tpu.memory_space<vmem_shared>>
        tpu.enqueue_indirect_dma source(%dma_start3A_436 : memref<128x128xf32, #tpu.memory_space<vmem>>) target(%dma_start3A_446 : memref<10240x128xf32, #tpu.memory_space<vmem_shared>>) offsets(%dma_start3A_443 : memref<128xi32, #tpu.memory_space<vmem>>) semaphore(%run_scoped3A_432 : memref<!tpu.dma_semaphore, #tpu.memory_space<semaphore_mem>>) {add = true}
        %dma_wait3A_447 = arith.constant 0 : i32
        %dma_wait3A_448 = arith.constant 0 : i32
        %dma_wait3A_449 = tpu.memref_slice %arg9[%run_scoped3A_430, %dma_wait3A_447, %dma_wait3A_448] : memref<2x128x128xf32, #tpu.memory_space<vmem>> -> memref<1x128x128xf32, #tpu.memory_space<vmem>>
        %dma_wait3A_450 = tpu.memref_squeeze %dma_wait3A_449 : memref<1x128x128xf32, #tpu.memory_space<vmem>> -> memref<128x128xf32, #tpu.memory_space<vmem>>
        %dma_wait3A_451 = arith.constant 0 : i32
        %dma_wait3A_452 = arith.constant 0 : i32
        %dma_wait3A_453 = tpu.memref_slice %arg8[%rem3A_98, %dma_wait3A_451, %dma_wait3A_452] : memref<2x8x128xi32, #tpu.memory_space<vmem>> -> memref<1x8x128xi32, #tpu.memory_space<vmem>>
        %dma_wait3A_454 = tpu.memref_squeeze %dma_wait3A_453 : memref<1x8x128xi32, #tpu.memory_space<vmem>> -> memref<8x128xi32, #tpu.memory_space<vmem>>
        %dma_wait3A_455 = arith.constant 0 : i32
        %dma_wait3A_456 = tpu.memref_slice %dma_wait3A_454[%run_scoped3A_431, %dma_wait3A_455] : memref<8x128xi32, #tpu.memory_space<vmem>> -> memref<1x128xi32, #tpu.memory_space<vmem>>
        %dma_wait3A_457 = tpu.memref_squeeze %dma_wait3A_456 : memref<1x128xi32, #tpu.memory_space<vmem>> -> memref<128xi32, #tpu.memory_space<vmem>>
        %dma_wait3A_458 = arith.constant 0 : i32
        %dma_wait3A_459 = arith.constant 0 : i32
        %dma_wait3A_460 = tpu.memref_slice %arg10[%dma_wait3A_458, %dma_wait3A_459] : memref<10240x128xf32, #tpu.memory_space<vmem_shared>> -> memref<10240x128xf32, #tpu.memory_space<vmem_shared>>
        tpu.wait_indirect_dma semaphore(%run_scoped3A_432 : memref<!tpu.dma_semaphore, #tpu.memory_space<semaphore_mem>>) src(%dma_wait3A_450 : memref<128x128xf32, #tpu.memory_space<vmem>>) dst(%dma_wait3A_460 : memref<10240x128xf32, #tpu.memory_space<vmem_shared>>)
        tpu.yield
      }) : () -> ()
    }
    %while3A_60 = arith.constant 1 : i32
    scf.for %while3A_96 = %while3A_58 to %while3A_54 step %while3A_60  : i32 {
      %rem3A_97 = arith.constant 2 : i32
      %rem3A_98 = arith.remsi %while3A_96, %rem3A_97 : i32
      %mul3A_99 = arith.constant 8 : i32
      %mul3A_100 = arith.muli %while3A_96, %mul3A_99 : i32
      %add3A_101 = arith.addi %add3A, %mul3A_100 : i32
      %dma_wait3A_102 = arith.constant 0 : i32
      %dma_wait3A_103 = arith.constant 0 : i32
      %dma_wait3A_104 = tpu.memref_slice %arg7[%rem3A_98, %dma_wait3A_102, %dma_wait3A_103] : memref<2x8x128xi32, #tpu.memory_space<vmem>> -> memref<1x8x128xi32, #tpu.memory_space<vmem>>
      %dma_wait3A_105 = tpu.memref_squeeze %dma_wait3A_104 : memref<1x8x128xi32, #tpu.memory_space<vmem>> -> memref<8x128xi32, #tpu.memory_space<vmem>>
      %dma_wait3A_106 = arith.constant 0 : i32
      %dma_wait3A_107 = tpu.memref_slice %arg2[%add3A_101, %dma_wait3A_106] : memref<2560x128xi32, #tpu.memory_space<hbm>> -> memref<8x128xi32, #tpu.memory_space<hbm>>
      %dma_wait3A_108 = arith.constant 0 : i32
      %dma_wait3A_109 = arith.constant 0 : i32
      %dma_wait3A_110 = tpu.memref_slice %arg7[%rem3A_98, %dma_wait3A_108, %dma_wait3A_109] : memref<2x8x128xi32, #tpu.memory_space<vmem>> -> memref<1x8x128xi32, #tpu.memory_space<vmem>>
      %dma_wait3A_111 = tpu.memref_squeeze %dma_wait3A_110 : memref<1x8x128xi32, #tpu.memory_space<vmem>> -> memref<8x128xi32, #tpu.memory_space<vmem>>
      %dma_wait3A_112 = arith.constant 0 : i32
      %dma_wait3A_113 = tpu.memref_slice %arg2[%add3A_101, %dma_wait3A_112] : memref<2560x128xi32, #tpu.memory_space<hbm>> -> memref<8x128xi32, #tpu.memory_space<hbm>>
      tpu.wait_dma2 semaphore(%arg13 : memref<!tpu.dma_semaphore, #tpu.memory_space<semaphore_mem>>) src(%dma_wait3A_113 : memref<8x128xi32, #tpu.memory_space<hbm>>) dst(%dma_wait3A_111 : memref<8x128xi32, #tpu.memory_space<vmem>>)
      %dma_wait3A_114 = arith.constant 0 : i32
      %dma_wait3A_115 = arith.constant 0 : i32
      %dma_wait3A_116 = tpu.memref_slice %arg8[%rem3A_98, %dma_wait3A_114, %dma_wait3A_115] : memref<2x8x128xi32, #tpu.memory_space<vmem>> -> memref<1x8x128xi32, #tpu.memory_space<vmem>>
      %dma_wait3A_117 = tpu.memref_squeeze %dma_wait3A_116 : memref<1x8x128xi32, #tpu.memory_space<vmem>> -> memref<8x128xi32, #tpu.memory_space<vmem>>
      %dma_wait3A_118 = arith.constant 0 : i32
      %dma_wait3A_119 = tpu.memref_slice %arg3[%add3A_101, %dma_wait3A_118] : memref<2560x128xi32, #tpu.memory_space<hbm>> -> memref<8x128xi32, #tpu.memory_space<hbm>>
      %dma_wait3A_120 = arith.constant 0 : i32
      %dma_wait3A_121 = arith.constant 0 : i32
      %dma_wait3A_122 = tpu.memref_slice %arg8[%rem3A_98, %dma_wait3A_120, %dma_wait3A_121] : memref<2x8x128xi32, #tpu.memory_space<vmem>> -> memref<1x8x128xi32, #tpu.memory_space<vmem>>
      %dma_wait3A_123 = tpu.memref_squeeze %dma_wait3A_122 : memref<1x8x128xi32, #tpu.memory_space<vmem>> -> memref<8x128xi32, #tpu.memory_space<vmem>>
      %dma_wait3A_124 = arith.constant 0 : i32
      %dma_wait3A_125 = tpu.memref_slice %arg3[%add3A_101, %dma_wait3A_124] : memref<2560x128xi32, #tpu.memory_space<hbm>> -> memref<8x128xi32, #tpu.memory_space<hbm>>
      tpu.wait_dma2 semaphore(%arg13 : memref<!tpu.dma_semaphore, #tpu.memory_space<semaphore_mem>>) src(%dma_wait3A_125 : memref<8x128xi32, #tpu.memory_space<hbm>>) dst(%dma_wait3A_123 : memref<8x128xi32, #tpu.memory_space<vmem>>)
      %add3A_126 = arith.constant 1 : i32
      %add3A_127 = arith.addi %while3A_96, %add3A_126 : i32
      %sub3A_128 = arith.constant 1 : i32
      %sub3A_129 = arith.subi %select_n3A_22, %sub3A_128 : i32
      %min3A = arith.minsi %add3A_127, %sub3A_129 : i32
      %mul3A_130 = arith.constant 8 : i32
      %mul3A_131 = arith.muli %min3A, %mul3A_130 : i32
      %add3A_132 = arith.addi %add3A, %mul3A_131 : i32
      %sub3A_133 = arith.constant 1 : i32
      %sub3A_134 = arith.subi %sub3A_133, %rem3A_98 : i32
      %dma_start3A_135 = arith.constant 0 : i32
      %dma_start3A_136 = arith.constant 0 : i32
      %dma_start3A_137 = tpu.memref_slice %arg7[%sub3A_134, %dma_start3A_135, %dma_start3A_136] : memref<2x8x128xi32, #tpu.memory_space<vmem>> -> memref<1x8x128xi32, #tpu.memory_space<vmem>>
      %dma_start3A_138 = tpu.memref_squeeze %dma_start3A_137 : memref<1x8x128xi32, #tpu.memory_space<vmem>> -> memref<8x128xi32, #tpu.memory_space<vmem>>
      %dma_start3A_139 = arith.constant 0 : i32
      %dma_start3A_140 = tpu.memref_slice %arg2[%add3A_132, %dma_start3A_139] : memref<2560x128xi32, #tpu.memory_space<hbm>> -> memref<8x128xi32, #tpu.memory_space<hbm>>
      %dma_start3A_141 = arith.constant 0 : i32
      %dma_start3A_142 = arith.constant 0 : i32
      %dma_start3A_143 = tpu.memref_slice %arg7[%sub3A_134, %dma_start3A_141, %dma_start3A_142] : memref<2x8x128xi32, #tpu.memory_space<vmem>> -> memref<1x8x128xi32, #tpu.memory_space<vmem>>
      %dma_start3A_144 = tpu.memref_squeeze %dma_start3A_143 : memref<1x8x128xi32, #tpu.memory_space<vmem>> -> memref<8x128xi32, #tpu.memory_space<vmem>>
      %dma_start3A_145 = arith.constant 0 : i32
      %dma_start3A_146 = tpu.memref_slice %arg2[%add3A_132, %dma_start3A_145] : memref<2560x128xi32, #tpu.memory_space<hbm>> -> memref<8x128xi32, #tpu.memory_space<hbm>>
      tpu.enqueue_dma source(%dma_start3A_146 : memref<8x128xi32, #tpu.memory_space<hbm>>) target(%dma_start3A_144 : memref<8x128xi32, #tpu.memory_space<vmem>>) target_semaphore(%arg13 : memref<!tpu.dma_semaphore, #tpu.memory_space<semaphore_mem>>)
      %sub3A_147 = arith.constant 1 : i32
      %sub3A_148 = arith.subi %sub3A_147, %rem3A_98 : i32
      %dma_start3A_149 = arith.constant 0 : i32
      %dma_start3A_150 = arith.constant 0 : i32
      %dma_start3A_151 = tpu.memref_slice %arg8[%sub3A_148, %dma_start3A_149, %dma_start3A_150] : memref<2x8x128xi32, #tpu.memory_space<vmem>> -> memref<1x8x128xi32, #tpu.memory_space<vmem>>
      %dma_start3A_152 = tpu.memref_squeeze %dma_start3A_151 : memref<1x8x128xi32, #tpu.memory_space<vmem>> -> memref<8x128xi32, #tpu.memory_space<vmem>>
      %dma_start3A_153 = arith.constant 0 : i32
      %dma_start3A_154 = tpu.memref_slice %arg3[%add3A_132, %dma_start3A_153] : memref<2560x128xi32, #tpu.memory_space<hbm>> -> memref<8x128xi32, #tpu.memory_space<hbm>>
      %dma_start3A_155 = arith.constant 0 : i32
      %dma_start3A_156 = arith.constant 0 : i32
      %dma_start3A_157 = tpu.memref_slice %arg8[%sub3A_148, %dma_start3A_155, %dma_start3A_156] : memref<2x8x128xi32, #tpu.memory_space<vmem>> -> memref<1x8x128xi32, #tpu.memory_space<vmem>>
      %dma_start3A_158 = tpu.memref_squeeze %dma_start3A_157 : memref<1x8x128xi32, #tpu.memory_space<vmem>> -> memref<8x128xi32, #tpu.memory_space<vmem>>
      %dma_start3A_159 = arith.constant 0 : i32
      %dma_start3A_160 = tpu.memref_slice %arg3[%add3A_132, %dma_start3A_159] : memref<2560x128xi32, #tpu.memory_space<hbm>> -> memref<8x128xi32, #tpu.memory_space<hbm>>
      tpu.enqueue_dma source(%dma_start3A_160 : memref<8x128xi32, #tpu.memory_space<hbm>>) target(%dma_start3A_158 : memref<8x128xi32, #tpu.memory_space<vmem>>) target_semaphore(%arg13 : memref<!tpu.dma_semaphore, #tpu.memory_space<semaphore_mem>>)
      %dma_start3A_161 = arith.constant 0 : i32
      %dma_start3A_162 = arith.constant 0 : i32
      %dma_start3A_163 = arith.constant 0 : i32
      %dma_start3A_164 = arith.constant 0 : i32
      %dma_start3A_165 = tpu.memref_slice %arg9[%dma_start3A_162, %dma_start3A_163, %dma_start3A_164] : memref<2x128x128xf32, #tpu.memory_space<vmem>> -> memref<1x128x128xf32, #tpu.memory_space<vmem>>
      %dma_start3A_166 = tpu.memref_squeeze %dma_start3A_165 : memref<1x128x128xf32, #tpu.memory_space<vmem>> -> memref<128x128xf32, #tpu.memory_space<vmem>>
      %dma_start3A_167 = arith.constant 0 : i32
      %dma_start3A_168 = arith.constant 0 : i32
      %dma_start3A_169 = tpu.memref_slice %arg7[%rem3A_98, %dma_start3A_167, %dma_start3A_168] : memref<2x8x128xi32, #tpu.memory_space<vmem>> -> memref<1x8x128xi32, #tpu.memory_space<vmem>>
      %dma_start3A_170 = tpu.memref_squeeze %dma_start3A_169 : memref<1x8x128xi32, #tpu.memory_space<vmem>> -> memref<8x128xi32, #tpu.memory_space<vmem>>
      %dma_start3A_171 = arith.constant 0 : i32
      %dma_start3A_172 = tpu.memref_slice %dma_start3A_170[%dma_start3A_161, %dma_start3A_171] : memref<8x128xi32, #tpu.memory_space<vmem>> -> memref<1x128xi32, #tpu.memory_space<vmem>>
      %dma_start3A_173 = tpu.memref_squeeze %dma_start3A_172 : memref<1x128xi32, #tpu.memory_space<vmem>> -> memref<128xi32, #tpu.memory_space<vmem>>
      %dma_start3A_174 = arith.constant 0 : i32
      %dma_start3A_175 = arith.constant 0 : i32
      %dma_start3A_176 = tpu.memref_slice %arg4[%dma_start3A_174, %dma_start3A_175] : memref<10240x128xf32, #tpu.memory_space<hbm>> -> memref<10240x128xf32, #tpu.memory_space<hbm>>
      tpu.enqueue_indirect_dma source(%dma_start3A_176 : memref<10240x128xf32, #tpu.memory_space<hbm>>) target(%dma_start3A_166 : memref<128x128xf32, #tpu.memory_space<vmem>>) offsets(%dma_start3A_173 : memref<128xi32, #tpu.memory_space<vmem>>) semaphore(%arg11 : memref<!tpu.dma_semaphore, #tpu.memory_space<semaphore_mem>>)
      %dma_start3A_177 = arith.constant 1 : i32
      %dma_start3A_178 = arith.constant 1 : i32
      %dma_start3A_179 = arith.constant 0 : i32
      %dma_start3A_180 = arith.constant 0 : i32
      %dma_start3A_181 = tpu.memref_slice %arg9[%dma_start3A_178, %dma_start3A_179, %dma_start3A_180] : memref<2x128x128xf32, #tpu.memory_space<vmem>> -> memref<1x128x128xf32, #tpu.memory_space<vmem>>
      %dma_start3A_182 = tpu.memref_squeeze %dma_start3A_181 : memref<1x128x128xf32, #tpu.memory_space<vmem>> -> memref<128x128xf32, #tpu.memory_space<vmem>>
      %dma_start3A_183 = arith.constant 0 : i32
      %dma_start3A_184 = arith.constant 0 : i32
      %dma_start3A_185 = tpu.memref_slice %arg7[%rem3A_98, %dma_start3A_183, %dma_start3A_184] : memref<2x8x128xi32, #tpu.memory_space<vmem>> -> memref<1x8x128xi32, #tpu.memory_space<vmem>>
      %dma_start3A_186 = tpu.memref_squeeze %dma_start3A_185 : memref<1x8x128xi32, #tpu.memory_space<vmem>> -> memref<8x128xi32, #tpu.memory_space<vmem>>
      %dma_start3A_187 = arith.constant 0 : i32
      %dma_start3A_188 = tpu.memref_slice %dma_start3A_186[%dma_start3A_177, %dma_start3A_187] : memref<8x128xi32, #tpu.memory_space<vmem>> -> memref<1x128xi32, #tpu.memory_space<vmem>>
      %dma_start3A_189 = tpu.memref_squeeze %dma_start3A_188 : memref<1x128xi32, #tpu.memory_space<vmem>> -> memref<128xi32, #tpu.memory_space<vmem>>
      %dma_start3A_190 = arith.constant 0 : i32
      %dma_start3A_191 = arith.constant 0 : i32
      %dma_start3A_192 = tpu.memref_slice %arg4[%dma_start3A_190, %dma_start3A_191] : memref<10240x128xf32, #tpu.memory_space<hbm>> -> memref<10240x128xf32, #tpu.memory_space<hbm>>
      tpu.enqueue_indirect_dma source(%dma_start3A_192 : memref<10240x128xf32, #tpu.memory_space<hbm>>) target(%dma_start3A_182 : memref<128x128xf32, #tpu.memory_space<vmem>>) offsets(%dma_start3A_189 : memref<128xi32, #tpu.memory_space<vmem>>) semaphore(%arg12 : memref<!tpu.dma_semaphore, #tpu.memory_space<semaphore_mem>>)
      %dma_wait3A_193 = arith.constant 0 : i32
      %dma_wait3A_194 = arith.constant 0 : i32
      %dma_wait3A_195 = arith.constant 0 : i32
      %dma_wait3A_196 = arith.constant 0 : i32
      %dma_wait3A_197 = tpu.memref_slice %arg9[%dma_wait3A_194, %dma_wait3A_195, %dma_wait3A_196] : memref<2x128x128xf32, #tpu.memory_space<vmem>> -> memref<1x128x128xf32, #tpu.memory_space<vmem>>
      %dma_wait3A_198 = tpu.memref_squeeze %dma_wait3A_197 : memref<1x128x128xf32, #tpu.memory_space<vmem>> -> memref<128x128xf32, #tpu.memory_space<vmem>>
      %dma_wait3A_199 = arith.constant 0 : i32
      %dma_wait3A_200 = arith.constant 0 : i32
      %dma_wait3A_201 = tpu.memref_slice %arg7[%rem3A_98, %dma_wait3A_199, %dma_wait3A_200] : memref<2x8x128xi32, #tpu.memory_space<vmem>> -> memref<1x8x128xi32, #tpu.memory_space<vmem>>
      %dma_wait3A_202 = tpu.memref_squeeze %dma_wait3A_201 : memref<1x8x128xi32, #tpu.memory_space<vmem>> -> memref<8x128xi32, #tpu.memory_space<vmem>>
      %dma_wait3A_203 = arith.constant 0 : i32
      %dma_wait3A_204 = tpu.memref_slice %dma_wait3A_202[%dma_wait3A_193, %dma_wait3A_203] : memref<8x128xi32, #tpu.memory_space<vmem>> -> memref<1x128xi32, #tpu.memory_space<vmem>>
      %dma_wait3A_205 = tpu.memref_squeeze %dma_wait3A_204 : memref<1x128xi32, #tpu.memory_space<vmem>> -> memref<128xi32, #tpu.memory_space<vmem>>
      %dma_wait3A_206 = arith.constant 0 : i32
      %dma_wait3A_207 = arith.constant 0 : i32
      %dma_wait3A_208 = tpu.memref_slice %arg4[%dma_wait3A_206, %dma_wait3A_207] : memref<10240x128xf32, #tpu.memory_space<hbm>> -> memref<10240x128xf32, #tpu.memory_space<hbm>>
      tpu.wait_indirect_dma semaphore(%arg11 : memref<!tpu.dma_semaphore, #tpu.memory_space<semaphore_mem>>) src(%dma_wait3A_208 : memref<10240x128xf32, #tpu.memory_space<hbm>>) dst(%dma_wait3A_198 : memref<128x128xf32, #tpu.memory_space<vmem>>)
      %run_scoped3A = arith.constant 0 : i32
      %run_scoped3A_209 = arith.constant 0 : i32
      "tpu.region"() ({
        %run_scoped3A_432 = tpu.sem_alloc : memref<!tpu.dma_semaphore, #tpu.memory_space<semaphore_mem>>
        %dma_start3A_433 = arith.constant 0 : i32
        %dma_start3A_434 = arith.constant 0 : i32
        %dma_start3A_435 = tpu.memref_slice %arg9[%run_scoped3A, %dma_start3A_433, %dma_start3A_434] : memref<2x128x128xf32, #tpu.memory_space<vmem>> -> memref<1x128x128xf32, #tpu.memory_space<vmem>>
        %dma_start3A_436 = tpu.memref_squeeze %dma_start3A_435 : memref<1x128x128xf32, #tpu.memory_space<vmem>> -> memref<128x128xf32, #tpu.memory_space<vmem>>
        %dma_start3A_437 = arith.constant 0 : i32
        %dma_start3A_438 = arith.constant 0 : i32
        %dma_start3A_439 = tpu.memref_slice %arg8[%rem3A_98, %dma_start3A_437, %dma_start3A_438] : memref<2x8x128xi32, #tpu.memory_space<vmem>> -> memref<1x8x128xi32, #tpu.memory_space<vmem>>
        %dma_start3A_440 = tpu.memref_squeeze %dma_start3A_439 : memref<1x8x128xi32, #tpu.memory_space<vmem>> -> memref<8x128xi32, #tpu.memory_space<vmem>>
        %dma_start3A_441 = arith.constant 0 : i32
        %dma_start3A_442 = tpu.memref_slice %dma_start3A_440[%run_scoped3A_209, %dma_start3A_441] : memref<8x128xi32, #tpu.memory_space<vmem>> -> memref<1x128xi32, #tpu.memory_space<vmem>>
        %dma_start3A_443 = tpu.memref_squeeze %dma_start3A_442 : memref<1x128xi32, #tpu.memory_space<vmem>> -> memref<128xi32, #tpu.memory_space<vmem>>
        %dma_start3A_444 = arith.constant 0 : i32
        %dma_start3A_445 = arith.constant 0 : i32
        %dma_start3A_446 = tpu.memref_slice %arg10[%dma_start3A_444, %dma_start3A_445] : memref<10240x128xf32, #tpu.memory_space<vmem_shared>> -> memref<10240x128xf32, #tpu.memory_space<vmem_shared>>
        tpu.enqueue_indirect_dma source(%dma_start3A_436 : memref<128x128xf32, #tpu.memory_space<vmem>>) target(%dma_start3A_446 : memref<10240x128xf32, #tpu.memory_space<vmem_shared>>) offsets(%dma_start3A_443 : memref<128xi32, #tpu.memory_space<vmem>>) semaphore(%run_scoped3A_432 : memref<!tpu.dma_semaphore, #tpu.memory_space<semaphore_mem>>) {add = true}
        %dma_wait3A_447 = arith.constant 0 : i32
        %dma_wait3A_448 = arith.constant 0 : i32
        %dma_wait3A_449 = tpu.memref_slice %arg9[%run_scoped3A, %dma_wait3A_447, %dma_wait3A_448] : memref<2x128x128xf32, #tpu.memory_space<vmem>> -> memref<1x128x128xf32, #tpu.memory_space<vmem>>
        %dma_wait3A_450 = tpu.memref_squeeze %dma_wait3A_449 : memref<1x128x128xf32, #tpu.memory_space<vmem>> -> memref<128x128xf32, #tpu.memory_space<vmem>>
        %dma_wait3A_451 = arith.constant 0 : i32
        %dma_wait3A_452 = arith.constant 0 : i32
        %dma_wait3A_453 = tpu.memref_slice %arg8[%rem3A_98, %dma_wait3A_451, %dma_wait3A_452] : memref<2x8x128xi32, #tpu.memory_space<vmem>> -> memref<1x8x128xi32, #tpu.memory_space<vmem>>
        %dma_wait3A_454 = tpu.memref_squeeze %dma_wait3A_453 : memref<1x8x128xi32, #tpu.memory_space<vmem>> -> memref<8x128xi32, #tpu.memory_space<vmem>>
        %dma_wait3A_455 = arith.constant 0 : i32
        %dma_wait3A_456 = tpu.memref_slice %dma_wait3A_454[%run_scoped3A_209, %dma_wait3A_455] : memref<8x128xi32, #tpu.memory_space<vmem>> -> memref<1x128xi32, #tpu.memory_space<vmem>>
        %dma_wait3A_457 = tpu.memref_squeeze %dma_wait3A_456 : memref<1x128xi32, #tpu.memory_space<vmem>> -> memref<128xi32, #tpu.memory_space<vmem>>
        %dma_wait3A_458 = arith.constant 0 : i32
        %dma_wait3A_459 = arith.constant 0 : i32
        %dma_wait3A_460 = tpu.memref_slice %arg10[%dma_wait3A_458, %dma_wait3A_459] : memref<10240x128xf32, #tpu.memory_space<vmem_shared>> -> memref<10240x128xf32, #tpu.memory_space<vmem_shared>>
        tpu.wait_indirect_dma semaphore(%run_scoped3A_432 : memref<!tpu.dma_semaphore, #tpu.memory_space<semaphore_mem>>) src(%dma_wait3A_450 : memref<128x128xf32, #tpu.memory_space<vmem>>) dst(%dma_wait3A_460 : memref<10240x128xf32, #tpu.memory_space<vmem_shared>>)
        tpu.yield
      }) : () -> ()
      %dma_start3A_210 = arith.constant 2 : i32
      %dma_start3A_211 = arith.constant 0 : i32
      %dma_start3A_212 = arith.constant 0 : i32
      %dma_start3A_213 = arith.constant 0 : i32
      %dma_start3A_214 = tpu.memref_slice %arg9[%dma_start3A_211, %dma_start3A_212, %dma_start3A_213] : memref<2x128x128xf32, #tpu.memory_space<vmem>> -> memref<1x128x128xf32, #tpu.memory_space<vmem>>
      %dma_start3A_215 = tpu.memref_squeeze %dma_start3A_214 : memref<1x128x128xf32, #tpu.memory_space<vmem>> -> memref<128x128xf32, #tpu.memory_space<vmem>>
      %dma_start3A_216 = arith.constant 0 : i32
      %dma_start3A_217 = arith.constant 0 : i32
      %dma_start3A_218 = tpu.memref_slice %arg7[%rem3A_98, %dma_start3A_216, %dma_start3A_217] : memref<2x8x128xi32, #tpu.memory_space<vmem>> -> memref<1x8x128xi32, #tpu.memory_space<vmem>>
      %dma_start3A_219 = tpu.memref_squeeze %dma_start3A_218 : memref<1x8x128xi32, #tpu.memory_space<vmem>> -> memref<8x128xi32, #tpu.memory_space<vmem>>
      %dma_start3A_220 = arith.constant 0 : i32
      %dma_start3A_221 = tpu.memref_slice %dma_start3A_219[%dma_start3A_210, %dma_start3A_220] : memref<8x128xi32, #tpu.memory_space<vmem>> -> memref<1x128xi32, #tpu.memory_space<vmem>>
      %dma_start3A_222 = tpu.memref_squeeze %dma_start3A_221 : memref<1x128xi32, #tpu.memory_space<vmem>> -> memref<128xi32, #tpu.memory_space<vmem>>
      %dma_start3A_223 = arith.constant 0 : i32
      %dma_start3A_224 = arith.constant 0 : i32
      %dma_start3A_225 = tpu.memref_slice %arg4[%dma_start3A_223, %dma_start3A_224] : memref<10240x128xf32, #tpu.memory_space<hbm>> -> memref<10240x128xf32, #tpu.memory_space<hbm>>
      tpu.enqueue_indirect_dma source(%dma_start3A_225 : memref<10240x128xf32, #tpu.memory_space<hbm>>) target(%dma_start3A_215 : memref<128x128xf32, #tpu.memory_space<vmem>>) offsets(%dma_start3A_222 : memref<128xi32, #tpu.memory_space<vmem>>) semaphore(%arg11 : memref<!tpu.dma_semaphore, #tpu.memory_space<semaphore_mem>>)
      %dma_wait3A_226 = arith.constant 1 : i32
      %dma_wait3A_227 = arith.constant 1 : i32
      %dma_wait3A_228 = arith.constant 0 : i32
      %dma_wait3A_229 = arith.constant 0 : i32
      %dma_wait3A_230 = tpu.memref_slice %arg9[%dma_wait3A_227, %dma_wait3A_228, %dma_wait3A_229] : memref<2x128x128xf32, #tpu.memory_space<vmem>> -> memref<1x128x128xf32, #tpu.memory_space<vmem>>
      %dma_wait3A_231 = tpu.memref_squeeze %dma_wait3A_230 : memref<1x128x128xf32, #tpu.memory_space<vmem>> -> memref<128x128xf32, #tpu.memory_space<vmem>>
      %dma_wait3A_232 = arith.constant 0 : i32
      %dma_wait3A_233 = arith.constant 0 : i32
      %dma_wait3A_234 = tpu.memref_slice %arg7[%rem3A_98, %dma_wait3A_232, %dma_wait3A_233] : memref<2x8x128xi32, #tpu.memory_space<vmem>> -> memref<1x8x128xi32, #tpu.memory_space<vmem>>
      %dma_wait3A_235 = tpu.memref_squeeze %dma_wait3A_234 : memref<1x8x128xi32, #tpu.memory_space<vmem>> -> memref<8x128xi32, #tpu.memory_space<vmem>>
      %dma_wait3A_236 = arith.constant 0 : i32
      %dma_wait3A_237 = tpu.memref_slice %dma_wait3A_235[%dma_wait3A_226, %dma_wait3A_236] : memref<8x128xi32, #tpu.memory_space<vmem>> -> memref<1x128xi32, #tpu.memory_space<vmem>>
      %dma_wait3A_238 = tpu.memref_squeeze %dma_wait3A_237 : memref<1x128xi32, #tpu.memory_space<vmem>> -> memref<128xi32, #tpu.memory_space<vmem>>
      %dma_wait3A_239 = arith.constant 0 : i32
      %dma_wait3A_240 = arith.constant 0 : i32
      %dma_wait3A_241 = tpu.memref_slice %arg4[%dma_wait3A_239, %dma_wait3A_240] : memref<10240x128xf32, #tpu.memory_space<hbm>> -> memref<10240x128xf32, #tpu.memory_space<hbm>>
      tpu.wait_indirect_dma semaphore(%arg12 : memref<!tpu.dma_semaphore, #tpu.memory_space<semaphore_mem>>) src(%dma_wait3A_241 : memref<10240x128xf32, #tpu.memory_space<hbm>>) dst(%dma_wait3A_231 : memref<128x128xf32, #tpu.memory_space<vmem>>)
      %run_scoped3A_242 = arith.constant 1 : i32
      %run_scoped3A_243 = arith.constant 1 : i32
      "tpu.region"() ({
        %run_scoped3A_432 = tpu.sem_alloc : memref<!tpu.dma_semaphore, #tpu.memory_space<semaphore_mem>>
        %dma_start3A_433 = arith.constant 0 : i32
        %dma_start3A_434 = arith.constant 0 : i32
        %dma_start3A_435 = tpu.memref_slice %arg9[%run_scoped3A_242, %dma_start3A_433, %dma_start3A_434] : memref<2x128x128xf32, #tpu.memory_space<vmem>> -> memref<1x128x128xf32, #tpu.memory_space<vmem>>
        %dma_start3A_436 = tpu.memref_squeeze %dma_start3A_435 : memref<1x128x128xf32, #tpu.memory_space<vmem>> -> memref<128x128xf32, #tpu.memory_space<vmem>>
        %dma_start3A_437 = arith.constant 0 : i32
        %dma_start3A_438 = arith.constant 0 : i32
        %dma_start3A_439 = tpu.memref_slice %arg8[%rem3A_98, %dma_start3A_437, %dma_start3A_438] : memref<2x8x128xi32, #tpu.memory_space<vmem>> -> memref<1x8x128xi32, #tpu.memory_space<vmem>>
        %dma_start3A_440 = tpu.memref_squeeze %dma_start3A_439 : memref<1x8x128xi32, #tpu.memory_space<vmem>> -> memref<8x128xi32, #tpu.memory_space<vmem>>
        %dma_start3A_441 = arith.constant 0 : i32
        %dma_start3A_442 = tpu.memref_slice %dma_start3A_440[%run_scoped3A_243, %dma_start3A_441] : memref<8x128xi32, #tpu.memory_space<vmem>> -> memref<1x128xi32, #tpu.memory_space<vmem>>
        %dma_start3A_443 = tpu.memref_squeeze %dma_start3A_442 : memref<1x128xi32, #tpu.memory_space<vmem>> -> memref<128xi32, #tpu.memory_space<vmem>>
        %dma_start3A_444 = arith.constant 0 : i32
        %dma_start3A_445 = arith.constant 0 : i32
        %dma_start3A_446 = tpu.memref_slice %arg10[%dma_start3A_444, %dma_start3A_445] : memref<10240x128xf32, #tpu.memory_space<vmem_shared>> -> memref<10240x128xf32, #tpu.memory_space<vmem_shared>>
        tpu.enqueue_indirect_dma source(%dma_start3A_436 : memref<128x128xf32, #tpu.memory_space<vmem>>) target(%dma_start3A_446 : memref<10240x128xf32, #tpu.memory_space<vmem_shared>>) offsets(%dma_start3A_443 : memref<128xi32, #tpu.memory_space<vmem>>) semaphore(%run_scoped3A_432 : memref<!tpu.dma_semaphore, #tpu.memory_space<semaphore_mem>>) {add = true}
        %dma_wait3A_447 = arith.constant 0 : i32
        %dma_wait3A_448 = arith.constant 0 : i32
        %dma_wait3A_449 = tpu.memref_slice %arg9[%run_scoped3A_242, %dma_wait3A_447, %dma_wait3A_448] : memref<2x128x128xf32, #tpu.memory_space<vmem>> -> memref<1x128x128xf32, #tpu.memory_space<vmem>>
        %dma_wait3A_450 = tpu.memref_squeeze %dma_wait3A_449 : memref<1x128x128xf32, #tpu.memory_space<vmem>> -> memref<128x128xf32, #tpu.memory_space<vmem>>
        %dma_wait3A_451 = arith.constant 0 : i32
        %dma_wait3A_452 = arith.constant 0 : i32
        %dma_wait3A_453 = tpu.memref_slice %arg8[%rem3A_98, %dma_wait3A_451, %dma_wait3A_452] : memref<2x8x128xi32, #tpu.memory_space<vmem>> -> memref<1x8x128xi32, #tpu.memory_space<vmem>>
        %dma_wait3A_454 = tpu.memref_squeeze %dma_wait3A_453 : memref<1x8x128xi32, #tpu.memory_space<vmem>> -> memref<8x128xi32, #tpu.memory_space<vmem>>
        %dma_wait3A_455 = arith.constant 0 : i32
        %dma_wait3A_456 = tpu.memref_slice %dma_wait3A_454[%run_scoped3A_243, %dma_wait3A_455] : memref<8x128xi32, #tpu.memory_space<vmem>> -> memref<1x128xi32, #tpu.memory_space<vmem>>
        %dma_wait3A_457 = tpu.memref_squeeze %dma_wait3A_456 : memref<1x128xi32, #tpu.memory_space<vmem>> -> memref<128xi32, #tpu.memory_space<vmem>>
        %dma_wait3A_458 = arith.constant 0 : i32
        %dma_wait3A_459 = arith.constant 0 : i32
        %dma_wait3A_460 = tpu.memref_slice %arg10[%dma_wait3A_458, %dma_wait3A_459] : memref<10240x128xf32, #tpu.memory_space<vmem_shared>> -> memref<10240x128xf32, #tpu.memory_space<vmem_shared>>
        tpu.wait_indirect_dma semaphore(%run_scoped3A_432 : memref<!tpu.dma_semaphore, #tpu.memory_space<semaphore_mem>>) src(%dma_wait3A_450 : memref<128x128xf32, #tpu.memory_space<vmem>>) dst(%dma_wait3A_460 : memref<10240x128xf32, #tpu.memory_space<vmem_shared>>)
        tpu.yield
      }) : () -> ()
      %dma_start3A_244 = arith.constant 3 : i32
      %dma_start3A_245 = arith.constant 1 : i32
      %dma_start3A_246 = arith.constant 0 : i32
      %dma_start3A_247 = arith.constant 0 : i32
      %dma_start3A_248 = tpu.memref_slice %arg9[%dma_start3A_245, %dma_start3A_246, %dma_start3A_247] : memref<2x128x128xf32, #tpu.memory_space<vmem>> -> memref<1x128x128xf32, #tpu.memory_space<vmem>>
      %dma_start3A_249 = tpu.memref_squeeze %dma_start3A_248 : memref<1x128x128xf32, #tpu.memory_space<vmem>> -> memref<128x128xf32, #tpu.memory_space<vmem>>
      %dma_start3A_250 = arith.constant 0 : i32
      %dma_start3A_251 = arith.constant 0 : i32
      %dma_start3A_252 = tpu.memref_slice %arg7[%rem3A_98, %dma_start3A_250, %dma_start3A_251] : memref<2x8x128xi32, #tpu.memory_space<vmem>> -> memref<1x8x128xi32, #tpu.memory_space<vmem>>
      %dma_start3A_253 = tpu.memref_squeeze %dma_start3A_252 : memref<1x8x128xi32, #tpu.memory_space<vmem>> -> memref<8x128xi32, #tpu.memory_space<vmem>>
      %dma_start3A_254 = arith.constant 0 : i32
      %dma_start3A_255 = tpu.memref_slice %dma_start3A_253[%dma_start3A_244, %dma_start3A_254] : memref<8x128xi32, #tpu.memory_space<vmem>> -> memref<1x128xi32, #tpu.memory_space<vmem>>
      %dma_start3A_256 = tpu.memref_squeeze %dma_start3A_255 : memref<1x128xi32, #tpu.memory_space<vmem>> -> memref<128xi32, #tpu.memory_space<vmem>>
      %dma_start3A_257 = arith.constant 0 : i32
      %dma_start3A_258 = arith.constant 0 : i32
      %dma_start3A_259 = tpu.memref_slice %arg4[%dma_start3A_257, %dma_start3A_258] : memref<10240x128xf32, #tpu.memory_space<hbm>> -> memref<10240x128xf32, #tpu.memory_space<hbm>>
      tpu.enqueue_indirect_dma source(%dma_start3A_259 : memref<10240x128xf32, #tpu.memory_space<hbm>>) target(%dma_start3A_249 : memref<128x128xf32, #tpu.memory_space<vmem>>) offsets(%dma_start3A_256 : memref<128xi32, #tpu.memory_space<vmem>>) semaphore(%arg12 : memref<!tpu.dma_semaphore, #tpu.memory_space<semaphore_mem>>)
      %dma_wait3A_260 = arith.constant 2 : i32
      %dma_wait3A_261 = arith.constant 0 : i32
      %dma_wait3A_262 = arith.constant 0 : i32
      %dma_wait3A_263 = arith.constant 0 : i32
      %dma_wait3A_264 = tpu.memref_slice %arg9[%dma_wait3A_261, %dma_wait3A_262, %dma_wait3A_263] : memref<2x128x128xf32, #tpu.memory_space<vmem>> -> memref<1x128x128xf32, #tpu.memory_space<vmem>>
      %dma_wait3A_265 = tpu.memref_squeeze %dma_wait3A_264 : memref<1x128x128xf32, #tpu.memory_space<vmem>> -> memref<128x128xf32, #tpu.memory_space<vmem>>
      %dma_wait3A_266 = arith.constant 0 : i32
      %dma_wait3A_267 = arith.constant 0 : i32
      %dma_wait3A_268 = tpu.memref_slice %arg7[%rem3A_98, %dma_wait3A_266, %dma_wait3A_267] : memref<2x8x128xi32, #tpu.memory_space<vmem>> -> memref<1x8x128xi32, #tpu.memory_space<vmem>>
      %dma_wait3A_269 = tpu.memref_squeeze %dma_wait3A_268 : memref<1x8x128xi32, #tpu.memory_space<vmem>> -> memref<8x128xi32, #tpu.memory_space<vmem>>
      %dma_wait3A_270 = arith.constant 0 : i32
      %dma_wait3A_271 = tpu.memref_slice %dma_wait3A_269[%dma_wait3A_260, %dma_wait3A_270] : memref<8x128xi32, #tpu.memory_space<vmem>> -> memref<1x128xi32, #tpu.memory_space<vmem>>
      %dma_wait3A_272 = tpu.memref_squeeze %dma_wait3A_271 : memref<1x128xi32, #tpu.memory_space<vmem>> -> memref<128xi32, #tpu.memory_space<vmem>>
      %dma_wait3A_273 = arith.constant 0 : i32
      %dma_wait3A_274 = arith.constant 0 : i32
      %dma_wait3A_275 = tpu.memref_slice %arg4[%dma_wait3A_273, %dma_wait3A_274] : memref<10240x128xf32, #tpu.memory_space<hbm>> -> memref<10240x128xf32, #tpu.memory_space<hbm>>
      tpu.wait_indirect_dma semaphore(%arg11 : memref<!tpu.dma_semaphore, #tpu.memory_space<semaphore_mem>>) src(%dma_wait3A_275 : memref<10240x128xf32, #tpu.memory_space<hbm>>) dst(%dma_wait3A_265 : memref<128x128xf32, #tpu.memory_space<vmem>>)
      %run_scoped3A_276 = arith.constant 0 : i32
      %run_scoped3A_277 = arith.constant 2 : i32
      "tpu.region"() ({
        %run_scoped3A_432 = tpu.sem_alloc : memref<!tpu.dma_semaphore, #tpu.memory_space<semaphore_mem>>
        %dma_start3A_433 = arith.constant 0 : i32
        %dma_start3A_434 = arith.constant 0 : i32
        %dma_start3A_435 = tpu.memref_slice %arg9[%run_scoped3A_276, %dma_start3A_433, %dma_start3A_434] : memref<2x128x128xf32, #tpu.memory_space<vmem>> -> memref<1x128x128xf32, #tpu.memory_space<vmem>>
        %dma_start3A_436 = tpu.memref_squeeze %dma_start3A_435 : memref<1x128x128xf32, #tpu.memory_space<vmem>> -> memref<128x128xf32, #tpu.memory_space<vmem>>
        %dma_start3A_437 = arith.constant 0 : i32
        %dma_start3A_438 = arith.constant 0 : i32
        %dma_start3A_439 = tpu.memref_slice %arg8[%rem3A_98, %dma_start3A_437, %dma_start3A_438] : memref<2x8x128xi32, #tpu.memory_space<vmem>> -> memref<1x8x128xi32, #tpu.memory_space<vmem>>
        %dma_start3A_440 = tpu.memref_squeeze %dma_start3A_439 : memref<1x8x128xi32, #tpu.memory_space<vmem>> -> memref<8x128xi32, #tpu.memory_space<vmem>>
        %dma_start3A_441 = arith.constant 0 : i32
        %dma_start3A_442 = tpu.memref_slice %dma_start3A_440[%run_scoped3A_277, %dma_start3A_441] : memref<8x128xi32, #tpu.memory_space<vmem>> -> memref<1x128xi32, #tpu.memory_space<vmem>>
        %dma_start3A_443 = tpu.memref_squeeze %dma_start3A_442 : memref<1x128xi32, #tpu.memory_space<vmem>> -> memref<128xi32, #tpu.memory_space<vmem>>
        %dma_start3A_444 = arith.constant 0 : i32
        %dma_start3A_445 = arith.constant 0 : i32
        %dma_start3A_446 = tpu.memref_slice %arg10[%dma_start3A_444, %dma_start3A_445] : memref<10240x128xf32, #tpu.memory_space<vmem_shared>> -> memref<10240x128xf32, #tpu.memory_space<vmem_shared>>
        tpu.enqueue_indirect_dma source(%dma_start3A_436 : memref<128x128xf32, #tpu.memory_space<vmem>>) target(%dma_start3A_446 : memref<10240x128xf32, #tpu.memory_space<vmem_shared>>) offsets(%dma_start3A_443 : memref<128xi32, #tpu.memory_space<vmem>>) semaphore(%run_scoped3A_432 : memref<!tpu.dma_semaphore, #tpu.memory_space<semaphore_mem>>) {add = true}
        %dma_wait3A_447 = arith.constant 0 : i32
        %dma_wait3A_448 = arith.constant 0 : i32
        %dma_wait3A_449 = tpu.memref_slice %arg9[%run_scoped3A_276, %dma_wait3A_447, %dma_wait3A_448] : memref<2x128x128xf32, #tpu.memory_space<vmem>> -> memref<1x128x128xf32, #tpu.memory_space<vmem>>
        %dma_wait3A_450 = tpu.memref_squeeze %dma_wait3A_449 : memref<1x128x128xf32, #tpu.memory_space<vmem>> -> memref<128x128xf32, #tpu.memory_space<vmem>>
        %dma_wait3A_451 = arith.constant 0 : i32
        %dma_wait3A_452 = arith.constant 0 : i32
        %dma_wait3A_453 = tpu.memref_slice %arg8[%rem3A_98, %dma_wait3A_451, %dma_wait3A_452] : memref<2x8x128xi32, #tpu.memory_space<vmem>> -> memref<1x8x128xi32, #tpu.memory_space<vmem>>
        %dma_wait3A_454 = tpu.memref_squeeze %dma_wait3A_453 : memref<1x8x128xi32, #tpu.memory_space<vmem>> -> memref<8x128xi32, #tpu.memory_space<vmem>>
        %dma_wait3A_455 = arith.constant 0 : i32
        %dma_wait3A_456 = tpu.memref_slice %dma_wait3A_454[%run_scoped3A_277, %dma_wait3A_455] : memref<8x128xi32, #tpu.memory_space<vmem>> -> memref<1x128xi32, #tpu.memory_space<vmem>>
        %dma_wait3A_457 = tpu.memref_squeeze %dma_wait3A_456 : memref<1x128xi32, #tpu.memory_space<vmem>> -> memref<128xi32, #tpu.memory_space<vmem>>
        %dma_wait3A_458 = arith.constant 0 : i32
        %dma_wait3A_459 = arith.constant 0 : i32
        %dma_wait3A_460 = tpu.memref_slice %arg10[%dma_wait3A_458, %dma_wait3A_459] : memref<10240x128xf32, #tpu.memory_space<vmem_shared>> -> memref<10240x128xf32, #tpu.memory_space<vmem_shared>>
        tpu.wait_indirect_dma semaphore(%run_scoped3A_432 : memref<!tpu.dma_semaphore, #tpu.memory_space<semaphore_mem>>) src(%dma_wait3A_450 : memref<128x128xf32, #tpu.memory_space<vmem>>) dst(%dma_wait3A_460 : memref<10240x128xf32, #tpu.memory_space<vmem_shared>>)
        tpu.yield
      }) : () -> ()
      %dma_start3A_278 = arith.constant 4 : i32
      %dma_start3A_279 = arith.constant 0 : i32
      %dma_start3A_280 = arith.constant 0 : i32
      %dma_start3A_281 = arith.constant 0 : i32
      %dma_start3A_282 = tpu.memref_slice %arg9[%dma_start3A_279, %dma_start3A_280, %dma_start3A_281] : memref<2x128x128xf32, #tpu.memory_space<vmem>> -> memref<1x128x128xf32, #tpu.memory_space<vmem>>
      %dma_start3A_283 = tpu.memref_squeeze %dma_start3A_282 : memref<1x128x128xf32, #tpu.memory_space<vmem>> -> memref<128x128xf32, #tpu.memory_space<vmem>>
      %dma_start3A_284 = arith.constant 0 : i32
      %dma_start3A_285 = arith.constant 0 : i32
      %dma_start3A_286 = tpu.memref_slice %arg7[%rem3A_98, %dma_start3A_284, %dma_start3A_285] : memref<2x8x128xi32, #tpu.memory_space<vmem>> -> memref<1x8x128xi32, #tpu.memory_space<vmem>>
      %dma_start3A_287 = tpu.memref_squeeze %dma_start3A_286 : memref<1x8x128xi32, #tpu.memory_space<vmem>> -> memref<8x128xi32, #tpu.memory_space<vmem>>
      %dma_start3A_288 = arith.constant 0 : i32
      %dma_start3A_289 = tpu.memref_slice %dma_start3A_287[%dma_start3A_278, %dma_start3A_288] : memref<8x128xi32, #tpu.memory_space<vmem>> -> memref<1x128xi32, #tpu.memory_space<vmem>>
      %dma_start3A_290 = tpu.memref_squeeze %dma_start3A_289 : memref<1x128xi32, #tpu.memory_space<vmem>> -> memref<128xi32, #tpu.memory_space<vmem>>
      %dma_start3A_291 = arith.constant 0 : i32
      %dma_start3A_292 = arith.constant 0 : i32
      %dma_start3A_293 = tpu.memref_slice %arg4[%dma_start3A_291, %dma_start3A_292] : memref<10240x128xf32, #tpu.memory_space<hbm>> -> memref<10240x128xf32, #tpu.memory_space<hbm>>
      tpu.enqueue_indirect_dma source(%dma_start3A_293 : memref<10240x128xf32, #tpu.memory_space<hbm>>) target(%dma_start3A_283 : memref<128x128xf32, #tpu.memory_space<vmem>>) offsets(%dma_start3A_290 : memref<128xi32, #tpu.memory_space<vmem>>) semaphore(%arg11 : memref<!tpu.dma_semaphore, #tpu.memory_space<semaphore_mem>>)
      %dma_wait3A_294 = arith.constant 3 : i32
      %dma_wait3A_295 = arith.constant 1 : i32
      %dma_wait3A_296 = arith.constant 0 : i32
      %dma_wait3A_297 = arith.constant 0 : i32
      %dma_wait3A_298 = tpu.memref_slice %arg9[%dma_wait3A_295, %dma_wait3A_296, %dma_wait3A_297] : memref<2x128x128xf32, #tpu.memory_space<vmem>> -> memref<1x128x128xf32, #tpu.memory_space<vmem>>
      %dma_wait3A_299 = tpu.memref_squeeze %dma_wait3A_298 : memref<1x128x128xf32, #tpu.memory_space<vmem>> -> memref<128x128xf32, #tpu.memory_space<vmem>>
      %dma_wait3A_300 = arith.constant 0 : i32
      %dma_wait3A_301 = arith.constant 0 : i32
      %dma_wait3A_302 = tpu.memref_slice %arg7[%rem3A_98, %dma_wait3A_300, %dma_wait3A_301] : memref<2x8x128xi32, #tpu.memory_space<vmem>> -> memref<1x8x128xi32, #tpu.memory_space<vmem>>
      %dma_wait3A_303 = tpu.memref_squeeze %dma_wait3A_302 : memref<1x8x128xi32, #tpu.memory_space<vmem>> -> memref<8x128xi32, #tpu.memory_space<vmem>>
      %dma_wait3A_304 = arith.constant 0 : i32
      %dma_wait3A_305 = tpu.memref_slice %dma_wait3A_303[%dma_wait3A_294, %dma_wait3A_304] : memref<8x128xi32, #tpu.memory_space<vmem>> -> memref<1x128xi32, #tpu.memory_space<vmem>>
      %dma_wait3A_306 = tpu.memref_squeeze %dma_wait3A_305 : memref<1x128xi32, #tpu.memory_space<vmem>> -> memref<128xi32, #tpu.memory_space<vmem>>
      %dma_wait3A_307 = arith.constant 0 : i32
      %dma_wait3A_308 = arith.constant 0 : i32
      %dma_wait3A_309 = tpu.memref_slice %arg4[%dma_wait3A_307, %dma_wait3A_308] : memref<10240x128xf32, #tpu.memory_space<hbm>> -> memref<10240x128xf32, #tpu.memory_space<hbm>>
      tpu.wait_indirect_dma semaphore(%arg12 : memref<!tpu.dma_semaphore, #tpu.memory_space<semaphore_mem>>) src(%dma_wait3A_309 : memref<10240x128xf32, #tpu.memory_space<hbm>>) dst(%dma_wait3A_299 : memref<128x128xf32, #tpu.memory_space<vmem>>)
      %run_scoped3A_310 = arith.constant 1 : i32
      %run_scoped3A_311 = arith.constant 3 : i32
      "tpu.region"() ({
        %run_scoped3A_432 = tpu.sem_alloc : memref<!tpu.dma_semaphore, #tpu.memory_space<semaphore_mem>>
        %dma_start3A_433 = arith.constant 0 : i32
        %dma_start3A_434 = arith.constant 0 : i32
        %dma_start3A_435 = tpu.memref_slice %arg9[%run_scoped3A_310, %dma_start3A_433, %dma_start3A_434] : memref<2x128x128xf32, #tpu.memory_space<vmem>> -> memref<1x128x128xf32, #tpu.memory_space<vmem>>
        %dma_start3A_436 = tpu.memref_squeeze %dma_start3A_435 : memref<1x128x128xf32, #tpu.memory_space<vmem>> -> memref<128x128xf32, #tpu.memory_space<vmem>>
        %dma_start3A_437 = arith.constant 0 : i32
        %dma_start3A_438 = arith.constant 0 : i32
        %dma_start3A_439 = tpu.memref_slice %arg8[%rem3A_98, %dma_start3A_437, %dma_start3A_438] : memref<2x8x128xi32, #tpu.memory_space<vmem>> -> memref<1x8x128xi32, #tpu.memory_space<vmem>>
        %dma_start3A_440 = tpu.memref_squeeze %dma_start3A_439 : memref<1x8x128xi32, #tpu.memory_space<vmem>> -> memref<8x128xi32, #tpu.memory_space<vmem>>
        %dma_start3A_441 = arith.constant 0 : i32
        %dma_start3A_442 = tpu.memref_slice %dma_start3A_440[%run_scoped3A_311, %dma_start3A_441] : memref<8x128xi32, #tpu.memory_space<vmem>> -> memref<1x128xi32, #tpu.memory_space<vmem>>
        %dma_start3A_443 = tpu.memref_squeeze %dma_start3A_442 : memref<1x128xi32, #tpu.memory_space<vmem>> -> memref<128xi32, #tpu.memory_space<vmem>>
        %dma_start3A_444 = arith.constant 0 : i32
        %dma_start3A_445 = arith.constant 0 : i32
        %dma_start3A_446 = tpu.memref_slice %arg10[%dma_start3A_444, %dma_start3A_445] : memref<10240x128xf32, #tpu.memory_space<vmem_shared>> -> memref<10240x128xf32, #tpu.memory_space<vmem_shared>>
        tpu.enqueue_indirect_dma source(%dma_start3A_436 : memref<128x128xf32, #tpu.memory_space<vmem>>) target(%dma_start3A_446 : memref<10240x128xf32, #tpu.memory_space<vmem_shared>>) offsets(%dma_start3A_443 : memref<128xi32, #tpu.memory_space<vmem>>) semaphore(%run_scoped3A_432 : memref<!tpu.dma_semaphore, #tpu.memory_space<semaphore_mem>>) {add = true}
        %dma_wait3A_447 = arith.constant 0 : i32
        %dma_wait3A_448 = arith.constant 0 : i32
        %dma_wait3A_449 = tpu.memref_slice %arg9[%run_scoped3A_310, %dma_wait3A_447, %dma_wait3A_448] : memref<2x128x128xf32, #tpu.memory_space<vmem>> -> memref<1x128x128xf32, #tpu.memory_space<vmem>>
        %dma_wait3A_450 = tpu.memref_squeeze %dma_wait3A_449 : memref<1x128x128xf32, #tpu.memory_space<vmem>> -> memref<128x128xf32, #tpu.memory_space<vmem>>
        %dma_wait3A_451 = arith.constant 0 : i32
        %dma_wait3A_452 = arith.constant 0 : i32
        %dma_wait3A_453 = tpu.memref_slice %arg8[%rem3A_98, %dma_wait3A_451, %dma_wait3A_452] : memref<2x8x128xi32, #tpu.memory_space<vmem>> -> memref<1x8x128xi32, #tpu.memory_space<vmem>>
        %dma_wait3A_454 = tpu.memref_squeeze %dma_wait3A_453 : memref<1x8x128xi32, #tpu.memory_space<vmem>> -> memref<8x128xi32, #tpu.memory_space<vmem>>
        %dma_wait3A_455 = arith.constant 0 : i32
        %dma_wait3A_456 = tpu.memref_slice %dma_wait3A_454[%run_scoped3A_311, %dma_wait3A_455] : memref<8x128xi32, #tpu.memory_space<vmem>> -> memref<1x128xi32, #tpu.memory_space<vmem>>
        %dma_wait3A_457 = tpu.memref_squeeze %dma_wait3A_456 : memref<1x128xi32, #tpu.memory_space<vmem>> -> memref<128xi32, #tpu.memory_space<vmem>>
        %dma_wait3A_458 = arith.constant 0 : i32
        %dma_wait3A_459 = arith.constant 0 : i32
        %dma_wait3A_460 = tpu.memref_slice %arg10[%dma_wait3A_458, %dma_wait3A_459] : memref<10240x128xf32, #tpu.memory_space<vmem_shared>> -> memref<10240x128xf32, #tpu.memory_space<vmem_shared>>
        tpu.wait_indirect_dma semaphore(%run_scoped3A_432 : memref<!tpu.dma_semaphore, #tpu.memory_space<semaphore_mem>>) src(%dma_wait3A_450 : memref<128x128xf32, #tpu.memory_space<vmem>>) dst(%dma_wait3A_460 : memref<10240x128xf32, #tpu.memory_space<vmem_shared>>)
        tpu.yield
      }) : () -> ()
      %dma_start3A_312 = arith.constant 5 : i32
      %dma_start3A_313 = arith.constant 1 : i32
      %dma_start3A_314 = arith.constant 0 : i32
      %dma_start3A_315 = arith.constant 0 : i32
      %dma_start3A_316 = tpu.memref_slice %arg9[%dma_start3A_313, %dma_start3A_314, %dma_start3A_315] : memref<2x128x128xf32, #tpu.memory_space<vmem>> -> memref<1x128x128xf32, #tpu.memory_space<vmem>>
      %dma_start3A_317 = tpu.memref_squeeze %dma_start3A_316 : memref<1x128x128xf32, #tpu.memory_space<vmem>> -> memref<128x128xf32, #tpu.memory_space<vmem>>
      %dma_start3A_318 = arith.constant 0 : i32
      %dma_start3A_319 = arith.constant 0 : i32
      %dma_start3A_320 = tpu.memref_slice %arg7[%rem3A_98, %dma_start3A_318, %dma_start3A_319] : memref<2x8x128xi32, #tpu.memory_space<vmem>> -> memref<1x8x128xi32, #tpu.memory_space<vmem>>
      %dma_start3A_321 = tpu.memref_squeeze %dma_start3A_320 : memref<1x8x128xi32, #tpu.memory_space<vmem>> -> memref<8x128xi32, #tpu.memory_space<vmem>>
      %dma_start3A_322 = arith.constant 0 : i32
      %dma_start3A_323 = tpu.memref_slice %dma_start3A_321[%dma_start3A_312, %dma_start3A_322] : memref<8x128xi32, #tpu.memory_space<vmem>> -> memref<1x128xi32, #tpu.memory_space<vmem>>
      %dma_start3A_324 = tpu.memref_squeeze %dma_start3A_323 : memref<1x128xi32, #tpu.memory_space<vmem>> -> memref<128xi32, #tpu.memory_space<vmem>>
      %dma_start3A_325 = arith.constant 0 : i32
      %dma_start3A_326 = arith.constant 0 : i32
      %dma_start3A_327 = tpu.memref_slice %arg4[%dma_start3A_325, %dma_start3A_326] : memref<10240x128xf32, #tpu.memory_space<hbm>> -> memref<10240x128xf32, #tpu.memory_space<hbm>>
      tpu.enqueue_indirect_dma source(%dma_start3A_327 : memref<10240x128xf32, #tpu.memory_space<hbm>>) target(%dma_start3A_317 : memref<128x128xf32, #tpu.memory_space<vmem>>) offsets(%dma_start3A_324 : memref<128xi32, #tpu.memory_space<vmem>>) semaphore(%arg12 : memref<!tpu.dma_semaphore, #tpu.memory_space<semaphore_mem>>)
      %dma_wait3A_328 = arith.constant 4 : i32
      %dma_wait3A_329 = arith.constant 0 : i32
      %dma_wait3A_330 = arith.constant 0 : i32
      %dma_wait3A_331 = arith.constant 0 : i32
      %dma_wait3A_332 = tpu.memref_slice %arg9[%dma_wait3A_329, %dma_wait3A_330, %dma_wait3A_331] : memref<2x128x128xf32, #tpu.memory_space<vmem>> -> memref<1x128x128xf32, #tpu.memory_space<vmem>>
      %dma_wait3A_333 = tpu.memref_squeeze %dma_wait3A_332 : memref<1x128x128xf32, #tpu.memory_space<vmem>> -> memref<128x128xf32, #tpu.memory_space<vmem>>
      %dma_wait3A_334 = arith.constant 0 : i32
      %dma_wait3A_335 = arith.constant 0 : i32
      %dma_wait3A_336 = tpu.memref_slice %arg7[%rem3A_98, %dma_wait3A_334, %dma_wait3A_335] : memref<2x8x128xi32, #tpu.memory_space<vmem>> -> memref<1x8x128xi32, #tpu.memory_space<vmem>>
      %dma_wait3A_337 = tpu.memref_squeeze %dma_wait3A_336 : memref<1x8x128xi32, #tpu.memory_space<vmem>> -> memref<8x128xi32, #tpu.memory_space<vmem>>
      %dma_wait3A_338 = arith.constant 0 : i32
      %dma_wait3A_339 = tpu.memref_slice %dma_wait3A_337[%dma_wait3A_328, %dma_wait3A_338] : memref<8x128xi32, #tpu.memory_space<vmem>> -> memref<1x128xi32, #tpu.memory_space<vmem>>
      %dma_wait3A_340 = tpu.memref_squeeze %dma_wait3A_339 : memref<1x128xi32, #tpu.memory_space<vmem>> -> memref<128xi32, #tpu.memory_space<vmem>>
      %dma_wait3A_341 = arith.constant 0 : i32
      %dma_wait3A_342 = arith.constant 0 : i32
      %dma_wait3A_343 = tpu.memref_slice %arg4[%dma_wait3A_341, %dma_wait3A_342] : memref<10240x128xf32, #tpu.memory_space<hbm>> -> memref<10240x128xf32, #tpu.memory_space<hbm>>
      tpu.wait_indirect_dma semaphore(%arg11 : memref<!tpu.dma_semaphore, #tpu.memory_space<semaphore_mem>>) src(%dma_wait3A_343 : memref<10240x128xf32, #tpu.memory_space<hbm>>) dst(%dma_wait3A_333 : memref<128x128xf32, #tpu.memory_space<vmem>>)
      %run_scoped3A_344 = arith.constant 0 : i32
      %run_scoped3A_345 = arith.constant 4 : i32
      "tpu.region"() ({
        %run_scoped3A_432 = tpu.sem_alloc : memref<!tpu.dma_semaphore, #tpu.memory_space<semaphore_mem>>
        %dma_start3A_433 = arith.constant 0 : i32
        %dma_start3A_434 = arith.constant 0 : i32
        %dma_start3A_435 = tpu.memref_slice %arg9[%run_scoped3A_344, %dma_start3A_433, %dma_start3A_434] : memref<2x128x128xf32, #tpu.memory_space<vmem>> -> memref<1x128x128xf32, #tpu.memory_space<vmem>>
        %dma_start3A_436 = tpu.memref_squeeze %dma_start3A_435 : memref<1x128x128xf32, #tpu.memory_space<vmem>> -> memref<128x128xf32, #tpu.memory_space<vmem>>
        %dma_start3A_437 = arith.constant 0 : i32
        %dma_start3A_438 = arith.constant 0 : i32
        %dma_start3A_439 = tpu.memref_slice %arg8[%rem3A_98, %dma_start3A_437, %dma_start3A_438] : memref<2x8x128xi32, #tpu.memory_space<vmem>> -> memref<1x8x128xi32, #tpu.memory_space<vmem>>
        %dma_start3A_440 = tpu.memref_squeeze %dma_start3A_439 : memref<1x8x128xi32, #tpu.memory_space<vmem>> -> memref<8x128xi32, #tpu.memory_space<vmem>>
        %dma_start3A_441 = arith.constant 0 : i32
        %dma_start3A_442 = tpu.memref_slice %dma_start3A_440[%run_scoped3A_345, %dma_start3A_441] : memref<8x128xi32, #tpu.memory_space<vmem>> -> memref<1x128xi32, #tpu.memory_space<vmem>>
        %dma_start3A_443 = tpu.memref_squeeze %dma_start3A_442 : memref<1x128xi32, #tpu.memory_space<vmem>> -> memref<128xi32, #tpu.memory_space<vmem>>
        %dma_start3A_444 = arith.constant 0 : i32
        %dma_start3A_445 = arith.constant 0 : i32
        %dma_start3A_446 = tpu.memref_slice %arg10[%dma_start3A_444, %dma_start3A_445] : memref<10240x128xf32, #tpu.memory_space<vmem_shared>> -> memref<10240x128xf32, #tpu.memory_space<vmem_shared>>
        tpu.enqueue_indirect_dma source(%dma_start3A_436 : memref<128x128xf32, #tpu.memory_space<vmem>>) target(%dma_start3A_446 : memref<10240x128xf32, #tpu.memory_space<vmem_shared>>) offsets(%dma_start3A_443 : memref<128xi32, #tpu.memory_space<vmem>>) semaphore(%run_scoped3A_432 : memref<!tpu.dma_semaphore, #tpu.memory_space<semaphore_mem>>) {add = true}
        %dma_wait3A_447 = arith.constant 0 : i32
        %dma_wait3A_448 = arith.constant 0 : i32
        %dma_wait3A_449 = tpu.memref_slice %arg9[%run_scoped3A_344, %dma_wait3A_447, %dma_wait3A_448] : memref<2x128x128xf32, #tpu.memory_space<vmem>> -> memref<1x128x128xf32, #tpu.memory_space<vmem>>
        %dma_wait3A_450 = tpu.memref_squeeze %dma_wait3A_449 : memref<1x128x128xf32, #tpu.memory_space<vmem>> -> memref<128x128xf32, #tpu.memory_space<vmem>>
        %dma_wait3A_451 = arith.constant 0 : i32
        %dma_wait3A_452 = arith.constant 0 : i32
        %dma_wait3A_453 = tpu.memref_slice %arg8[%rem3A_98, %dma_wait3A_451, %dma_wait3A_452] : memref<2x8x128xi32, #tpu.memory_space<vmem>> -> memref<1x8x128xi32, #tpu.memory_space<vmem>>
        %dma_wait3A_454 = tpu.memref_squeeze %dma_wait3A_453 : memref<1x8x128xi32, #tpu.memory_space<vmem>> -> memref<8x128xi32, #tpu.memory_space<vmem>>
        %dma_wait3A_455 = arith.constant 0 : i32
        %dma_wait3A_456 = tpu.memref_slice %dma_wait3A_454[%run_scoped3A_345, %dma_wait3A_455] : memref<8x128xi32, #tpu.memory_space<vmem>> -> memref<1x128xi32, #tpu.memory_space<vmem>>
        %dma_wait3A_457 = tpu.memref_squeeze %dma_wait3A_456 : memref<1x128xi32, #tpu.memory_space<vmem>> -> memref<128xi32, #tpu.memory_space<vmem>>
        %dma_wait3A_458 = arith.constant 0 : i32
        %dma_wait3A_459 = arith.constant 0 : i32
        %dma_wait3A_460 = tpu.memref_slice %arg10[%dma_wait3A_458, %dma_wait3A_459] : memref<10240x128xf32, #tpu.memory_space<vmem_shared>> -> memref<10240x128xf32, #tpu.memory_space<vmem_shared>>
        tpu.wait_indirect_dma semaphore(%run_scoped3A_432 : memref<!tpu.dma_semaphore, #tpu.memory_space<semaphore_mem>>) src(%dma_wait3A_450 : memref<128x128xf32, #tpu.memory_space<vmem>>) dst(%dma_wait3A_460 : memref<10240x128xf32, #tpu.memory_space<vmem_shared>>)
        tpu.yield
      }) : () -> ()
      %dma_start3A_346 = arith.constant 6 : i32
      %dma_start3A_347 = arith.constant 0 : i32
      %dma_start3A_348 = arith.constant 0 : i32
      %dma_start3A_349 = arith.constant 0 : i32
      %dma_start3A_350 = tpu.memref_slice %arg9[%dma_start3A_347, %dma_start3A_348, %dma_start3A_349] : memref<2x128x128xf32, #tpu.memory_space<vmem>> -> memref<1x128x128xf32, #tpu.memory_space<vmem>>
      %dma_start3A_351 = tpu.memref_squeeze %dma_start3A_350 : memref<1x128x128xf32, #tpu.memory_space<vmem>> -> memref<128x128xf32, #tpu.memory_space<vmem>>
      %dma_start3A_352 = arith.constant 0 : i32
      %dma_start3A_353 = arith.constant 0 : i32
      %dma_start3A_354 = tpu.memref_slice %arg7[%rem3A_98, %dma_start3A_352, %dma_start3A_353] : memref<2x8x128xi32, #tpu.memory_space<vmem>> -> memref<1x8x128xi32, #tpu.memory_space<vmem>>
      %dma_start3A_355 = tpu.memref_squeeze %dma_start3A_354 : memref<1x8x128xi32, #tpu.memory_space<vmem>> -> memref<8x128xi32, #tpu.memory_space<vmem>>
      %dma_start3A_356 = arith.constant 0 : i32
      %dma_start3A_357 = tpu.memref_slice %dma_start3A_355[%dma_start3A_346, %dma_start3A_356] : memref<8x128xi32, #tpu.memory_space<vmem>> -> memref<1x128xi32, #tpu.memory_space<vmem>>
      %dma_start3A_358 = tpu.memref_squeeze %dma_start3A_357 : memref<1x128xi32, #tpu.memory_space<vmem>> -> memref<128xi32, #tpu.memory_space<vmem>>
      %dma_start3A_359 = arith.constant 0 : i32
      %dma_start3A_360 = arith.constant 0 : i32
      %dma_start3A_361 = tpu.memref_slice %arg4[%dma_start3A_359, %dma_start3A_360] : memref<10240x128xf32, #tpu.memory_space<hbm>> -> memref<10240x128xf32, #tpu.memory_space<hbm>>
      tpu.enqueue_indirect_dma source(%dma_start3A_361 : memref<10240x128xf32, #tpu.memory_space<hbm>>) target(%dma_start3A_351 : memref<128x128xf32, #tpu.memory_space<vmem>>) offsets(%dma_start3A_358 : memref<128xi32, #tpu.memory_space<vmem>>) semaphore(%arg11 : memref<!tpu.dma_semaphore, #tpu.memory_space<semaphore_mem>>)
      %dma_wait3A_362 = arith.constant 5 : i32
      %dma_wait3A_363 = arith.constant 1 : i32
      %dma_wait3A_364 = arith.constant 0 : i32
      %dma_wait3A_365 = arith.constant 0 : i32
      %dma_wait3A_366 = tpu.memref_slice %arg9[%dma_wait3A_363, %dma_wait3A_364, %dma_wait3A_365] : memref<2x128x128xf32, #tpu.memory_space<vmem>> -> memref<1x128x128xf32, #tpu.memory_space<vmem>>
      %dma_wait3A_367 = tpu.memref_squeeze %dma_wait3A_366 : memref<1x128x128xf32, #tpu.memory_space<vmem>> -> memref<128x128xf32, #tpu.memory_space<vmem>>
      %dma_wait3A_368 = arith.constant 0 : i32
      %dma_wait3A_369 = arith.constant 0 : i32
      %dma_wait3A_370 = tpu.memref_slice %arg7[%rem3A_98, %dma_wait3A_368, %dma_wait3A_369] : memref<2x8x128xi32, #tpu.memory_space<vmem>> -> memref<1x8x128xi32, #tpu.memory_space<vmem>>
      %dma_wait3A_371 = tpu.memref_squeeze %dma_wait3A_370 : memref<1x8x128xi32, #tpu.memory_space<vmem>> -> memref<8x128xi32, #tpu.memory_space<vmem>>
      %dma_wait3A_372 = arith.constant 0 : i32
      %dma_wait3A_373 = tpu.memref_slice %dma_wait3A_371[%dma_wait3A_362, %dma_wait3A_372] : memref<8x128xi32, #tpu.memory_space<vmem>> -> memref<1x128xi32, #tpu.memory_space<vmem>>
      %dma_wait3A_374 = tpu.memref_squeeze %dma_wait3A_373 : memref<1x128xi32, #tpu.memory_space<vmem>> -> memref<128xi32, #tpu.memory_space<vmem>>
      %dma_wait3A_375 = arith.constant 0 : i32
      %dma_wait3A_376 = arith.constant 0 : i32
      %dma_wait3A_377 = tpu.memref_slice %arg4[%dma_wait3A_375, %dma_wait3A_376] : memref<10240x128xf32, #tpu.memory_space<hbm>> -> memref<10240x128xf32, #tpu.memory_space<hbm>>
      tpu.wait_indirect_dma semaphore(%arg12 : memref<!tpu.dma_semaphore, #tpu.memory_space<semaphore_mem>>) src(%dma_wait3A_377 : memref<10240x128xf32, #tpu.memory_space<hbm>>) dst(%dma_wait3A_367 : memref<128x128xf32, #tpu.memory_space<vmem>>)
      %run_scoped3A_378 = arith.constant 1 : i32
      %run_scoped3A_379 = arith.constant 5 : i32
      "tpu.region"() ({
        %run_scoped3A_432 = tpu.sem_alloc : memref<!tpu.dma_semaphore, #tpu.memory_space<semaphore_mem>>
        %dma_start3A_433 = arith.constant 0 : i32
        %dma_start3A_434 = arith.constant 0 : i32
        %dma_start3A_435 = tpu.memref_slice %arg9[%run_scoped3A_378, %dma_start3A_433, %dma_start3A_434] : memref<2x128x128xf32, #tpu.memory_space<vmem>> -> memref<1x128x128xf32, #tpu.memory_space<vmem>>
        %dma_start3A_436 = tpu.memref_squeeze %dma_start3A_435 : memref<1x128x128xf32, #tpu.memory_space<vmem>> -> memref<128x128xf32, #tpu.memory_space<vmem>>
        %dma_start3A_437 = arith.constant 0 : i32
        %dma_start3A_438 = arith.constant 0 : i32
        %dma_start3A_439 = tpu.memref_slice %arg8[%rem3A_98, %dma_start3A_437, %dma_start3A_438] : memref<2x8x128xi32, #tpu.memory_space<vmem>> -> memref<1x8x128xi32, #tpu.memory_space<vmem>>
        %dma_start3A_440 = tpu.memref_squeeze %dma_start3A_439 : memref<1x8x128xi32, #tpu.memory_space<vmem>> -> memref<8x128xi32, #tpu.memory_space<vmem>>
        %dma_start3A_441 = arith.constant 0 : i32
        %dma_start3A_442 = tpu.memref_slice %dma_start3A_440[%run_scoped3A_379, %dma_start3A_441] : memref<8x128xi32, #tpu.memory_space<vmem>> -> memref<1x128xi32, #tpu.memory_space<vmem>>
        %dma_start3A_443 = tpu.memref_squeeze %dma_start3A_442 : memref<1x128xi32, #tpu.memory_space<vmem>> -> memref<128xi32, #tpu.memory_space<vmem>>
        %dma_start3A_444 = arith.constant 0 : i32
        %dma_start3A_445 = arith.constant 0 : i32
        %dma_start3A_446 = tpu.memref_slice %arg10[%dma_start3A_444, %dma_start3A_445] : memref<10240x128xf32, #tpu.memory_space<vmem_shared>> -> memref<10240x128xf32, #tpu.memory_space<vmem_shared>>
        tpu.enqueue_indirect_dma source(%dma_start3A_436 : memref<128x128xf32, #tpu.memory_space<vmem>>) target(%dma_start3A_446 : memref<10240x128xf32, #tpu.memory_space<vmem_shared>>) offsets(%dma_start3A_443 : memref<128xi32, #tpu.memory_space<vmem>>) semaphore(%run_scoped3A_432 : memref<!tpu.dma_semaphore, #tpu.memory_space<semaphore_mem>>) {add = true}
        %dma_wait3A_447 = arith.constant 0 : i32
        %dma_wait3A_448 = arith.constant 0 : i32
        %dma_wait3A_449 = tpu.memref_slice %arg9[%run_scoped3A_378, %dma_wait3A_447, %dma_wait3A_448] : memref<2x128x128xf32, #tpu.memory_space<vmem>> -> memref<1x128x128xf32, #tpu.memory_space<vmem>>
        %dma_wait3A_450 = tpu.memref_squeeze %dma_wait3A_449 : memref<1x128x128xf32, #tpu.memory_space<vmem>> -> memref<128x128xf32, #tpu.memory_space<vmem>>
        %dma_wait3A_451 = arith.constant 0 : i32
        %dma_wait3A_452 = arith.constant 0 : i32
        %dma_wait3A_453 = tpu.memref_slice %arg8[%rem3A_98, %dma_wait3A_451, %dma_wait3A_452] : memref<2x8x128xi32, #tpu.memory_space<vmem>> -> memref<1x8x128xi32, #tpu.memory_space<vmem>>
        %dma_wait3A_454 = tpu.memref_squeeze %dma_wait3A_453 : memref<1x8x128xi32, #tpu.memory_space<vmem>> -> memref<8x128xi32, #tpu.memory_space<vmem>>
        %dma_wait3A_455 = arith.constant 0 : i32
        %dma_wait3A_456 = tpu.memref_slice %dma_wait3A_454[%run_scoped3A_379, %dma_wait3A_455] : memref<8x128xi32, #tpu.memory_space<vmem>> -> memref<1x128xi32, #tpu.memory_space<vmem>>
        %dma_wait3A_457 = tpu.memref_squeeze %dma_wait3A_456 : memref<1x128xi32, #tpu.memory_space<vmem>> -> memref<128xi32, #tpu.memory_space<vmem>>
        %dma_wait3A_458 = arith.constant 0 : i32
        %dma_wait3A_459 = arith.constant 0 : i32
        %dma_wait3A_460 = tpu.memref_slice %arg10[%dma_wait3A_458, %dma_wait3A_459] : memref<10240x128xf32, #tpu.memory_space<vmem_shared>> -> memref<10240x128xf32, #tpu.memory_space<vmem_shared>>
        tpu.wait_indirect_dma semaphore(%run_scoped3A_432 : memref<!tpu.dma_semaphore, #tpu.memory_space<semaphore_mem>>) src(%dma_wait3A_450 : memref<128x128xf32, #tpu.memory_space<vmem>>) dst(%dma_wait3A_460 : memref<10240x128xf32, #tpu.memory_space<vmem_shared>>)
        tpu.yield
      }) : () -> ()
      %dma_start3A_380 = arith.constant 7 : i32
      %dma_start3A_381 = arith.constant 1 : i32
      %dma_start3A_382 = arith.constant 0 : i32
      %dma_start3A_383 = arith.constant 0 : i32
      %dma_start3A_384 = tpu.memref_slice %arg9[%dma_start3A_381, %dma_start3A_382, %dma_start3A_383] : memref<2x128x128xf32, #tpu.memory_space<vmem>> -> memref<1x128x128xf32, #tpu.memory_space<vmem>>
      %dma_start3A_385 = tpu.memref_squeeze %dma_start3A_384 : memref<1x128x128xf32, #tpu.memory_space<vmem>> -> memref<128x128xf32, #tpu.memory_space<vmem>>
      %dma_start3A_386 = arith.constant 0 : i32
      %dma_start3A_387 = arith.constant 0 : i32
      %dma_start3A_388 = tpu.memref_slice %arg7[%rem3A_98, %dma_start3A_386, %dma_start3A_387] : memref<2x8x128xi32, #tpu.memory_space<vmem>> -> memref<1x8x128xi32, #tpu.memory_space<vmem>>
      %dma_start3A_389 = tpu.memref_squeeze %dma_start3A_388 : memref<1x8x128xi32, #tpu.memory_space<vmem>> -> memref<8x128xi32, #tpu.memory_space<vmem>>
      %dma_start3A_390 = arith.constant 0 : i32
      %dma_start3A_391 = tpu.memref_slice %dma_start3A_389[%dma_start3A_380, %dma_start3A_390] : memref<8x128xi32, #tpu.memory_space<vmem>> -> memref<1x128xi32, #tpu.memory_space<vmem>>
      %dma_start3A_392 = tpu.memref_squeeze %dma_start3A_391 : memref<1x128xi32, #tpu.memory_space<vmem>> -> memref<128xi32, #tpu.memory_space<vmem>>
      %dma_start3A_393 = arith.constant 0 : i32
      %dma_start3A_394 = arith.constant 0 : i32
      %dma_start3A_395 = tpu.memref_slice %arg4[%dma_start3A_393, %dma_start3A_394] : memref<10240x128xf32, #tpu.memory_space<hbm>> -> memref<10240x128xf32, #tpu.memory_space<hbm>>
      tpu.enqueue_indirect_dma source(%dma_start3A_395 : memref<10240x128xf32, #tpu.memory_space<hbm>>) target(%dma_start3A_385 : memref<128x128xf32, #tpu.memory_space<vmem>>) offsets(%dma_start3A_392 : memref<128xi32, #tpu.memory_space<vmem>>) semaphore(%arg12 : memref<!tpu.dma_semaphore, #tpu.memory_space<semaphore_mem>>)
      %dma_wait3A_396 = arith.constant 6 : i32
      %dma_wait3A_397 = arith.constant 0 : i32
      %dma_wait3A_398 = arith.constant 0 : i32
      %dma_wait3A_399 = arith.constant 0 : i32
      %dma_wait3A_400 = tpu.memref_slice %arg9[%dma_wait3A_397, %dma_wait3A_398, %dma_wait3A_399] : memref<2x128x128xf32, #tpu.memory_space<vmem>> -> memref<1x128x128xf32, #tpu.memory_space<vmem>>
      %dma_wait3A_401 = tpu.memref_squeeze %dma_wait3A_400 : memref<1x128x128xf32, #tpu.memory_space<vmem>> -> memref<128x128xf32, #tpu.memory_space<vmem>>
      %dma_wait3A_402 = arith.constant 0 : i32
      %dma_wait3A_403 = arith.constant 0 : i32
      %dma_wait3A_404 = tpu.memref_slice %arg7[%rem3A_98, %dma_wait3A_402, %dma_wait3A_403] : memref<2x8x128xi32, #tpu.memory_space<vmem>> -> memref<1x8x128xi32, #tpu.memory_space<vmem>>
      %dma_wait3A_405 = tpu.memref_squeeze %dma_wait3A_404 : memref<1x8x128xi32, #tpu.memory_space<vmem>> -> memref<8x128xi32, #tpu.memory_space<vmem>>
      %dma_wait3A_406 = arith.constant 0 : i32
      %dma_wait3A_407 = tpu.memref_slice %dma_wait3A_405[%dma_wait3A_396, %dma_wait3A_406] : memref<8x128xi32, #tpu.memory_space<vmem>> -> memref<1x128xi32, #tpu.memory_space<vmem>>
      %dma_wait3A_408 = tpu.memref_squeeze %dma_wait3A_407 : memref<1x128xi32, #tpu.memory_space<vmem>> -> memref<128xi32, #tpu.memory_space<vmem>>
      %dma_wait3A_409 = arith.constant 0 : i32
      %dma_wait3A_410 = arith.constant 0 : i32
      %dma_wait3A_411 = tpu.memref_slice %arg4[%dma_wait3A_409, %dma_wait3A_410] : memref<10240x128xf32, #tpu.memory_space<hbm>> -> memref<10240x128xf32, #tpu.memory_space<hbm>>
      tpu.wait_indirect_dma semaphore(%arg11 : memref<!tpu.dma_semaphore, #tpu.memory_space<semaphore_mem>>) src(%dma_wait3A_411 : memref<10240x128xf32, #tpu.memory_space<hbm>>) dst(%dma_wait3A_401 : memref<128x128xf32, #tpu.memory_space<vmem>>)
      %run_scoped3A_412 = arith.constant 0 : i32
      %run_scoped3A_413 = arith.constant 6 : i32
      "tpu.region"() ({
        %run_scoped3A_432 = tpu.sem_alloc : memref<!tpu.dma_semaphore, #tpu.memory_space<semaphore_mem>>
        %dma_start3A_433 = arith.constant 0 : i32
        %dma_start3A_434 = arith.constant 0 : i32
        %dma_start3A_435 = tpu.memref_slice %arg9[%run_scoped3A_412, %dma_start3A_433, %dma_start3A_434] : memref<2x128x128xf32, #tpu.memory_space<vmem>> -> memref<1x128x128xf32, #tpu.memory_space<vmem>>
        %dma_start3A_436 = tpu.memref_squeeze %dma_start3A_435 : memref<1x128x128xf32, #tpu.memory_space<vmem>> -> memref<128x128xf32, #tpu.memory_space<vmem>>
        %dma_start3A_437 = arith.constant 0 : i32
        %dma_start3A_438 = arith.constant 0 : i32
        %dma_start3A_439 = tpu.memref_slice %arg8[%rem3A_98, %dma_start3A_437, %dma_start3A_438] : memref<2x8x128xi32, #tpu.memory_space<vmem>> -> memref<1x8x128xi32, #tpu.memory_space<vmem>>
        %dma_start3A_440 = tpu.memref_squeeze %dma_start3A_439 : memref<1x8x128xi32, #tpu.memory_space<vmem>> -> memref<8x128xi32, #tpu.memory_space<vmem>>
        %dma_start3A_441 = arith.constant 0 : i32
        %dma_start3A_442 = tpu.memref_slice %dma_start3A_440[%run_scoped3A_413, %dma_start3A_441] : memref<8x128xi32, #tpu.memory_space<vmem>> -> memref<1x128xi32, #tpu.memory_space<vmem>>
        %dma_start3A_443 = tpu.memref_squeeze %dma_start3A_442 : memref<1x128xi32, #tpu.memory_space<vmem>> -> memref<128xi32, #tpu.memory_space<vmem>>
        %dma_start3A_444 = arith.constant 0 : i32
        %dma_start3A_445 = arith.constant 0 : i32
        %dma_start3A_446 = tpu.memref_slice %arg10[%dma_start3A_444, %dma_start3A_445] : memref<10240x128xf32, #tpu.memory_space<vmem_shared>> -> memref<10240x128xf32, #tpu.memory_space<vmem_shared>>
        tpu.enqueue_indirect_dma source(%dma_start3A_436 : memref<128x128xf32, #tpu.memory_space<vmem>>) target(%dma_start3A_446 : memref<10240x128xf32, #tpu.memory_space<vmem_shared>>) offsets(%dma_start3A_443 : memref<128xi32, #tpu.memory_space<vmem>>) semaphore(%run_scoped3A_432 : memref<!tpu.dma_semaphore, #tpu.memory_space<semaphore_mem>>) {add = true}
        %dma_wait3A_447 = arith.constant 0 : i32
        %dma_wait3A_448 = arith.constant 0 : i32
        %dma_wait3A_449 = tpu.memref_slice %arg9[%run_scoped3A_412, %dma_wait3A_447, %dma_wait3A_448] : memref<2x128x128xf32, #tpu.memory_space<vmem>> -> memref<1x128x128xf32, #tpu.memory_space<vmem>>
        %dma_wait3A_450 = tpu.memref_squeeze %dma_wait3A_449 : memref<1x128x128xf32, #tpu.memory_space<vmem>> -> memref<128x128xf32, #tpu.memory_space<vmem>>
        %dma_wait3A_451 = arith.constant 0 : i32
        %dma_wait3A_452 = arith.constant 0 : i32
        %dma_wait3A_453 = tpu.memref_slice %arg8[%rem3A_98, %dma_wait3A_451, %dma_wait3A_452] : memref<2x8x128xi32, #tpu.memory_space<vmem>> -> memref<1x8x128xi32, #tpu.memory_space<vmem>>
        %dma_wait3A_454 = tpu.memref_squeeze %dma_wait3A_453 : memref<1x8x128xi32, #tpu.memory_space<vmem>> -> memref<8x128xi32, #tpu.memory_space<vmem>>
        %dma_wait3A_455 = arith.constant 0 : i32
        %dma_wait3A_456 = tpu.memref_slice %dma_wait3A_454[%run_scoped3A_413, %dma_wait3A_455] : memref<8x128xi32, #tpu.memory_space<vmem>> -> memref<1x128xi32, #tpu.memory_space<vmem>>
        %dma_wait3A_457 = tpu.memref_squeeze %dma_wait3A_456 : memref<1x128xi32, #tpu.memory_space<vmem>> -> memref<128xi32, #tpu.memory_space<vmem>>
        %dma_wait3A_458 = arith.constant 0 : i32
        %dma_wait3A_459 = arith.constant 0 : i32
        %dma_wait3A_460 = tpu.memref_slice %arg10[%dma_wait3A_458, %dma_wait3A_459] : memref<10240x128xf32, #tpu.memory_space<vmem_shared>> -> memref<10240x128xf32, #tpu.memory_space<vmem_shared>>
        tpu.wait_indirect_dma semaphore(%run_scoped3A_432 : memref<!tpu.dma_semaphore, #tpu.memory_space<semaphore_mem>>) src(%dma_wait3A_450 : memref<128x128xf32, #tpu.memory_space<vmem>>) dst(%dma_wait3A_460 : memref<10240x128xf32, #tpu.memory_space<vmem_shared>>)
        tpu.yield
      }) : () -> ()
      %dma_wait3A_414 = arith.constant 7 : i32
      %dma_wait3A_415 = arith.constant 1 : i32
      %dma_wait3A_416 = arith.constant 0 : i32
      %dma_wait3A_417 = arith.constant 0 : i32
      %dma_wait3A_418 = tpu.memref_slice %arg9[%dma_wait3A_415, %dma_wait3A_416, %dma_wait3A_417] : memref<2x128x128xf32, #tpu.memory_space<vmem>> -> memref<1x128x128xf32, #tpu.memory_space<vmem>>
      %dma_wait3A_419 = tpu.memref_squeeze %dma_wait3A_418 : memref<1x128x128xf32, #tpu.memory_space<vmem>> -> memref<128x128xf32, #tpu.memory_space<vmem>>
      %dma_wait3A_420 = arith.constant 0 : i32
      %dma_wait3A_421 = arith.constant 0 : i32
      %dma_wait3A_422 = tpu.memref_slice %arg7[%rem3A_98, %dma_wait3A_420, %dma_wait3A_421] : memref<2x8x128xi32, #tpu.memory_space<vmem>> -> memref<1x8x128xi32, #tpu.memory_space<vmem>>
      %dma_wait3A_423 = tpu.memref_squeeze %dma_wait3A_422 : memref<1x8x128xi32, #tpu.memory_space<vmem>> -> memref<8x128xi32, #tpu.memory_space<vmem>>
      %dma_wait3A_424 = arith.constant 0 : i32
      %dma_wait3A_425 = tpu.memref_slice %dma_wait3A_423[%dma_wait3A_414, %dma_wait3A_424] : memref<8x128xi32, #tpu.memory_space<vmem>> -> memref<1x128xi32, #tpu.memory_space<vmem>>
      %dma_wait3A_426 = tpu.memref_squeeze %dma_wait3A_425 : memref<1x128xi32, #tpu.memory_space<vmem>> -> memref<128xi32, #tpu.memory_space<vmem>>
      %dma_wait3A_427 = arith.constant 0 : i32
      %dma_wait3A_428 = arith.constant 0 : i32
      %dma_wait3A_429 = tpu.memref_slice %arg4[%dma_wait3A_427, %dma_wait3A_428] : memref<10240x128xf32, #tpu.memory_space<hbm>> -> memref<10240x128xf32, #tpu.memory_space<hbm>>
      tpu.wait_indirect_dma semaphore(%arg12 : memref<!tpu.dma_semaphore, #tpu.memory_space<semaphore_mem>>) src(%dma_wait3A_429 : memref<10240x128xf32, #tpu.memory_space<hbm>>) dst(%dma_wait3A_419 : memref<128x128xf32, #tpu.memory_space<vmem>>)
      %run_scoped3A_430 = arith.constant 1 : i32
      %run_scoped3A_431 = arith.constant 7 : i32
      "tpu.region"() ({
        %run_scoped3A_432 = tpu.sem_alloc : memref<!tpu.dma_semaphore, #tpu.memory_space<semaphore_mem>>
        %dma_start3A_433 = arith.constant 0 : i32
        %dma_start3A_434 = arith.constant 0 : i32
        %dma_start3A_435 = tpu.memref_slice %arg9[%run_scoped3A_430, %dma_start3A_433, %dma_start3A_434] : memref<2x128x128xf32, #tpu.memory_space<vmem>> -> memref<1x128x128xf32, #tpu.memory_space<vmem>>
        %dma_start3A_436 = tpu.memref_squeeze %dma_start3A_435 : memref<1x128x128xf32, #tpu.memory_space<vmem>> -> memref<128x128xf32, #tpu.memory_space<vmem>>
        %dma_start3A_437 = arith.constant 0 : i32
        %dma_start3A_438 = arith.constant 0 : i32
        %dma_start3A_439 = tpu.memref_slice %arg8[%rem3A_98, %dma_start3A_437, %dma_start3A_438] : memref<2x8x128xi32, #tpu.memory_space<vmem>> -> memref<1x8x128xi32, #tpu.memory_space<vmem>>
        %dma_start3A_440 = tpu.memref_squeeze %dma_start3A_439 : memref<1x8x128xi32, #tpu.memory_space<vmem>> -> memref<8x128xi32, #tpu.memory_space<vmem>>
        %dma_start3A_441 = arith.constant 0 : i32
        %dma_start3A_442 = tpu.memref_slice %dma_start3A_440[%run_scoped3A_431, %dma_start3A_441] : memref<8x128xi32, #tpu.memory_space<vmem>> -> memref<1x128xi32, #tpu.memory_space<vmem>>
        %dma_start3A_443 = tpu.memref_squeeze %dma_start3A_442 : memref<1x128xi32, #tpu.memory_space<vmem>> -> memref<128xi32, #tpu.memory_space<vmem>>
        %dma_start3A_444 = arith.constant 0 : i32
        %dma_start3A_445 = arith.constant 0 : i32
        %dma_start3A_446 = tpu.memref_slice %arg10[%dma_start3A_444, %dma_start3A_445] : memref<10240x128xf32, #tpu.memory_space<vmem_shared>> -> memref<10240x128xf32, #tpu.memory_space<vmem_shared>>
        tpu.enqueue_indirect_dma source(%dma_start3A_436 : memref<128x128xf32, #tpu.memory_space<vmem>>) target(%dma_start3A_446 : memref<10240x128xf32, #tpu.memory_space<vmem_shared>>) offsets(%dma_start3A_443 : memref<128xi32, #tpu.memory_space<vmem>>) semaphore(%run_scoped3A_432 : memref<!tpu.dma_semaphore, #tpu.memory_space<semaphore_mem>>) {add = true}
        %dma_wait3A_447 = arith.constant 0 : i32
        %dma_wait3A_448 = arith.constant 0 : i32
        %dma_wait3A_449 = tpu.memref_slice %arg9[%run_scoped3A_430, %dma_wait3A_447, %dma_wait3A_448] : memref<2x128x128xf32, #tpu.memory_space<vmem>> -> memref<1x128x128xf32, #tpu.memory_space<vmem>>
        %dma_wait3A_450 = tpu.memref_squeeze %dma_wait3A_449 : memref<1x128x128xf32, #tpu.memory_space<vmem>> -> memref<128x128xf32, #tpu.memory_space<vmem>>
        %dma_wait3A_451 = arith.constant 0 : i32
        %dma_wait3A_452 = arith.constant 0 : i32
        %dma_wait3A_453 = tpu.memref_slice %arg8[%rem3A_98, %dma_wait3A_451, %dma_wait3A_452] : memref<2x8x128xi32, #tpu.memory_space<vmem>> -> memref<1x8x128xi32, #tpu.memory_space<vmem>>
        %dma_wait3A_454 = tpu.memref_squeeze %dma_wait3A_453 : memref<1x8x128xi32, #tpu.memory_space<vmem>> -> memref<8x128xi32, #tpu.memory_space<vmem>>
        %dma_wait3A_455 = arith.constant 0 : i32
        %dma_wait3A_456 = tpu.memref_slice %dma_wait3A_454[%run_scoped3A_431, %dma_wait3A_455] : memref<8x128xi32, #tpu.memory_space<vmem>> -> memref<1x128xi32, #tpu.memory_space<vmem>>
        %dma_wait3A_457 = tpu.memref_squeeze %dma_wait3A_456 : memref<1x128xi32, #tpu.memory_space<vmem>> -> memref<128xi32, #tpu.memory_space<vmem>>
        %dma_wait3A_458 = arith.constant 0 : i32
        %dma_wait3A_459 = arith.constant 0 : i32
        %dma_wait3A_460 = tpu.memref_slice %arg10[%dma_wait3A_458, %dma_wait3A_459] : memref<10240x128xf32, #tpu.memory_space<vmem_shared>> -> memref<10240x128xf32, #tpu.memory_space<vmem_shared>>
        tpu.wait_indirect_dma semaphore(%run_scoped3A_432 : memref<!tpu.dma_semaphore, #tpu.memory_space<semaphore_mem>>) src(%dma_wait3A_450 : memref<128x128xf32, #tpu.memory_space<vmem>>) dst(%dma_wait3A_460 : memref<10240x128xf32, #tpu.memory_space<vmem_shared>>)
        tpu.yield
      }) : () -> ()
    }
    %sub3A_61 = arith.constant 1 : i32
    %sub3A_62 = arith.subi %select_n3A_22, %sub3A_61 : i32
    %mul3A_63 = arith.constant 8 : i32
    %mul3A_64 = arith.muli %sub3A_62, %mul3A_63 : i32
    %add3A_65 = arith.addi %add3A, %mul3A_64 : i32
    %rem3A_66 = arith.constant 2 : i32
    %rem3A_67 = arith.remsi %select_n3A_22, %rem3A_66 : i32
    %dma_wait3A = arith.constant 0 : i32
    %dma_wait3A_68 = arith.constant 0 : i32
    %dma_wait3A_69 = tpu.memref_slice %arg7[%rem3A_67, %dma_wait3A, %dma_wait3A_68] : memref<2x8x128xi32, #tpu.memory_space<vmem>> -> memref<1x8x128xi32, #tpu.memory_space<vmem>>
    %dma_wait3A_70 = tpu.memref_squeeze %dma_wait3A_69 : memref<1x8x128xi32, #tpu.memory_space<vmem>> -> memref<8x128xi32, #tpu.memory_space<vmem>>
    %dma_wait3A_71 = arith.constant 0 : i32
    %dma_wait3A_72 = tpu.memref_slice %arg2[%add3A_65, %dma_wait3A_71] : memref<2560x128xi32, #tpu.memory_space<hbm>> -> memref<8x128xi32, #tpu.memory_space<hbm>>
    %dma_wait3A_73 = arith.constant 0 : i32
    %dma_wait3A_74 = arith.constant 0 : i32
    %dma_wait3A_75 = tpu.memref_slice %arg7[%rem3A_67, %dma_wait3A_73, %dma_wait3A_74] : memref<2x8x128xi32, #tpu.memory_space<vmem>> -> memref<1x8x128xi32, #tpu.memory_space<vmem>>
    %dma_wait3A_76 = tpu.memref_squeeze %dma_wait3A_75 : memref<1x8x128xi32, #tpu.memory_space<vmem>> -> memref<8x128xi32, #tpu.memory_space<vmem>>
    %dma_wait3A_77 = arith.constant 0 : i32
    %dma_wait3A_78 = tpu.memref_slice %arg2[%add3A_65, %dma_wait3A_77] : memref<2560x128xi32, #tpu.memory_space<hbm>> -> memref<8x128xi32, #tpu.memory_space<hbm>>
    tpu.wait_dma2 semaphore(%arg13 : memref<!tpu.dma_semaphore, #tpu.memory_space<semaphore_mem>>) src(%dma_wait3A_78 : memref<8x128xi32, #tpu.memory_space<hbm>>) dst(%dma_wait3A_76 : memref<8x128xi32, #tpu.memory_space<vmem>>)
    %dma_wait3A_79 = arith.constant 0 : i32
    %dma_wait3A_80 = arith.constant 0 : i32
    %dma_wait3A_81 = tpu.memref_slice %arg8[%rem3A_67, %dma_wait3A_79, %dma_wait3A_80] : memref<2x8x128xi32, #tpu.memory_space<vmem>> -> memref<1x8x128xi32, #tpu.memory_space<vmem>>
    %dma_wait3A_82 = tpu.memref_squeeze %dma_wait3A_81 : memref<1x8x128xi32, #tpu.memory_space<vmem>> -> memref<8x128xi32, #tpu.memory_space<vmem>>
    %dma_wait3A_83 = arith.constant 0 : i32
    %dma_wait3A_84 = tpu.memref_slice %arg3[%add3A_65, %dma_wait3A_83] : memref<2560x128xi32, #tpu.memory_space<hbm>> -> memref<8x128xi32, #tpu.memory_space<hbm>>
    %dma_wait3A_85 = arith.constant 0 : i32
    %dma_wait3A_86 = arith.constant 0 : i32
    %dma_wait3A_87 = tpu.memref_slice %arg8[%rem3A_67, %dma_wait3A_85, %dma_wait3A_86] : memref<2x8x128xi32, #tpu.memory_space<vmem>> -> memref<1x8x128xi32, #tpu.memory_space<vmem>>
    %dma_wait3A_88 = tpu.memref_squeeze %dma_wait3A_87 : memref<1x8x128xi32, #tpu.memory_space<vmem>> -> memref<8x128xi32, #tpu.memory_space<vmem>>
    %dma_wait3A_89 = arith.constant 0 : i32
    %dma_wait3A_90 = tpu.memref_slice %arg3[%add3A_65, %dma_wait3A_89] : memref<2560x128xi32, #tpu.memory_space<hbm>> -> memref<8x128xi32, #tpu.memory_space<hbm>>
    tpu.wait_dma2 semaphore(%arg13 : memref<!tpu.dma_semaphore, #tpu.memory_space<semaphore_mem>>) src(%dma_wait3A_90 : memref<8x128xi32, #tpu.memory_space<hbm>>) dst(%dma_wait3A_88 : memref<8x128xi32, #tpu.memory_space<vmem>>)
    %barrier3A_91 = arith.constant 0 : index
    tpu.barrier barrier_id(%barrier3A_91)
    %mul3A_92 = arith.constant 640 : i32
    %mul3A_93 = arith.muli %arg1, %mul3A_92 : i32
    %mul3A_94 = arith.constant 640 : i32
    %mul3A_95 = arith.muli %arg1, %mul3A_94 : i32
    "tpu.region"() ({
      %run_scoped3A = tpu.sem_alloc : memref<!tpu.dma_semaphore, #tpu.memory_space<semaphore_mem>>
      %dma_start3A_96 = arith.constant 0 : i32
      %dma_start3A_97 = tpu.memref_slice %arg6[%arg0, %mul3A_95, %dma_start3A_96] : memref<2x10240x128xf32, #tpu.memory_space<hbm>> -> memref<1x640x128xf32, #tpu.memory_space<hbm>>
      %dma_start3A_98 = tpu.memref_squeeze %dma_start3A_97 : memref<1x640x128xf32, #tpu.memory_space<hbm>> -> memref<640x128xf32, #tpu.memory_space<hbm>>
      %dma_start3A_99 = arith.constant 0 : i32
      %dma_start3A_100 = tpu.memref_slice %arg10[%mul3A_93, %dma_start3A_99] : memref<10240x128xf32, #tpu.memory_space<vmem_shared>> -> memref<640x128xf32, #tpu.memory_space<vmem_shared>>
      tpu.enqueue_dma source(%dma_start3A_100 : memref<640x128xf32, #tpu.memory_space<vmem_shared>>) target(%dma_start3A_98 : memref<640x128xf32, #tpu.memory_space<hbm>>) target_semaphore(%run_scoped3A : memref<!tpu.dma_semaphore, #tpu.memory_space<semaphore_mem>>)
      %dma_wait3A_101 = arith.constant 0 : i32
      %dma_wait3A_102 = tpu.memref_slice %arg6[%arg0, %mul3A_95, %dma_wait3A_101] : memref<2x10240x128xf32, #tpu.memory_space<hbm>> -> memref<1x640x128xf32, #tpu.memory_space<hbm>>
      %dma_wait3A_103 = tpu.memref_squeeze %dma_wait3A_102 : memref<1x640x128xf32, #tpu.memory_space<hbm>> -> memref<640x128xf32, #tpu.memory_space<hbm>>
      %dma_wait3A_104 = arith.constant 0 : i32
      %dma_wait3A_105 = tpu.memref_slice %arg10[%mul3A_93, %dma_wait3A_104] : memref<10240x128xf32, #tpu.memory_space<vmem_shared>> -> memref<640x128xf32, #tpu.memory_space<vmem_shared>>
      tpu.wait_dma2 semaphore(%run_scoped3A : memref<!tpu.dma_semaphore, #tpu.memory_space<semaphore_mem>>) src(%dma_wait3A_105 : memref<640x128xf32, #tpu.memory_space<vmem_shared>>) dst(%dma_wait3A_103 : memref<640x128xf32, #tpu.memory_space<hbm>>)
      tpu.yield
    }) : () -> ()
    return
  }
}

module attributes {stable_mosaic.version = 14 : i64} {
  func.func @_prep_body(%arg0: i32, %arg1: memref<32x1024xf32, #tpu.memory_space<vmem>>, %arg2: memref<1024x128xf32, #tpu.memory_space<vmem>>, %arg3: memref<128x128xf32, #tpu.memory_space<vmem>>, %arg4: memref<1x128xf32, #tpu.memory_space<vmem>>, %arg5: memref<1024x128xf32, #tpu.memory_space<vmem>>, %arg6: memref<1024x128xf32, #tpu.memory_space<vmem>>, %arg7: memref<1024x1xf32, #tpu.memory_space<vmem>>) attributes {dimension_semantics = [#tpu.dimension_semantics<arbitrary>], iteration_bounds = array<i64: 10>, scalar_prefetch = 0 : i64, scratch_operands = 0 : i64, tpu.core_type = #tpu.core_type<tc>, window_params = [{transform_indices = @transform_0, window_bounds = array<i64: 32, 1024>}, {transform_indices = @transform_1, window_bounds = array<i64: 1024, 128>}, {pipeline_mode = #tpu.pipeline_mode<synchronous>, transform_indices = @transform_2, window_bounds = array<i64: 128, 128>}, {pipeline_mode = #tpu.pipeline_mode<synchronous>, transform_indices = @transform_3, window_bounds = array<i64: 1, 128>}, {transform_indices = @transform_4, window_bounds = array<i64: 1024, 128>}, {transform_indices = @transform_5, window_bounds = array<i64: 1024, 128>}, {transform_indices = @transform_6, window_bounds = array<i64: 1024, 1>}]} {
    %get3A = arith.constant 0 : index
    %get3A_0 = arith.constant 0 : index
    %get3A_1 = vector.load %arg1[%get3A, %get3A_0] : memref<32x1024xf32, #tpu.memory_space<vmem>>, vector<32x1024xf32>
    %reduce_sum3A = arith.constant dense<0.000000e+00> : vector<1024xf32>
    %reduce_sum3A_2 = vector.multi_reduction <add>, %get3A_1, %reduce_sum3A [0] : vector<32x1024xf32> to vector<1024xf32>
    %add3A = arith.constant 1.000000e+00 : f32
    %add3A_3 = vector.broadcast %add3A : f32 to vector<1024xf32>
    %add3A_4 = arith.addf %reduce_sum3A_2, %add3A_3 : vector<1024xf32>
    %rsqrt3A = math.rsqrt %add3A_4 : vector<1024xf32>
    %get3A_5 = arith.constant 0 : index
    %get3A_6 = arith.constant 0 : index
    %get3A_7 = vector.load %arg2[%get3A_5, %get3A_6] : memref<1024x128xf32, #tpu.memory_space<vmem>>, vector<1024x128xf32>
    %get3A_8 = arith.constant 0 : index
    %get3A_9 = arith.constant 0 : index
    %get3A_10 = vector.load %arg3[%get3A_8, %get3A_9] : memref<128x128xf32, #tpu.memory_space<vmem>>, vector<128x128xf32>
    %dot_general3A = arith.constant dense<0.000000e+00> : vector<1024x128xf32>
    %dot_general3A_11 = tpu.matmul %get3A_7, %get3A_10, %dot_general3A {dimension_numbers = #tpu.dot_dimension_numbers<[1], [0], [0], [1], [0, 0, 1, 1], [], []>, transpose_lhs_hint = false} : vector<1024x128xf32>, vector<128x128xf32>, vector<1024x128xf32> -> vector<1024x128xf32>
    %broadcast_in_dim3A = vector.shape_cast %rsqrt3A : vector<1024xf32> to vector<1024x1xf32>
    %mul3A = vector.broadcast %broadcast_in_dim3A : vector<1024x1xf32> to vector<1024x128xf32>
    %mul3A_12 = arith.mulf %mul3A, %dot_general3A_11 : vector<1024x128xf32>
    %swap3A = arith.constant 0 : index
    %swap3A_13 = arith.constant 0 : index
    %swap3A_14 = vector.load %arg5[%swap3A, %swap3A_13] : memref<1024x128xf32, #tpu.memory_space<vmem>>, vector<1024x128xf32>
    tpu.vector_store %arg5[%swap3A, %swap3A_13], %mul3A_12 {strides = array<i32>} : memref<1024x128xf32, #tpu.memory_space<vmem>>, vector<1024x128xf32>,
    %mul3A_15 = arith.mulf %rsqrt3A, %rsqrt3A : vector<1024xf32>
    %broadcast_in_dim3A_16 = vector.shape_cast %mul3A_15 : vector<1024xf32> to vector<1024x1xf32>
    %mul3A_17 = vector.broadcast %broadcast_in_dim3A_16 : vector<1024x1xf32> to vector<1024x128xf32>
    %mul3A_18 = arith.mulf %mul3A_17, %dot_general3A_11 : vector<1024x128xf32>
    %get3A_19 = arith.constant 0 : index
    %get3A_20 = arith.constant 0 : index
    %get3A_21 = vector.load %arg4[%get3A_19, %get3A_20] : memref<1x128xf32, #tpu.memory_space<vmem>>, vector<1x128xf32>
    %add3A_22 = vector.broadcast %get3A_21 : vector<1x128xf32> to vector<1024x128xf32>
    %add3A_23 = arith.addf %mul3A_18, %add3A_22 : vector<1024x128xf32>
    %swap3A_24 = arith.constant 0 : index
    %swap3A_25 = arith.constant 0 : index
    %swap3A_26 = vector.load %arg6[%swap3A_24, %swap3A_25] : memref<1024x128xf32, #tpu.memory_space<vmem>>, vector<1024x128xf32>
    tpu.vector_store %arg6[%swap3A_24, %swap3A_25], %add3A_23 {strides = array<i32>} : memref<1024x128xf32, #tpu.memory_space<vmem>>, vector<1024x128xf32>,
    %broadcast_in_dim3A_27 = vector.shape_cast %rsqrt3A : vector<1024xf32> to vector<1024x1xf32>
    %swap3A_28 = arith.constant 0 : index
    %swap3A_29 = arith.constant 0 : index
    %swap3A_30 = vector.load %arg7[%swap3A_28, %swap3A_29] : memref<1024x1xf32, #tpu.memory_space<vmem>>, vector<1024x1xf32>
    tpu.vector_store %arg7[%swap3A_28, %swap3A_29], %broadcast_in_dim3A_27 {strides = array<i32>} : memref<1024x1xf32, #tpu.memory_space<vmem>>, vector<1024x1xf32>,
    return
  }
  func.func @transform_0(%arg0: i32) -> (i32, i32) {
    %c0_i32 = arith.constant 0 : i32
    %c0_i32_0 = arith.constant 0 : i32
    return %c0_i32, %arg0 : i32, i32
  }
  func.func @transform_1(%arg0: i32) -> (i32, i32) {
    %c0_i32 = arith.constant 0 : i32
    %c0_i32_0 = arith.constant 0 : i32
    return %arg0, %c0_i32 : i32, i32
  }
  func.func @transform_2(%arg0: i32) -> (i32, i32) {
    %c0_i32 = arith.constant 0 : i32
    %c0_i32_0 = arith.constant 0 : i32
    %c0_i32_1 = arith.constant 0 : i32
    return %c0_i32, %c0_i32_0 : i32, i32
  }
  func.func @transform_3(%arg0: i32) -> (i32, i32) {
    %c0_i32 = arith.constant 0 : i32
    %c0_i32_0 = arith.constant 0 : i32
    %c0_i32_1 = arith.constant 0 : i32
    return %c0_i32, %c0_i32_0 : i32, i32
  }
  func.func @transform_4(%arg0: i32) -> (i32, i32) {
    %c0_i32 = arith.constant 0 : i32
    %c0_i32_0 = arith.constant 0 : i32
    return %arg0, %c0_i32 : i32, i32
  }
  func.func @transform_5(%arg0: i32) -> (i32, i32) {
    %c0_i32 = arith.constant 0 : i32
    %c0_i32_0 = arith.constant 0 : i32
    return %arg0, %c0_i32 : i32, i32
  }
  func.func @transform_6(%arg0: i32) -> (i32, i32) {
    %c0_i32 = arith.constant 0 : i32
    %c0_i32_0 = arith.constant 0 : i32
    return %arg0, %c0_i32 : i32, i32
  }
}

module attributes {stable_mosaic.version = 14 : i64} {
  func.func @_lstm_body(%arg0: i32, %arg1: memref<1000x640xf32, #tpu.memory_space<vmem>>, %arg2: memref<2x1000x128xf32, #tpu.memory_space<vmem>>, %arg3: memref<1000x128xf32, #tpu.memory_space<vmem>>, %arg4: memref<1000x1xf32, #tpu.memory_space<vmem>>, %arg5: memref<32x256xf32, #tpu.memory_space<vmem>>, %arg6: memref<128x256xf32, #tpu.memory_space<vmem>>, %arg7: memref<64x256xf32, #tpu.memory_space<vmem>>, %arg8: memref<1x256xf32, #tpu.memory_space<vmem>>, %arg9: memref<64x1xf32, #tpu.memory_space<vmem>>, %arg10: memref<1x1xf32, #tpu.memory_space<vmem>>, %arg11: memref<1000x1xf32, #tpu.memory_space<vmem>>) attributes {dimension_semantics = [#tpu.dimension_semantics<arbitrary>], iteration_bounds = array<i64: 10>, scalar_prefetch = 0 : i64, scratch_operands = 0 : i64, tpu.core_type = #tpu.core_type<tc>, window_params = [{transform_indices = @transform_0, window_bounds = array<i64: 1000, 640>}, {transform_indices = @transform_1, window_bounds = array<i64: 2, 1000, 128>}, {transform_indices = @transform_2, window_bounds = array<i64: 1000, 128>}, {transform_indices = @transform_3, window_bounds = array<i64: 1000, 1>}, {pipeline_mode = #tpu.pipeline_mode<synchronous>, transform_indices = @transform_4, window_bounds = array<i64: 32, 256>}, {pipeline_mode = #tpu.pipeline_mode<synchronous>, transform_indices = @transform_5, window_bounds = array<i64: 128, 256>}, {pipeline_mode = #tpu.pipeline_mode<synchronous>, transform_indices = @transform_6, window_bounds = array<i64: 64, 256>}, {pipeline_mode = #tpu.pipeline_mode<synchronous>, transform_indices = @transform_7, window_bounds = array<i64: 1, 256>}, {pipeline_mode = #tpu.pipeline_mode<synchronous>, transform_indices = @transform_8, window_bounds = array<i64: 64, 1>}, {pipeline_mode = #tpu.pipeline_mode<synchronous>, transform_indices = @transform_9, window_bounds = array<i64: 1, 1>}, {transform_indices = @transform_10, window_bounds = array<i64: 1000, 1>}]} {
    %get3A = arith.constant 0 : index
    %get3A_0 = arith.constant 0 : index
    %get3A_1 = arith.constant 0 : index
    %get3A_2 = vector.load %arg2[%get3A, %get3A_0, %get3A_1] : memref<2x1000x128xf32, #tpu.memory_space<vmem>>, vector<1x1000x128xf32>
    %get3A_3 = vector.shape_cast %get3A_2 : vector<1x1000x128xf32> to vector<1000x128xf32>
    %get3A_4 = arith.constant 1 : index
    %get3A_5 = arith.constant 0 : index
    %get3A_6 = arith.constant 0 : index
    %get3A_7 = vector.load %arg2[%get3A_4, %get3A_5, %get3A_6] : memref<2x1000x128xf32, #tpu.memory_space<vmem>>, vector<1x1000x128xf32>
    %get3A_8 = vector.shape_cast %get3A_7 : vector<1x1000x128xf32> to vector<1000x128xf32>
    %add3A = arith.addf %get3A_3, %get3A_8 : vector<1000x128xf32>
    %get3A_9 = arith.constant 0 : index
    %get3A_10 = arith.constant 0 : index
    %get3A_11 = vector.load %arg4[%get3A_9, %get3A_10] : memref<1000x1xf32, #tpu.memory_space<vmem>>, vector<1000x1xf32>
    %mul3A = vector.broadcast %get3A_11 : vector<1000x1xf32> to vector<1000x128xf32>
    %mul3A_12 = arith.mulf %mul3A, %add3A : vector<1000x128xf32>
    %get3A_13 = arith.constant 0 : index
    %get3A_14 = arith.constant 0 : index
    %get3A_15 = vector.load %arg3[%get3A_13, %get3A_14] : memref<1000x128xf32, #tpu.memory_space<vmem>>, vector<1000x128xf32>
    %add3A_16 = arith.addf %mul3A_12, %get3A_15 : vector<1000x128xf32>
    %get3A_17 = arith.constant 0 : index
    %get3A_18 = arith.constant 0 : index
    %get3A_19 = vector.load %arg6[%get3A_17, %get3A_18] : memref<128x256xf32, #tpu.memory_space<vmem>>, vector<128x256xf32>
    %dot_general3A = arith.constant dense<0.000000e+00> : vector<1000x256xf32>
    %dot_general3A_20 = tpu.matmul %add3A_16, %get3A_19, %dot_general3A {dimension_numbers = #tpu.dot_dimension_numbers<[1], [0], [0], [1], [0, 0, 1, 1], [], []>, transpose_lhs_hint = false} : vector<1000x128xf32>, vector<128x256xf32>, vector<1000x256xf32> -> vector<1000x256xf32>
    %get3A_21 = arith.constant 0 : index
    %get3A_22 = arith.constant 0 : index
    %get3A_23 = vector.load %arg8[%get3A_21, %get3A_22] : memref<1x256xf32, #tpu.memory_space<vmem>>, vector<1x256xf32>
    %add3A_24 = vector.broadcast %get3A_23 : vector<1x256xf32> to vector<1000x256xf32>
    %add3A_25 = arith.addf %dot_general3A_20, %add3A_24 : vector<1000x256xf32>
    %get3A_26 = arith.constant 0 : index
    %get3A_27 = arith.constant 0 : index
    %get3A_28 = vector.load %arg5[%get3A_26, %get3A_27] : memref<32x256xf32, #tpu.memory_space<vmem>>, vector<32x256xf32>
    %get3A_29 = arith.constant 0 : index
    %get3A_30 = arith.constant 0 : index
    %get3A_31 = vector.load %arg7[%get3A_29, %get3A_30] : memref<64x256xf32, #tpu.memory_space<vmem>>, vector<64x256xf32>
    %broadcast_in_dim3A = arith.constant 0.000000e+00 : f32
    %broadcast_in_dim3A_32 = vector.broadcast %broadcast_in_dim3A : f32 to vector<1000x64xf32>
    %broadcast_in_dim3A_33 = arith.constant 0.000000e+00 : f32
    %broadcast_in_dim3A_34 = vector.broadcast %broadcast_in_dim3A_33 : f32 to vector<1000x64xf32>
    %get3A_35 = arith.constant 0 : index
    %get3A_36 = arith.constant 0 : index
    %get3A_37 = vector.load %arg1[%get3A_35, %get3A_36] : memref<1000x640xf32, #tpu.memory_space<vmem>>, vector<1000x32xf32>
    %dot_general3A_38 = arith.constant dense<0.000000e+00> : vector<1000x256xf32>
    %dot_general3A_39 = tpu.matmul %get3A_37, %get3A_28, %dot_general3A_38 {dimension_numbers = #tpu.dot_dimension_numbers<[1], [0], [0], [1], [0, 0, 1, 1], [], []>, transpose_lhs_hint = false} : vector<1000x32xf32>, vector<32x256xf32>, vector<1000x256xf32> -> vector<1000x256xf32>
    %add3A_40 = arith.addf %dot_general3A_39, %add3A_25 : vector<1000x256xf32>
    %dot_general3A_41 = arith.constant dense<0.000000e+00> : vector<1000x256xf32>
    %dot_general3A_42 = tpu.matmul %broadcast_in_dim3A_32, %get3A_31, %dot_general3A_41 {dimension_numbers = #tpu.dot_dimension_numbers<[1], [0], [0], [1], [0, 0, 1, 1], [], []>, transpose_lhs_hint = false} : vector<1000x64xf32>, vector<64x256xf32>, vector<1000x256xf32> -> vector<1000x256xf32>
    %add3A_43 = arith.addf %add3A_40, %dot_general3A_42 : vector<1000x256xf32>
    %slice3A = vector.extract_strided_slice %add3A_43 {offsets = [0, 0], sizes = [1000, 192], strides = [1, 1]} : vector<1000x256xf32> to vector<1000x192xf32>
    %logistic3A = arith.negf %slice3A : vector<1000x192xf32>
    %logistic3A_44 = math.exp %logistic3A : vector<1000x192xf32>
    %logistic3A_45 = arith.constant 1.000000e+00 : f32
    %logistic3A_46 = vector.broadcast %logistic3A_45 : f32 to vector<1000x192xf32>
    %logistic3A_47 = arith.addf %logistic3A_46, %logistic3A_44 : vector<1000x192xf32>
    %logistic3A_48 = arith.divf %logistic3A_46, %logistic3A_47 : vector<1000x192xf32>
    %slice3A_49 = vector.extract_strided_slice %logistic3A_48 {offsets = [0, 0], sizes = [1000, 64], strides = [1, 1]} : vector<1000x192xf32> to vector<1000x64xf32>
    %slice3A_50 = vector.extract_strided_slice %logistic3A_48 {offsets = [0, 64], sizes = [1000, 64], strides = [1, 1]} : vector<1000x192xf32> to vector<1000x64xf32>
    %slice3A_51 = vector.extract_strided_slice %logistic3A_48 {offsets = [0, 128], sizes = [1000, 64], strides = [1, 1]} : vector<1000x192xf32> to vector<1000x64xf32>
    %slice3A_52 = vector.extract_strided_slice %add3A_43 {offsets = [0, 192], sizes = [1000, 64], strides = [1, 1]} : vector<1000x256xf32> to vector<1000x64xf32>
    %tanh3A = math.tanh %slice3A_52 : vector<1000x64xf32>
    %mul3A_53 = arith.mulf %slice3A_50, %broadcast_in_dim3A_34 : vector<1000x64xf32>
    %mul3A_54 = arith.mulf %slice3A_49, %tanh3A : vector<1000x64xf32>
    %add3A_55 = arith.addf %mul3A_53, %mul3A_54 : vector<1000x64xf32>
    %tanh3A_56 = math.tanh %add3A_55 : vector<1000x64xf32>
    %mul3A_57 = arith.mulf %slice3A_51, %tanh3A_56 : vector<1000x64xf32>
    %get3A_58 = arith.constant 0 : index
    %get3A_59 = arith.constant 32 : index
    %get3A_60 = vector.load %arg1[%get3A_58, %get3A_59] : memref<1000x640xf32, #tpu.memory_space<vmem>>, vector<1000x32xf32>
    %dot_general3A_61 = arith.constant dense<0.000000e+00> : vector<1000x256xf32>
    %dot_general3A_62 = tpu.matmul %get3A_60, %get3A_28, %dot_general3A_61 {dimension_numbers = #tpu.dot_dimension_numbers<[1], [0], [0], [1], [0, 0, 1, 1], [], []>, transpose_lhs_hint = false} : vector<1000x32xf32>, vector<32x256xf32>, vector<1000x256xf32> -> vector<1000x256xf32>
    %add3A_63 = arith.addf %dot_general3A_62, %add3A_25 : vector<1000x256xf32>
    %dot_general3A_64 = arith.constant dense<0.000000e+00> : vector<1000x256xf32>
    %dot_general3A_65 = tpu.matmul %mul3A_57, %get3A_31, %dot_general3A_64 {dimension_numbers = #tpu.dot_dimension_numbers<[1], [0], [0], [1], [0, 0, 1, 1], [], []>, transpose_lhs_hint = false} : vector<1000x64xf32>, vector<64x256xf32>, vector<1000x256xf32> -> vector<1000x256xf32>
    %add3A_66 = arith.addf %add3A_63, %dot_general3A_65 : vector<1000x256xf32>
    %slice3A_67 = vector.extract_strided_slice %add3A_66 {offsets = [0, 0], sizes = [1000, 192], strides = [1, 1]} : vector<1000x256xf32> to vector<1000x192xf32>
    %logistic3A_68 = arith.negf %slice3A_67 : vector<1000x192xf32>
    %logistic3A_69 = math.exp %logistic3A_68 : vector<1000x192xf32>
    %logistic3A_70 = arith.constant 1.000000e+00 : f32
    %logistic3A_71 = vector.broadcast %logistic3A_70 : f32 to vector<1000x192xf32>
    %logistic3A_72 = arith.addf %logistic3A_71, %logistic3A_69 : vector<1000x192xf32>
    %logistic3A_73 = arith.divf %logistic3A_71, %logistic3A_72 : vector<1000x192xf32>
    %slice3A_74 = vector.extract_strided_slice %logistic3A_73 {offsets = [0, 0], sizes = [1000, 64], strides = [1, 1]} : vector<1000x192xf32> to vector<1000x64xf32>
    %slice3A_75 = vector.extract_strided_slice %logistic3A_73 {offsets = [0, 64], sizes = [1000, 64], strides = [1, 1]} : vector<1000x192xf32> to vector<1000x64xf32>
    %slice3A_76 = vector.extract_strided_slice %logistic3A_73 {offsets = [0, 128], sizes = [1000, 64], strides = [1, 1]} : vector<1000x192xf32> to vector<1000x64xf32>
    %slice3A_77 = vector.extract_strided_slice %add3A_66 {offsets = [0, 192], sizes = [1000, 64], strides = [1, 1]} : vector<1000x256xf32> to vector<1000x64xf32>
    %tanh3A_78 = math.tanh %slice3A_77 : vector<1000x64xf32>
    %mul3A_79 = arith.mulf %slice3A_75, %add3A_55 : vector<1000x64xf32>
    %mul3A_80 = arith.mulf %slice3A_74, %tanh3A_78 : vector<1000x64xf32>
    %add3A_81 = arith.addf %mul3A_79, %mul3A_80 : vector<1000x64xf32>
    %tanh3A_82 = math.tanh %add3A_81 : vector<1000x64xf32>
    %mul3A_83 = arith.mulf %slice3A_76, %tanh3A_82 : vector<1000x64xf32>
    %get3A_84 = arith.constant 0 : index
    %get3A_85 = arith.constant 64 : index
    %get3A_86 = vector.load %arg1[%get3A_84, %get3A_85] : memref<1000x640xf32, #tpu.memory_space<vmem>>, vector<1000x32xf32>
    %dot_general3A_87 = arith.constant dense<0.000000e+00> : vector<1000x256xf32>
    %dot_general3A_88 = tpu.matmul %get3A_86, %get3A_28, %dot_general3A_87 {dimension_numbers = #tpu.dot_dimension_numbers<[1], [0], [0], [1], [0, 0, 1, 1], [], []>, transpose_lhs_hint = false} : vector<1000x32xf32>, vector<32x256xf32>, vector<1000x256xf32> -> vector<1000x256xf32>
    %add3A_89 = arith.addf %dot_general3A_88, %add3A_25 : vector<1000x256xf32>
    %dot_general3A_90 = arith.constant dense<0.000000e+00> : vector<1000x256xf32>
    %dot_general3A_91 = tpu.matmul %mul3A_83, %get3A_31, %dot_general3A_90 {dimension_numbers = #tpu.dot_dimension_numbers<[1], [0], [0], [1], [0, 0, 1, 1], [], []>, transpose_lhs_hint = false} : vector<1000x64xf32>, vector<64x256xf32>, vector<1000x256xf32> -> vector<1000x256xf32>
    %add3A_92 = arith.addf %add3A_89, %dot_general3A_91 : vector<1000x256xf32>
    %slice3A_93 = vector.extract_strided_slice %add3A_92 {offsets = [0, 0], sizes = [1000, 192], strides = [1, 1]} : vector<1000x256xf32> to vector<1000x192xf32>
    %logistic3A_94 = arith.negf %slice3A_93 : vector<1000x192xf32>
    %logistic3A_95 = math.exp %logistic3A_94 : vector<1000x192xf32>
    %logistic3A_96 = arith.constant 1.000000e+00 : f32
    %logistic3A_97 = vector.broadcast %logistic3A_96 : f32 to vector<1000x192xf32>
    %logistic3A_98 = arith.addf %logistic3A_97, %logistic3A_95 : vector<1000x192xf32>
    %logistic3A_99 = arith.divf %logistic3A_97, %logistic3A_98 : vector<1000x192xf32>
    %slice3A_100 = vector.extract_strided_slice %logistic3A_99 {offsets = [0, 0], sizes = [1000, 64], strides = [1, 1]} : vector<1000x192xf32> to vector<1000x64xf32>
    %slice3A_101 = vector.extract_strided_slice %logistic3A_99 {offsets = [0, 64], sizes = [1000, 64], strides = [1, 1]} : vector<1000x192xf32> to vector<1000x64xf32>
    %slice3A_102 = vector.extract_strided_slice %logistic3A_99 {offsets = [0, 128], sizes = [1000, 64], strides = [1, 1]} : vector<1000x192xf32> to vector<1000x64xf32>
    %slice3A_103 = vector.extract_strided_slice %add3A_92 {offsets = [0, 192], sizes = [1000, 64], strides = [1, 1]} : vector<1000x256xf32> to vector<1000x64xf32>
    %tanh3A_104 = math.tanh %slice3A_103 : vector<1000x64xf32>
    %mul3A_105 = arith.mulf %slice3A_101, %add3A_81 : vector<1000x64xf32>
    %mul3A_106 = arith.mulf %slice3A_100, %tanh3A_104 : vector<1000x64xf32>
    %add3A_107 = arith.addf %mul3A_105, %mul3A_106 : vector<1000x64xf32>
    %tanh3A_108 = math.tanh %add3A_107 : vector<1000x64xf32>
    %mul3A_109 = arith.mulf %slice3A_102, %tanh3A_108 : vector<1000x64xf32>
    %get3A_110 = arith.constant 0 : index
    %get3A_111 = arith.constant 96 : index
    %get3A_112 = vector.load %arg1[%get3A_110, %get3A_111] : memref<1000x640xf32, #tpu.memory_space<vmem>>, vector<1000x32xf32>
    %dot_general3A_113 = arith.constant dense<0.000000e+00> : vector<1000x256xf32>
    %dot_general3A_114 = tpu.matmul %get3A_112, %get3A_28, %dot_general3A_113 {dimension_numbers = #tpu.dot_dimension_numbers<[1], [0], [0], [1], [0, 0, 1, 1], [], []>, transpose_lhs_hint = false} : vector<1000x32xf32>, vector<32x256xf32>, vector<1000x256xf32> -> vector<1000x256xf32>
    %add3A_115 = arith.addf %dot_general3A_114, %add3A_25 : vector<1000x256xf32>
    %dot_general3A_116 = arith.constant dense<0.000000e+00> : vector<1000x256xf32>
    %dot_general3A_117 = tpu.matmul %mul3A_109, %get3A_31, %dot_general3A_116 {dimension_numbers = #tpu.dot_dimension_numbers<[1], [0], [0], [1], [0, 0, 1, 1], [], []>, transpose_lhs_hint = false} : vector<1000x64xf32>, vector<64x256xf32>, vector<1000x256xf32> -> vector<1000x256xf32>
    %add3A_118 = arith.addf %add3A_115, %dot_general3A_117 : vector<1000x256xf32>
    %slice3A_119 = vector.extract_strided_slice %add3A_118 {offsets = [0, 0], sizes = [1000, 192], strides = [1, 1]} : vector<1000x256xf32> to vector<1000x192xf32>
    %logistic3A_120 = arith.negf %slice3A_119 : vector<1000x192xf32>
    %logistic3A_121 = math.exp %logistic3A_120 : vector<1000x192xf32>
    %logistic3A_122 = arith.constant 1.000000e+00 : f32
    %logistic3A_123 = vector.broadcast %logistic3A_122 : f32 to vector<1000x192xf32>
    %logistic3A_124 = arith.addf %logistic3A_123, %logistic3A_121 : vector<1000x192xf32>
    %logistic3A_125 = arith.divf %logistic3A_123, %logistic3A_124 : vector<1000x192xf32>
    %slice3A_126 = vector.extract_strided_slice %logistic3A_125 {offsets = [0, 0], sizes = [1000, 64], strides = [1, 1]} : vector<1000x192xf32> to vector<1000x64xf32>
    %slice3A_127 = vector.extract_strided_slice %logistic3A_125 {offsets = [0, 64], sizes = [1000, 64], strides = [1, 1]} : vector<1000x192xf32> to vector<1000x64xf32>
    %slice3A_128 = vector.extract_strided_slice %logistic3A_125 {offsets = [0, 128], sizes = [1000, 64], strides = [1, 1]} : vector<1000x192xf32> to vector<1000x64xf32>
    %slice3A_129 = vector.extract_strided_slice %add3A_118 {offsets = [0, 192], sizes = [1000, 64], strides = [1, 1]} : vector<1000x256xf32> to vector<1000x64xf32>
    %tanh3A_130 = math.tanh %slice3A_129 : vector<1000x64xf32>
    %mul3A_131 = arith.mulf %slice3A_127, %add3A_107 : vector<1000x64xf32>
    %mul3A_132 = arith.mulf %slice3A_126, %tanh3A_130 : vector<1000x64xf32>
    %add3A_133 = arith.addf %mul3A_131, %mul3A_132 : vector<1000x64xf32>
    %tanh3A_134 = math.tanh %add3A_133 : vector<1000x64xf32>
    %mul3A_135 = arith.mulf %slice3A_128, %tanh3A_134 : vector<1000x64xf32>
    %get3A_136 = arith.constant 0 : index
    %get3A_137 = arith.constant 128 : index
    %get3A_138 = vector.load %arg1[%get3A_136, %get3A_137] : memref<1000x640xf32, #tpu.memory_space<vmem>>, vector<1000x32xf32>
    %dot_general3A_139 = arith.constant dense<0.000000e+00> : vector<1000x256xf32>
    %dot_general3A_140 = tpu.matmul %get3A_138, %get3A_28, %dot_general3A_139 {dimension_numbers = #tpu.dot_dimension_numbers<[1], [0], [0], [1], [0, 0, 1, 1], [], []>, transpose_lhs_hint = false} : vector<1000x32xf32>, vector<32x256xf32>, vector<1000x256xf32> -> vector<1000x256xf32>
    %add3A_141 = arith.addf %dot_general3A_140, %add3A_25 : vector<1000x256xf32>
    %dot_general3A_142 = arith.constant dense<0.000000e+00> : vector<1000x256xf32>
    %dot_general3A_143 = tpu.matmul %mul3A_135, %get3A_31, %dot_general3A_142 {dimension_numbers = #tpu.dot_dimension_numbers<[1], [0], [0], [1], [0, 0, 1, 1], [], []>, transpose_lhs_hint = false} : vector<1000x64xf32>, vector<64x256xf32>, vector<1000x256xf32> -> vector<1000x256xf32>
    %add3A_144 = arith.addf %add3A_141, %dot_general3A_143 : vector<1000x256xf32>
    %slice3A_145 = vector.extract_strided_slice %add3A_144 {offsets = [0, 0], sizes = [1000, 192], strides = [1, 1]} : vector<1000x256xf32> to vector<1000x192xf32>
    %logistic3A_146 = arith.negf %slice3A_145 : vector<1000x192xf32>
    %logistic3A_147 = math.exp %logistic3A_146 : vector<1000x192xf32>
    %logistic3A_148 = arith.constant 1.000000e+00 : f32
    %logistic3A_149 = vector.broadcast %logistic3A_148 : f32 to vector<1000x192xf32>
    %logistic3A_150 = arith.addf %logistic3A_149, %logistic3A_147 : vector<1000x192xf32>
    %logistic3A_151 = arith.divf %logistic3A_149, %logistic3A_150 : vector<1000x192xf32>
    %slice3A_152 = vector.extract_strided_slice %logistic3A_151 {offsets = [0, 0], sizes = [1000, 64], strides = [1, 1]} : vector<1000x192xf32> to vector<1000x64xf32>
    %slice3A_153 = vector.extract_strided_slice %logistic3A_151 {offsets = [0, 64], sizes = [1000, 64], strides = [1, 1]} : vector<1000x192xf32> to vector<1000x64xf32>
    %slice3A_154 = vector.extract_strided_slice %logistic3A_151 {offsets = [0, 128], sizes = [1000, 64], strides = [1, 1]} : vector<1000x192xf32> to vector<1000x64xf32>
    %slice3A_155 = vector.extract_strided_slice %add3A_144 {offsets = [0, 192], sizes = [1000, 64], strides = [1, 1]} : vector<1000x256xf32> to vector<1000x64xf32>
    %tanh3A_156 = math.tanh %slice3A_155 : vector<1000x64xf32>
    %mul3A_157 = arith.mulf %slice3A_153, %add3A_133 : vector<1000x64xf32>
    %mul3A_158 = arith.mulf %slice3A_152, %tanh3A_156 : vector<1000x64xf32>
    %add3A_159 = arith.addf %mul3A_157, %mul3A_158 : vector<1000x64xf32>
    %tanh3A_160 = math.tanh %add3A_159 : vector<1000x64xf32>
    %mul3A_161 = arith.mulf %slice3A_154, %tanh3A_160 : vector<1000x64xf32>
    %get3A_162 = arith.constant 0 : index
    %get3A_163 = arith.constant 160 : index
    %get3A_164 = vector.load %arg1[%get3A_162, %get3A_163] : memref<1000x640xf32, #tpu.memory_space<vmem>>, vector<1000x32xf32>
    %dot_general3A_165 = arith.constant dense<0.000000e+00> : vector<1000x256xf32>
    %dot_general3A_166 = tpu.matmul %get3A_164, %get3A_28, %dot_general3A_165 {dimension_numbers = #tpu.dot_dimension_numbers<[1], [0], [0], [1], [0, 0, 1, 1], [], []>, transpose_lhs_hint = false} : vector<1000x32xf32>, vector<32x256xf32>, vector<1000x256xf32> -> vector<1000x256xf32>
    %add3A_167 = arith.addf %dot_general3A_166, %add3A_25 : vector<1000x256xf32>
    %dot_general3A_168 = arith.constant dense<0.000000e+00> : vector<1000x256xf32>
    %dot_general3A_169 = tpu.matmul %mul3A_161, %get3A_31, %dot_general3A_168 {dimension_numbers = #tpu.dot_dimension_numbers<[1], [0], [0], [1], [0, 0, 1, 1], [], []>, transpose_lhs_hint = false} : vector<1000x64xf32>, vector<64x256xf32>, vector<1000x256xf32> -> vector<1000x256xf32>
    %add3A_170 = arith.addf %add3A_167, %dot_general3A_169 : vector<1000x256xf32>
    %slice3A_171 = vector.extract_strided_slice %add3A_170 {offsets = [0, 0], sizes = [1000, 192], strides = [1, 1]} : vector<1000x256xf32> to vector<1000x192xf32>
    %logistic3A_172 = arith.negf %slice3A_171 : vector<1000x192xf32>
    %logistic3A_173 = math.exp %logistic3A_172 : vector<1000x192xf32>
    %logistic3A_174 = arith.constant 1.000000e+00 : f32
    %logistic3A_175 = vector.broadcast %logistic3A_174 : f32 to vector<1000x192xf32>
    %logistic3A_176 = arith.addf %logistic3A_175, %logistic3A_173 : vector<1000x192xf32>
    %logistic3A_177 = arith.divf %logistic3A_175, %logistic3A_176 : vector<1000x192xf32>
    %slice3A_178 = vector.extract_strided_slice %logistic3A_177 {offsets = [0, 0], sizes = [1000, 64], strides = [1, 1]} : vector<1000x192xf32> to vector<1000x64xf32>
    %slice3A_179 = vector.extract_strided_slice %logistic3A_177 {offsets = [0, 64], sizes = [1000, 64], strides = [1, 1]} : vector<1000x192xf32> to vector<1000x64xf32>
    %slice3A_180 = vector.extract_strided_slice %logistic3A_177 {offsets = [0, 128], sizes = [1000, 64], strides = [1, 1]} : vector<1000x192xf32> to vector<1000x64xf32>
    %slice3A_181 = vector.extract_strided_slice %add3A_170 {offsets = [0, 192], sizes = [1000, 64], strides = [1, 1]} : vector<1000x256xf32> to vector<1000x64xf32>
    %tanh3A_182 = math.tanh %slice3A_181 : vector<1000x64xf32>
    %mul3A_183 = arith.mulf %slice3A_179, %add3A_159 : vector<1000x64xf32>
    %mul3A_184 = arith.mulf %slice3A_178, %tanh3A_182 : vector<1000x64xf32>
    %add3A_185 = arith.addf %mul3A_183, %mul3A_184 : vector<1000x64xf32>
    %tanh3A_186 = math.tanh %add3A_185 : vector<1000x64xf32>
    %mul3A_187 = arith.mulf %slice3A_180, %tanh3A_186 : vector<1000x64xf32>
    %get3A_188 = arith.constant 0 : index
    %get3A_189 = arith.constant 192 : index
    %get3A_190 = vector.load %arg1[%get3A_188, %get3A_189] : memref<1000x640xf32, #tpu.memory_space<vmem>>, vector<1000x32xf32>
    %dot_general3A_191 = arith.constant dense<0.000000e+00> : vector<1000x256xf32>
    %dot_general3A_192 = tpu.matmul %get3A_190, %get3A_28, %dot_general3A_191 {dimension_numbers = #tpu.dot_dimension_numbers<[1], [0], [0], [1], [0, 0, 1, 1], [], []>, transpose_lhs_hint = false} : vector<1000x32xf32>, vector<32x256xf32>, vector<1000x256xf32> -> vector<1000x256xf32>
    %add3A_193 = arith.addf %dot_general3A_192, %add3A_25 : vector<1000x256xf32>
    %dot_general3A_194 = arith.constant dense<0.000000e+00> : vector<1000x256xf32>
    %dot_general3A_195 = tpu.matmul %mul3A_187, %get3A_31, %dot_general3A_194 {dimension_numbers = #tpu.dot_dimension_numbers<[1], [0], [0], [1], [0, 0, 1, 1], [], []>, transpose_lhs_hint = false} : vector<1000x64xf32>, vector<64x256xf32>, vector<1000x256xf32> -> vector<1000x256xf32>
    %add3A_196 = arith.addf %add3A_193, %dot_general3A_195 : vector<1000x256xf32>
    %slice3A_197 = vector.extract_strided_slice %add3A_196 {offsets = [0, 0], sizes = [1000, 192], strides = [1, 1]} : vector<1000x256xf32> to vector<1000x192xf32>
    %logistic3A_198 = arith.negf %slice3A_197 : vector<1000x192xf32>
    %logistic3A_199 = math.exp %logistic3A_198 : vector<1000x192xf32>
    %logistic3A_200 = arith.constant 1.000000e+00 : f32
    %logistic3A_201 = vector.broadcast %logistic3A_200 : f32 to vector<1000x192xf32>
    %logistic3A_202 = arith.addf %logistic3A_201, %logistic3A_199 : vector<1000x192xf32>
    %logistic3A_203 = arith.divf %logistic3A_201, %logistic3A_202 : vector<1000x192xf32>
    %slice3A_204 = vector.extract_strided_slice %logistic3A_203 {offsets = [0, 0], sizes = [1000, 64], strides = [1, 1]} : vector<1000x192xf32> to vector<1000x64xf32>
    %slice3A_205 = vector.extract_strided_slice %logistic3A_203 {offsets = [0, 64], sizes = [1000, 64], strides = [1, 1]} : vector<1000x192xf32> to vector<1000x64xf32>
    %slice3A_206 = vector.extract_strided_slice %logistic3A_203 {offsets = [0, 128], sizes = [1000, 64], strides = [1, 1]} : vector<1000x192xf32> to vector<1000x64xf32>
    %slice3A_207 = vector.extract_strided_slice %add3A_196 {offsets = [0, 192], sizes = [1000, 64], strides = [1, 1]} : vector<1000x256xf32> to vector<1000x64xf32>
    %tanh3A_208 = math.tanh %slice3A_207 : vector<1000x64xf32>
    %mul3A_209 = arith.mulf %slice3A_205, %add3A_185 : vector<1000x64xf32>
    %mul3A_210 = arith.mulf %slice3A_204, %tanh3A_208 : vector<1000x64xf32>
    %add3A_211 = arith.addf %mul3A_209, %mul3A_210 : vector<1000x64xf32>
    %tanh3A_212 = math.tanh %add3A_211 : vector<1000x64xf32>
    %mul3A_213 = arith.mulf %slice3A_206, %tanh3A_212 : vector<1000x64xf32>
    %get3A_214 = arith.constant 0 : index
    %get3A_215 = arith.constant 224 : index
    %get3A_216 = vector.load %arg1[%get3A_214, %get3A_215] : memref<1000x640xf32, #tpu.memory_space<vmem>>, vector<1000x32xf32>
    %dot_general3A_217 = arith.constant dense<0.000000e+00> : vector<1000x256xf32>
    %dot_general3A_218 = tpu.matmul %get3A_216, %get3A_28, %dot_general3A_217 {dimension_numbers = #tpu.dot_dimension_numbers<[1], [0], [0], [1], [0, 0, 1, 1], [], []>, transpose_lhs_hint = false} : vector<1000x32xf32>, vector<32x256xf32>, vector<1000x256xf32> -> vector<1000x256xf32>
    %add3A_219 = arith.addf %dot_general3A_218, %add3A_25 : vector<1000x256xf32>
    %dot_general3A_220 = arith.constant dense<0.000000e+00> : vector<1000x256xf32>
    %dot_general3A_221 = tpu.matmul %mul3A_213, %get3A_31, %dot_general3A_220 {dimension_numbers = #tpu.dot_dimension_numbers<[1], [0], [0], [1], [0, 0, 1, 1], [], []>, transpose_lhs_hint = false} : vector<1000x64xf32>, vector<64x256xf32>, vector<1000x256xf32> -> vector<1000x256xf32>
    %add3A_222 = arith.addf %add3A_219, %dot_general3A_221 : vector<1000x256xf32>
    %slice3A_223 = vector.extract_strided_slice %add3A_222 {offsets = [0, 0], sizes = [1000, 192], strides = [1, 1]} : vector<1000x256xf32> to vector<1000x192xf32>
    %logistic3A_224 = arith.negf %slice3A_223 : vector<1000x192xf32>
    %logistic3A_225 = math.exp %logistic3A_224 : vector<1000x192xf32>
    %logistic3A_226 = arith.constant 1.000000e+00 : f32
    %logistic3A_227 = vector.broadcast %logistic3A_226 : f32 to vector<1000x192xf32>
    %logistic3A_228 = arith.addf %logistic3A_227, %logistic3A_225 : vector<1000x192xf32>
    %logistic3A_229 = arith.divf %logistic3A_227, %logistic3A_228 : vector<1000x192xf32>
    %slice3A_230 = vector.extract_strided_slice %logistic3A_229 {offsets = [0, 0], sizes = [1000, 64], strides = [1, 1]} : vector<1000x192xf32> to vector<1000x64xf32>
    %slice3A_231 = vector.extract_strided_slice %logistic3A_229 {offsets = [0, 64], sizes = [1000, 64], strides = [1, 1]} : vector<1000x192xf32> to vector<1000x64xf32>
    %slice3A_232 = vector.extract_strided_slice %logistic3A_229 {offsets = [0, 128], sizes = [1000, 64], strides = [1, 1]} : vector<1000x192xf32> to vector<1000x64xf32>
    %slice3A_233 = vector.extract_strided_slice %add3A_222 {offsets = [0, 192], sizes = [1000, 64], strides = [1, 1]} : vector<1000x256xf32> to vector<1000x64xf32>
    %tanh3A_234 = math.tanh %slice3A_233 : vector<1000x64xf32>
    %mul3A_235 = arith.mulf %slice3A_231, %add3A_211 : vector<1000x64xf32>
    %mul3A_236 = arith.mulf %slice3A_230, %tanh3A_234 : vector<1000x64xf32>
    %add3A_237 = arith.addf %mul3A_235, %mul3A_236 : vector<1000x64xf32>
    %tanh3A_238 = math.tanh %add3A_237 : vector<1000x64xf32>
    %mul3A_239 = arith.mulf %slice3A_232, %tanh3A_238 : vector<1000x64xf32>
    %get3A_240 = arith.constant 0 : index
    %get3A_241 = arith.constant 256 : index
    %get3A_242 = vector.load %arg1[%get3A_240, %get3A_241] : memref<1000x640xf32, #tpu.memory_space<vmem>>, vector<1000x32xf32>
    %dot_general3A_243 = arith.constant dense<0.000000e+00> : vector<1000x256xf32>
    %dot_general3A_244 = tpu.matmul %get3A_242, %get3A_28, %dot_general3A_243 {dimension_numbers = #tpu.dot_dimension_numbers<[1], [0], [0], [1], [0, 0, 1, 1], [], []>, transpose_lhs_hint = false} : vector<1000x32xf32>, vector<32x256xf32>, vector<1000x256xf32> -> vector<1000x256xf32>
    %add3A_245 = arith.addf %dot_general3A_244, %add3A_25 : vector<1000x256xf32>
    %dot_general3A_246 = arith.constant dense<0.000000e+00> : vector<1000x256xf32>
    %dot_general3A_247 = tpu.matmul %mul3A_239, %get3A_31, %dot_general3A_246 {dimension_numbers = #tpu.dot_dimension_numbers<[1], [0], [0], [1], [0, 0, 1, 1], [], []>, transpose_lhs_hint = false} : vector<1000x64xf32>, vector<64x256xf32>, vector<1000x256xf32> -> vector<1000x256xf32>
    %add3A_248 = arith.addf %add3A_245, %dot_general3A_247 : vector<1000x256xf32>
    %slice3A_249 = vector.extract_strided_slice %add3A_248 {offsets = [0, 0], sizes = [1000, 192], strides = [1, 1]} : vector<1000x256xf32> to vector<1000x192xf32>
    %logistic3A_250 = arith.negf %slice3A_249 : vector<1000x192xf32>
    %logistic3A_251 = math.exp %logistic3A_250 : vector<1000x192xf32>
    %logistic3A_252 = arith.constant 1.000000e+00 : f32
    %logistic3A_253 = vector.broadcast %logistic3A_252 : f32 to vector<1000x192xf32>
    %logistic3A_254 = arith.addf %logistic3A_253, %logistic3A_251 : vector<1000x192xf32>
    %logistic3A_255 = arith.divf %logistic3A_253, %logistic3A_254 : vector<1000x192xf32>
    %slice3A_256 = vector.extract_strided_slice %logistic3A_255 {offsets = [0, 0], sizes = [1000, 64], strides = [1, 1]} : vector<1000x192xf32> to vector<1000x64xf32>
    %slice3A_257 = vector.extract_strided_slice %logistic3A_255 {offsets = [0, 64], sizes = [1000, 64], strides = [1, 1]} : vector<1000x192xf32> to vector<1000x64xf32>
    %slice3A_258 = vector.extract_strided_slice %logistic3A_255 {offsets = [0, 128], sizes = [1000, 64], strides = [1, 1]} : vector<1000x192xf32> to vector<1000x64xf32>
    %slice3A_259 = vector.extract_strided_slice %add3A_248 {offsets = [0, 192], sizes = [1000, 64], strides = [1, 1]} : vector<1000x256xf32> to vector<1000x64xf32>
    %tanh3A_260 = math.tanh %slice3A_259 : vector<1000x64xf32>
    %mul3A_261 = arith.mulf %slice3A_257, %add3A_237 : vector<1000x64xf32>
    %mul3A_262 = arith.mulf %slice3A_256, %tanh3A_260 : vector<1000x64xf32>
    %add3A_263 = arith.addf %mul3A_261, %mul3A_262 : vector<1000x64xf32>
    %tanh3A_264 = math.tanh %add3A_263 : vector<1000x64xf32>
    %mul3A_265 = arith.mulf %slice3A_258, %tanh3A_264 : vector<1000x64xf32>
    %get3A_266 = arith.constant 0 : index
    %get3A_267 = arith.constant 288 : index
    %get3A_268 = vector.load %arg1[%get3A_266, %get3A_267] : memref<1000x640xf32, #tpu.memory_space<vmem>>, vector<1000x32xf32>
    %dot_general3A_269 = arith.constant dense<0.000000e+00> : vector<1000x256xf32>
    %dot_general3A_270 = tpu.matmul %get3A_268, %get3A_28, %dot_general3A_269 {dimension_numbers = #tpu.dot_dimension_numbers<[1], [0], [0], [1], [0, 0, 1, 1], [], []>, transpose_lhs_hint = false} : vector<1000x32xf32>, vector<32x256xf32>, vector<1000x256xf32> -> vector<1000x256xf32>
    %add3A_271 = arith.addf %dot_general3A_270, %add3A_25 : vector<1000x256xf32>
    %dot_general3A_272 = arith.constant dense<0.000000e+00> : vector<1000x256xf32>
    %dot_general3A_273 = tpu.matmul %mul3A_265, %get3A_31, %dot_general3A_272 {dimension_numbers = #tpu.dot_dimension_numbers<[1], [0], [0], [1], [0, 0, 1, 1], [], []>, transpose_lhs_hint = false} : vector<1000x64xf32>, vector<64x256xf32>, vector<1000x256xf32> -> vector<1000x256xf32>
    %add3A_274 = arith.addf %add3A_271, %dot_general3A_273 : vector<1000x256xf32>
    %slice3A_275 = vector.extract_strided_slice %add3A_274 {offsets = [0, 0], sizes = [1000, 192], strides = [1, 1]} : vector<1000x256xf32> to vector<1000x192xf32>
    %logistic3A_276 = arith.negf %slice3A_275 : vector<1000x192xf32>
    %logistic3A_277 = math.exp %logistic3A_276 : vector<1000x192xf32>
    %logistic3A_278 = arith.constant 1.000000e+00 : f32
    %logistic3A_279 = vector.broadcast %logistic3A_278 : f32 to vector<1000x192xf32>
    %logistic3A_280 = arith.addf %logistic3A_279, %logistic3A_277 : vector<1000x192xf32>
    %logistic3A_281 = arith.divf %logistic3A_279, %logistic3A_280 : vector<1000x192xf32>
    %slice3A_282 = vector.extract_strided_slice %logistic3A_281 {offsets = [0, 0], sizes = [1000, 64], strides = [1, 1]} : vector<1000x192xf32> to vector<1000x64xf32>
    %slice3A_283 = vector.extract_strided_slice %logistic3A_281 {offsets = [0, 64], sizes = [1000, 64], strides = [1, 1]} : vector<1000x192xf32> to vector<1000x64xf32>
    %slice3A_284 = vector.extract_strided_slice %logistic3A_281 {offsets = [0, 128], sizes = [1000, 64], strides = [1, 1]} : vector<1000x192xf32> to vector<1000x64xf32>
    %slice3A_285 = vector.extract_strided_slice %add3A_274 {offsets = [0, 192], sizes = [1000, 64], strides = [1, 1]} : vector<1000x256xf32> to vector<1000x64xf32>
    %tanh3A_286 = math.tanh %slice3A_285 : vector<1000x64xf32>
    %mul3A_287 = arith.mulf %slice3A_283, %add3A_263 : vector<1000x64xf32>
    %mul3A_288 = arith.mulf %slice3A_282, %tanh3A_286 : vector<1000x64xf32>
    %add3A_289 = arith.addf %mul3A_287, %mul3A_288 : vector<1000x64xf32>
    %tanh3A_290 = math.tanh %add3A_289 : vector<1000x64xf32>
    %mul3A_291 = arith.mulf %slice3A_284, %tanh3A_290 : vector<1000x64xf32>
    %get3A_292 = arith.constant 0 : index
    %get3A_293 = arith.constant 320 : index
    %get3A_294 = vector.load %arg1[%get3A_292, %get3A_293] : memref<1000x640xf32, #tpu.memory_space<vmem>>, vector<1000x32xf32>
    %dot_general3A_295 = arith.constant dense<0.000000e+00> : vector<1000x256xf32>
    %dot_general3A_296 = tpu.matmul %get3A_294, %get3A_28, %dot_general3A_295 {dimension_numbers = #tpu.dot_dimension_numbers<[1], [0], [0], [1], [0, 0, 1, 1], [], []>, transpose_lhs_hint = false} : vector<1000x32xf32>, vector<32x256xf32>, vector<1000x256xf32> -> vector<1000x256xf32>
    %add3A_297 = arith.addf %dot_general3A_296, %add3A_25 : vector<1000x256xf32>
    %dot_general3A_298 = arith.constant dense<0.000000e+00> : vector<1000x256xf32>
    %dot_general3A_299 = tpu.matmul %mul3A_291, %get3A_31, %dot_general3A_298 {dimension_numbers = #tpu.dot_dimension_numbers<[1], [0], [0], [1], [0, 0, 1, 1], [], []>, transpose_lhs_hint = false} : vector<1000x64xf32>, vector<64x256xf32>, vector<1000x256xf32> -> vector<1000x256xf32>
    %add3A_300 = arith.addf %add3A_297, %dot_general3A_299 : vector<1000x256xf32>
    %slice3A_301 = vector.extract_strided_slice %add3A_300 {offsets = [0, 0], sizes = [1000, 192], strides = [1, 1]} : vector<1000x256xf32> to vector<1000x192xf32>
    %logistic3A_302 = arith.negf %slice3A_301 : vector<1000x192xf32>
    %logistic3A_303 = math.exp %logistic3A_302 : vector<1000x192xf32>
    %logistic3A_304 = arith.constant 1.000000e+00 : f32
    %logistic3A_305 = vector.broadcast %logistic3A_304 : f32 to vector<1000x192xf32>
    %logistic3A_306 = arith.addf %logistic3A_305, %logistic3A_303 : vector<1000x192xf32>
    %logistic3A_307 = arith.divf %logistic3A_305, %logistic3A_306 : vector<1000x192xf32>
    %slice3A_308 = vector.extract_strided_slice %logistic3A_307 {offsets = [0, 0], sizes = [1000, 64], strides = [1, 1]} : vector<1000x192xf32> to vector<1000x64xf32>
    %slice3A_309 = vector.extract_strided_slice %logistic3A_307 {offsets = [0, 64], sizes = [1000, 64], strides = [1, 1]} : vector<1000x192xf32> to vector<1000x64xf32>
    %slice3A_310 = vector.extract_strided_slice %logistic3A_307 {offsets = [0, 128], sizes = [1000, 64], strides = [1, 1]} : vector<1000x192xf32> to vector<1000x64xf32>
    %slice3A_311 = vector.extract_strided_slice %add3A_300 {offsets = [0, 192], sizes = [1000, 64], strides = [1, 1]} : vector<1000x256xf32> to vector<1000x64xf32>
    %tanh3A_312 = math.tanh %slice3A_311 : vector<1000x64xf32>
    %mul3A_313 = arith.mulf %slice3A_309, %add3A_289 : vector<1000x64xf32>
    %mul3A_314 = arith.mulf %slice3A_308, %tanh3A_312 : vector<1000x64xf32>
    %add3A_315 = arith.addf %mul3A_313, %mul3A_314 : vector<1000x64xf32>
    %tanh3A_316 = math.tanh %add3A_315 : vector<1000x64xf32>
    %mul3A_317 = arith.mulf %slice3A_310, %tanh3A_316 : vector<1000x64xf32>
    %get3A_318 = arith.constant 0 : index
    %get3A_319 = arith.constant 352 : index
    %get3A_320 = vector.load %arg1[%get3A_318, %get3A_319] : memref<1000x640xf32, #tpu.memory_space<vmem>>, vector<1000x32xf32>
    %dot_general3A_321 = arith.constant dense<0.000000e+00> : vector<1000x256xf32>
    %dot_general3A_322 = tpu.matmul %get3A_320, %get3A_28, %dot_general3A_321 {dimension_numbers = #tpu.dot_dimension_numbers<[1], [0], [0], [1], [0, 0, 1, 1], [], []>, transpose_lhs_hint = false} : vector<1000x32xf32>, vector<32x256xf32>, vector<1000x256xf32> -> vector<1000x256xf32>
    %add3A_323 = arith.addf %dot_general3A_322, %add3A_25 : vector<1000x256xf32>
    %dot_general3A_324 = arith.constant dense<0.000000e+00> : vector<1000x256xf32>
    %dot_general3A_325 = tpu.matmul %mul3A_317, %get3A_31, %dot_general3A_324 {dimension_numbers = #tpu.dot_dimension_numbers<[1], [0], [0], [1], [0, 0, 1, 1], [], []>, transpose_lhs_hint = false} : vector<1000x64xf32>, vector<64x256xf32>, vector<1000x256xf32> -> vector<1000x256xf32>
    %add3A_326 = arith.addf %add3A_323, %dot_general3A_325 : vector<1000x256xf32>
    %slice3A_327 = vector.extract_strided_slice %add3A_326 {offsets = [0, 0], sizes = [1000, 192], strides = [1, 1]} : vector<1000x256xf32> to vector<1000x192xf32>
    %logistic3A_328 = arith.negf %slice3A_327 : vector<1000x192xf32>
    %logistic3A_329 = math.exp %logistic3A_328 : vector<1000x192xf32>
    %logistic3A_330 = arith.constant 1.000000e+00 : f32
    %logistic3A_331 = vector.broadcast %logistic3A_330 : f32 to vector<1000x192xf32>
    %logistic3A_332 = arith.addf %logistic3A_331, %logistic3A_329 : vector<1000x192xf32>
    %logistic3A_333 = arith.divf %logistic3A_331, %logistic3A_332 : vector<1000x192xf32>
    %slice3A_334 = vector.extract_strided_slice %logistic3A_333 {offsets = [0, 0], sizes = [1000, 64], strides = [1, 1]} : vector<1000x192xf32> to vector<1000x64xf32>
    %slice3A_335 = vector.extract_strided_slice %logistic3A_333 {offsets = [0, 64], sizes = [1000, 64], strides = [1, 1]} : vector<1000x192xf32> to vector<1000x64xf32>
    %slice3A_336 = vector.extract_strided_slice %logistic3A_333 {offsets = [0, 128], sizes = [1000, 64], strides = [1, 1]} : vector<1000x192xf32> to vector<1000x64xf32>
    %slice3A_337 = vector.extract_strided_slice %add3A_326 {offsets = [0, 192], sizes = [1000, 64], strides = [1, 1]} : vector<1000x256xf32> to vector<1000x64xf32>
    %tanh3A_338 = math.tanh %slice3A_337 : vector<1000x64xf32>
    %mul3A_339 = arith.mulf %slice3A_335, %add3A_315 : vector<1000x64xf32>
    %mul3A_340 = arith.mulf %slice3A_334, %tanh3A_338 : vector<1000x64xf32>
    %add3A_341 = arith.addf %mul3A_339, %mul3A_340 : vector<1000x64xf32>
    %tanh3A_342 = math.tanh %add3A_341 : vector<1000x64xf32>
    %mul3A_343 = arith.mulf %slice3A_336, %tanh3A_342 : vector<1000x64xf32>
    %get3A_344 = arith.constant 0 : index
    %get3A_345 = arith.constant 384 : index
    %get3A_346 = vector.load %arg1[%get3A_344, %get3A_345] : memref<1000x640xf32, #tpu.memory_space<vmem>>, vector<1000x32xf32>
    %dot_general3A_347 = arith.constant dense<0.000000e+00> : vector<1000x256xf32>
    %dot_general3A_348 = tpu.matmul %get3A_346, %get3A_28, %dot_general3A_347 {dimension_numbers = #tpu.dot_dimension_numbers<[1], [0], [0], [1], [0, 0, 1, 1], [], []>, transpose_lhs_hint = false} : vector<1000x32xf32>, vector<32x256xf32>, vector<1000x256xf32> -> vector<1000x256xf32>
    %add3A_349 = arith.addf %dot_general3A_348, %add3A_25 : vector<1000x256xf32>
    %dot_general3A_350 = arith.constant dense<0.000000e+00> : vector<1000x256xf32>
    %dot_general3A_351 = tpu.matmul %mul3A_343, %get3A_31, %dot_general3A_350 {dimension_numbers = #tpu.dot_dimension_numbers<[1], [0], [0], [1], [0, 0, 1, 1], [], []>, transpose_lhs_hint = false} : vector<1000x64xf32>, vector<64x256xf32>, vector<1000x256xf32> -> vector<1000x256xf32>
    %add3A_352 = arith.addf %add3A_349, %dot_general3A_351 : vector<1000x256xf32>
    %slice3A_353 = vector.extract_strided_slice %add3A_352 {offsets = [0, 0], sizes = [1000, 192], strides = [1, 1]} : vector<1000x256xf32> to vector<1000x192xf32>
    %logistic3A_354 = arith.negf %slice3A_353 : vector<1000x192xf32>
    %logistic3A_355 = math.exp %logistic3A_354 : vector<1000x192xf32>
    %logistic3A_356 = arith.constant 1.000000e+00 : f32
    %logistic3A_357 = vector.broadcast %logistic3A_356 : f32 to vector<1000x192xf32>
    %logistic3A_358 = arith.addf %logistic3A_357, %logistic3A_355 : vector<1000x192xf32>
    %logistic3A_359 = arith.divf %logistic3A_357, %logistic3A_358 : vector<1000x192xf32>
    %slice3A_360 = vector.extract_strided_slice %logistic3A_359 {offsets = [0, 0], sizes = [1000, 64], strides = [1, 1]} : vector<1000x192xf32> to vector<1000x64xf32>
    %slice3A_361 = vector.extract_strided_slice %logistic3A_359 {offsets = [0, 64], sizes = [1000, 64], strides = [1, 1]} : vector<1000x192xf32> to vector<1000x64xf32>
    %slice3A_362 = vector.extract_strided_slice %logistic3A_359 {offsets = [0, 128], sizes = [1000, 64], strides = [1, 1]} : vector<1000x192xf32> to vector<1000x64xf32>
    %slice3A_363 = vector.extract_strided_slice %add3A_352 {offsets = [0, 192], sizes = [1000, 64], strides = [1, 1]} : vector<1000x256xf32> to vector<1000x64xf32>
    %tanh3A_364 = math.tanh %slice3A_363 : vector<1000x64xf32>
    %mul3A_365 = arith.mulf %slice3A_361, %add3A_341 : vector<1000x64xf32>
    %mul3A_366 = arith.mulf %slice3A_360, %tanh3A_364 : vector<1000x64xf32>
    %add3A_367 = arith.addf %mul3A_365, %mul3A_366 : vector<1000x64xf32>
    %tanh3A_368 = math.tanh %add3A_367 : vector<1000x64xf32>
    %mul3A_369 = arith.mulf %slice3A_362, %tanh3A_368 : vector<1000x64xf32>
    %get3A_370 = arith.constant 0 : index
    %get3A_371 = arith.constant 416 : index
    %get3A_372 = vector.load %arg1[%get3A_370, %get3A_371] : memref<1000x640xf32, #tpu.memory_space<vmem>>, vector<1000x32xf32>
    %dot_general3A_373 = arith.constant dense<0.000000e+00> : vector<1000x256xf32>
    %dot_general3A_374 = tpu.matmul %get3A_372, %get3A_28, %dot_general3A_373 {dimension_numbers = #tpu.dot_dimension_numbers<[1], [0], [0], [1], [0, 0, 1, 1], [], []>, transpose_lhs_hint = false} : vector<1000x32xf32>, vector<32x256xf32>, vector<1000x256xf32> -> vector<1000x256xf32>
    %add3A_375 = arith.addf %dot_general3A_374, %add3A_25 : vector<1000x256xf32>
    %dot_general3A_376 = arith.constant dense<0.000000e+00> : vector<1000x256xf32>
    %dot_general3A_377 = tpu.matmul %mul3A_369, %get3A_31, %dot_general3A_376 {dimension_numbers = #tpu.dot_dimension_numbers<[1], [0], [0], [1], [0, 0, 1, 1], [], []>, transpose_lhs_hint = false} : vector<1000x64xf32>, vector<64x256xf32>, vector<1000x256xf32> -> vector<1000x256xf32>
    %add3A_378 = arith.addf %add3A_375, %dot_general3A_377 : vector<1000x256xf32>
    %slice3A_379 = vector.extract_strided_slice %add3A_378 {offsets = [0, 0], sizes = [1000, 192], strides = [1, 1]} : vector<1000x256xf32> to vector<1000x192xf32>
    %logistic3A_380 = arith.negf %slice3A_379 : vector<1000x192xf32>
    %logistic3A_381 = math.exp %logistic3A_380 : vector<1000x192xf32>
    %logistic3A_382 = arith.constant 1.000000e+00 : f32
    %logistic3A_383 = vector.broadcast %logistic3A_382 : f32 to vector<1000x192xf32>
    %logistic3A_384 = arith.addf %logistic3A_383, %logistic3A_381 : vector<1000x192xf32>
    %logistic3A_385 = arith.divf %logistic3A_383, %logistic3A_384 : vector<1000x192xf32>
    %slice3A_386 = vector.extract_strided_slice %logistic3A_385 {offsets = [0, 0], sizes = [1000, 64], strides = [1, 1]} : vector<1000x192xf32> to vector<1000x64xf32>
    %slice3A_387 = vector.extract_strided_slice %logistic3A_385 {offsets = [0, 64], sizes = [1000, 64], strides = [1, 1]} : vector<1000x192xf32> to vector<1000x64xf32>
    %slice3A_388 = vector.extract_strided_slice %logistic3A_385 {offsets = [0, 128], sizes = [1000, 64], strides = [1, 1]} : vector<1000x192xf32> to vector<1000x64xf32>
    %slice3A_389 = vector.extract_strided_slice %add3A_378 {offsets = [0, 192], sizes = [1000, 64], strides = [1, 1]} : vector<1000x256xf32> to vector<1000x64xf32>
    %tanh3A_390 = math.tanh %slice3A_389 : vector<1000x64xf32>
    %mul3A_391 = arith.mulf %slice3A_387, %add3A_367 : vector<1000x64xf32>
    %mul3A_392 = arith.mulf %slice3A_386, %tanh3A_390 : vector<1000x64xf32>
    %add3A_393 = arith.addf %mul3A_391, %mul3A_392 : vector<1000x64xf32>
    %tanh3A_394 = math.tanh %add3A_393 : vector<1000x64xf32>
    %mul3A_395 = arith.mulf %slice3A_388, %tanh3A_394 : vector<1000x64xf32>
    %get3A_396 = arith.constant 0 : index
    %get3A_397 = arith.constant 448 : index
    %get3A_398 = vector.load %arg1[%get3A_396, %get3A_397] : memref<1000x640xf32, #tpu.memory_space<vmem>>, vector<1000x32xf32>
    %dot_general3A_399 = arith.constant dense<0.000000e+00> : vector<1000x256xf32>
    %dot_general3A_400 = tpu.matmul %get3A_398, %get3A_28, %dot_general3A_399 {dimension_numbers = #tpu.dot_dimension_numbers<[1], [0], [0], [1], [0, 0, 1, 1], [], []>, transpose_lhs_hint = false} : vector<1000x32xf32>, vector<32x256xf32>, vector<1000x256xf32> -> vector<1000x256xf32>
    %add3A_401 = arith.addf %dot_general3A_400, %add3A_25 : vector<1000x256xf32>
    %dot_general3A_402 = arith.constant dense<0.000000e+00> : vector<1000x256xf32>
    %dot_general3A_403 = tpu.matmul %mul3A_395, %get3A_31, %dot_general3A_402 {dimension_numbers = #tpu.dot_dimension_numbers<[1], [0], [0], [1], [0, 0, 1, 1], [], []>, transpose_lhs_hint = false} : vector<1000x64xf32>, vector<64x256xf32>, vector<1000x256xf32> -> vector<1000x256xf32>
    %add3A_404 = arith.addf %add3A_401, %dot_general3A_403 : vector<1000x256xf32>
    %slice3A_405 = vector.extract_strided_slice %add3A_404 {offsets = [0, 0], sizes = [1000, 192], strides = [1, 1]} : vector<1000x256xf32> to vector<1000x192xf32>
    %logistic3A_406 = arith.negf %slice3A_405 : vector<1000x192xf32>
    %logistic3A_407 = math.exp %logistic3A_406 : vector<1000x192xf32>
    %logistic3A_408 = arith.constant 1.000000e+00 : f32
    %logistic3A_409 = vector.broadcast %logistic3A_408 : f32 to vector<1000x192xf32>
    %logistic3A_410 = arith.addf %logistic3A_409, %logistic3A_407 : vector<1000x192xf32>
    %logistic3A_411 = arith.divf %logistic3A_409, %logistic3A_410 : vector<1000x192xf32>
    %slice3A_412 = vector.extract_strided_slice %logistic3A_411 {offsets = [0, 0], sizes = [1000, 64], strides = [1, 1]} : vector<1000x192xf32> to vector<1000x64xf32>
    %slice3A_413 = vector.extract_strided_slice %logistic3A_411 {offsets = [0, 64], sizes = [1000, 64], strides = [1, 1]} : vector<1000x192xf32> to vector<1000x64xf32>
    %slice3A_414 = vector.extract_strided_slice %logistic3A_411 {offsets = [0, 128], sizes = [1000, 64], strides = [1, 1]} : vector<1000x192xf32> to vector<1000x64xf32>
    %slice3A_415 = vector.extract_strided_slice %add3A_404 {offsets = [0, 192], sizes = [1000, 64], strides = [1, 1]} : vector<1000x256xf32> to vector<1000x64xf32>
    %tanh3A_416 = math.tanh %slice3A_415 : vector<1000x64xf32>
    %mul3A_417 = arith.mulf %slice3A_413, %add3A_393 : vector<1000x64xf32>
    %mul3A_418 = arith.mulf %slice3A_412, %tanh3A_416 : vector<1000x64xf32>
    %add3A_419 = arith.addf %mul3A_417, %mul3A_418 : vector<1000x64xf32>
    %tanh3A_420 = math.tanh %add3A_419 : vector<1000x64xf32>
    %mul3A_421 = arith.mulf %slice3A_414, %tanh3A_420 : vector<1000x64xf32>
    %get3A_422 = arith.constant 0 : index
    %get3A_423 = arith.constant 480 : index
    %get3A_424 = vector.load %arg1[%get3A_422, %get3A_423] : memref<1000x640xf32, #tpu.memory_space<vmem>>, vector<1000x32xf32>
    %dot_general3A_425 = arith.constant dense<0.000000e+00> : vector<1000x256xf32>
    %dot_general3A_426 = tpu.matmul %get3A_424, %get3A_28, %dot_general3A_425 {dimension_numbers = #tpu.dot_dimension_numbers<[1], [0], [0], [1], [0, 0, 1, 1], [], []>, transpose_lhs_hint = false} : vector<1000x32xf32>, vector<32x256xf32>, vector<1000x256xf32> -> vector<1000x256xf32>
    %add3A_427 = arith.addf %dot_general3A_426, %add3A_25 : vector<1000x256xf32>
    %dot_general3A_428 = arith.constant dense<0.000000e+00> : vector<1000x256xf32>
    %dot_general3A_429 = tpu.matmul %mul3A_421, %get3A_31, %dot_general3A_428 {dimension_numbers = #tpu.dot_dimension_numbers<[1], [0], [0], [1], [0, 0, 1, 1], [], []>, transpose_lhs_hint = false} : vector<1000x64xf32>, vector<64x256xf32>, vector<1000x256xf32> -> vector<1000x256xf32>
    %add3A_430 = arith.addf %add3A_427, %dot_general3A_429 : vector<1000x256xf32>
    %slice3A_431 = vector.extract_strided_slice %add3A_430 {offsets = [0, 0], sizes = [1000, 192], strides = [1, 1]} : vector<1000x256xf32> to vector<1000x192xf32>
    %logistic3A_432 = arith.negf %slice3A_431 : vector<1000x192xf32>
    %logistic3A_433 = math.exp %logistic3A_432 : vector<1000x192xf32>
    %logistic3A_434 = arith.constant 1.000000e+00 : f32
    %logistic3A_435 = vector.broadcast %logistic3A_434 : f32 to vector<1000x192xf32>
    %logistic3A_436 = arith.addf %logistic3A_435, %logistic3A_433 : vector<1000x192xf32>
    %logistic3A_437 = arith.divf %logistic3A_435, %logistic3A_436 : vector<1000x192xf32>
    %slice3A_438 = vector.extract_strided_slice %logistic3A_437 {offsets = [0, 0], sizes = [1000, 64], strides = [1, 1]} : vector<1000x192xf32> to vector<1000x64xf32>
    %slice3A_439 = vector.extract_strided_slice %logistic3A_437 {offsets = [0, 64], sizes = [1000, 64], strides = [1, 1]} : vector<1000x192xf32> to vector<1000x64xf32>
    %slice3A_440 = vector.extract_strided_slice %logistic3A_437 {offsets = [0, 128], sizes = [1000, 64], strides = [1, 1]} : vector<1000x192xf32> to vector<1000x64xf32>
    %slice3A_441 = vector.extract_strided_slice %add3A_430 {offsets = [0, 192], sizes = [1000, 64], strides = [1, 1]} : vector<1000x256xf32> to vector<1000x64xf32>
    %tanh3A_442 = math.tanh %slice3A_441 : vector<1000x64xf32>
    %mul3A_443 = arith.mulf %slice3A_439, %add3A_419 : vector<1000x64xf32>
    %mul3A_444 = arith.mulf %slice3A_438, %tanh3A_442 : vector<1000x64xf32>
    %add3A_445 = arith.addf %mul3A_443, %mul3A_444 : vector<1000x64xf32>
    %tanh3A_446 = math.tanh %add3A_445 : vector<1000x64xf32>
    %mul3A_447 = arith.mulf %slice3A_440, %tanh3A_446 : vector<1000x64xf32>
    %get3A_448 = arith.constant 0 : index
    %get3A_449 = arith.constant 512 : index
    %get3A_450 = vector.load %arg1[%get3A_448, %get3A_449] : memref<1000x640xf32, #tpu.memory_space<vmem>>, vector<1000x32xf32>
    %dot_general3A_451 = arith.constant dense<0.000000e+00> : vector<1000x256xf32>
    %dot_general3A_452 = tpu.matmul %get3A_450, %get3A_28, %dot_general3A_451 {dimension_numbers = #tpu.dot_dimension_numbers<[1], [0], [0], [1], [0, 0, 1, 1], [], []>, transpose_lhs_hint = false} : vector<1000x32xf32>, vector<32x256xf32>, vector<1000x256xf32> -> vector<1000x256xf32>
    %add3A_453 = arith.addf %dot_general3A_452, %add3A_25 : vector<1000x256xf32>
    %dot_general3A_454 = arith.constant dense<0.000000e+00> : vector<1000x256xf32>
    %dot_general3A_455 = tpu.matmul %mul3A_447, %get3A_31, %dot_general3A_454 {dimension_numbers = #tpu.dot_dimension_numbers<[1], [0], [0], [1], [0, 0, 1, 1], [], []>, transpose_lhs_hint = false} : vector<1000x64xf32>, vector<64x256xf32>, vector<1000x256xf32> -> vector<1000x256xf32>
    %add3A_456 = arith.addf %add3A_453, %dot_general3A_455 : vector<1000x256xf32>
    %slice3A_457 = vector.extract_strided_slice %add3A_456 {offsets = [0, 0], sizes = [1000, 192], strides = [1, 1]} : vector<1000x256xf32> to vector<1000x192xf32>
    %logistic3A_458 = arith.negf %slice3A_457 : vector<1000x192xf32>
    %logistic3A_459 = math.exp %logistic3A_458 : vector<1000x192xf32>
    %logistic3A_460 = arith.constant 1.000000e+00 : f32
    %logistic3A_461 = vector.broadcast %logistic3A_460 : f32 to vector<1000x192xf32>
    %logistic3A_462 = arith.addf %logistic3A_461, %logistic3A_459 : vector<1000x192xf32>
    %logistic3A_463 = arith.divf %logistic3A_461, %logistic3A_462 : vector<1000x192xf32>
    %slice3A_464 = vector.extract_strided_slice %logistic3A_463 {offsets = [0, 0], sizes = [1000, 64], strides = [1, 1]} : vector<1000x192xf32> to vector<1000x64xf32>
    %slice3A_465 = vector.extract_strided_slice %logistic3A_463 {offsets = [0, 64], sizes = [1000, 64], strides = [1, 1]} : vector<1000x192xf32> to vector<1000x64xf32>
    %slice3A_466 = vector.extract_strided_slice %logistic3A_463 {offsets = [0, 128], sizes = [1000, 64], strides = [1, 1]} : vector<1000x192xf32> to vector<1000x64xf32>
    %slice3A_467 = vector.extract_strided_slice %add3A_456 {offsets = [0, 192], sizes = [1000, 64], strides = [1, 1]} : vector<1000x256xf32> to vector<1000x64xf32>
    %tanh3A_468 = math.tanh %slice3A_467 : vector<1000x64xf32>
    %mul3A_469 = arith.mulf %slice3A_465, %add3A_445 : vector<1000x64xf32>
    %mul3A_470 = arith.mulf %slice3A_464, %tanh3A_468 : vector<1000x64xf32>
    %add3A_471 = arith.addf %mul3A_469, %mul3A_470 : vector<1000x64xf32>
    %tanh3A_472 = math.tanh %add3A_471 : vector<1000x64xf32>
    %mul3A_473 = arith.mulf %slice3A_466, %tanh3A_472 : vector<1000x64xf32>
    %get3A_474 = arith.constant 0 : index
    %get3A_475 = arith.constant 544 : index
    %get3A_476 = vector.load %arg1[%get3A_474, %get3A_475] : memref<1000x640xf32, #tpu.memory_space<vmem>>, vector<1000x32xf32>
    %dot_general3A_477 = arith.constant dense<0.000000e+00> : vector<1000x256xf32>
    %dot_general3A_478 = tpu.matmul %get3A_476, %get3A_28, %dot_general3A_477 {dimension_numbers = #tpu.dot_dimension_numbers<[1], [0], [0], [1], [0, 0, 1, 1], [], []>, transpose_lhs_hint = false} : vector<1000x32xf32>, vector<32x256xf32>, vector<1000x256xf32> -> vector<1000x256xf32>
    %add3A_479 = arith.addf %dot_general3A_478, %add3A_25 : vector<1000x256xf32>
    %dot_general3A_480 = arith.constant dense<0.000000e+00> : vector<1000x256xf32>
    %dot_general3A_481 = tpu.matmul %mul3A_473, %get3A_31, %dot_general3A_480 {dimension_numbers = #tpu.dot_dimension_numbers<[1], [0], [0], [1], [0, 0, 1, 1], [], []>, transpose_lhs_hint = false} : vector<1000x64xf32>, vector<64x256xf32>, vector<1000x256xf32> -> vector<1000x256xf32>
    %add3A_482 = arith.addf %add3A_479, %dot_general3A_481 : vector<1000x256xf32>
    %slice3A_483 = vector.extract_strided_slice %add3A_482 {offsets = [0, 0], sizes = [1000, 192], strides = [1, 1]} : vector<1000x256xf32> to vector<1000x192xf32>
    %logistic3A_484 = arith.negf %slice3A_483 : vector<1000x192xf32>
    %logistic3A_485 = math.exp %logistic3A_484 : vector<1000x192xf32>
    %logistic3A_486 = arith.constant 1.000000e+00 : f32
    %logistic3A_487 = vector.broadcast %logistic3A_486 : f32 to vector<1000x192xf32>
    %logistic3A_488 = arith.addf %logistic3A_487, %logistic3A_485 : vector<1000x192xf32>
    %logistic3A_489 = arith.divf %logistic3A_487, %logistic3A_488 : vector<1000x192xf32>
    %slice3A_490 = vector.extract_strided_slice %logistic3A_489 {offsets = [0, 0], sizes = [1000, 64], strides = [1, 1]} : vector<1000x192xf32> to vector<1000x64xf32>
    %slice3A_491 = vector.extract_strided_slice %logistic3A_489 {offsets = [0, 64], sizes = [1000, 64], strides = [1, 1]} : vector<1000x192xf32> to vector<1000x64xf32>
    %slice3A_492 = vector.extract_strided_slice %logistic3A_489 {offsets = [0, 128], sizes = [1000, 64], strides = [1, 1]} : vector<1000x192xf32> to vector<1000x64xf32>
    %slice3A_493 = vector.extract_strided_slice %add3A_482 {offsets = [0, 192], sizes = [1000, 64], strides = [1, 1]} : vector<1000x256xf32> to vector<1000x64xf32>
    %tanh3A_494 = math.tanh %slice3A_493 : vector<1000x64xf32>
    %mul3A_495 = arith.mulf %slice3A_491, %add3A_471 : vector<1000x64xf32>
    %mul3A_496 = arith.mulf %slice3A_490, %tanh3A_494 : vector<1000x64xf32>
    %add3A_497 = arith.addf %mul3A_495, %mul3A_496 : vector<1000x64xf32>
    %tanh3A_498 = math.tanh %add3A_497 : vector<1000x64xf32>
    %mul3A_499 = arith.mulf %slice3A_492, %tanh3A_498 : vector<1000x64xf32>
    %get3A_500 = arith.constant 0 : index
    %get3A_501 = arith.constant 576 : index
    %get3A_502 = vector.load %arg1[%get3A_500, %get3A_501] : memref<1000x640xf32, #tpu.memory_space<vmem>>, vector<1000x32xf32>
    %dot_general3A_503 = arith.constant dense<0.000000e+00> : vector<1000x256xf32>
    %dot_general3A_504 = tpu.matmul %get3A_502, %get3A_28, %dot_general3A_503 {dimension_numbers = #tpu.dot_dimension_numbers<[1], [0], [0], [1], [0, 0, 1, 1], [], []>, transpose_lhs_hint = false} : vector<1000x32xf32>, vector<32x256xf32>, vector<1000x256xf32> -> vector<1000x256xf32>
    %add3A_505 = arith.addf %dot_general3A_504, %add3A_25 : vector<1000x256xf32>
    %dot_general3A_506 = arith.constant dense<0.000000e+00> : vector<1000x256xf32>
    %dot_general3A_507 = tpu.matmul %mul3A_499, %get3A_31, %dot_general3A_506 {dimension_numbers = #tpu.dot_dimension_numbers<[1], [0], [0], [1], [0, 0, 1, 1], [], []>, transpose_lhs_hint = false} : vector<1000x64xf32>, vector<64x256xf32>, vector<1000x256xf32> -> vector<1000x256xf32>
    %add3A_508 = arith.addf %add3A_505, %dot_general3A_507 : vector<1000x256xf32>
    %slice3A_509 = vector.extract_strided_slice %add3A_508 {offsets = [0, 0], sizes = [1000, 192], strides = [1, 1]} : vector<1000x256xf32> to vector<1000x192xf32>
    %logistic3A_510 = arith.negf %slice3A_509 : vector<1000x192xf32>
    %logistic3A_511 = math.exp %logistic3A_510 : vector<1000x192xf32>
    %logistic3A_512 = arith.constant 1.000000e+00 : f32
    %logistic3A_513 = vector.broadcast %logistic3A_512 : f32 to vector<1000x192xf32>
    %logistic3A_514 = arith.addf %logistic3A_513, %logistic3A_511 : vector<1000x192xf32>
    %logistic3A_515 = arith.divf %logistic3A_513, %logistic3A_514 : vector<1000x192xf32>
    %slice3A_516 = vector.extract_strided_slice %logistic3A_515 {offsets = [0, 0], sizes = [1000, 64], strides = [1, 1]} : vector<1000x192xf32> to vector<1000x64xf32>
    %slice3A_517 = vector.extract_strided_slice %logistic3A_515 {offsets = [0, 64], sizes = [1000, 64], strides = [1, 1]} : vector<1000x192xf32> to vector<1000x64xf32>
    %slice3A_518 = vector.extract_strided_slice %logistic3A_515 {offsets = [0, 128], sizes = [1000, 64], strides = [1, 1]} : vector<1000x192xf32> to vector<1000x64xf32>
    %slice3A_519 = vector.extract_strided_slice %add3A_508 {offsets = [0, 192], sizes = [1000, 64], strides = [1, 1]} : vector<1000x256xf32> to vector<1000x64xf32>
    %tanh3A_520 = math.tanh %slice3A_519 : vector<1000x64xf32>
    %mul3A_521 = arith.mulf %slice3A_517, %add3A_497 : vector<1000x64xf32>
    %mul3A_522 = arith.mulf %slice3A_516, %tanh3A_520 : vector<1000x64xf32>
    %add3A_523 = arith.addf %mul3A_521, %mul3A_522 : vector<1000x64xf32>
    %tanh3A_524 = math.tanh %add3A_523 : vector<1000x64xf32>
    %mul3A_525 = arith.mulf %slice3A_518, %tanh3A_524 : vector<1000x64xf32>
    %get3A_526 = arith.constant 0 : index
    %get3A_527 = arith.constant 608 : index
    %get3A_528 = vector.load %arg1[%get3A_526, %get3A_527] : memref<1000x640xf32, #tpu.memory_space<vmem>>, vector<1000x32xf32>
    %dot_general3A_529 = arith.constant dense<0.000000e+00> : vector<1000x256xf32>
    %dot_general3A_530 = tpu.matmul %get3A_528, %get3A_28, %dot_general3A_529 {dimension_numbers = #tpu.dot_dimension_numbers<[1], [0], [0], [1], [0, 0, 1, 1], [], []>, transpose_lhs_hint = false} : vector<1000x32xf32>, vector<32x256xf32>, vector<1000x256xf32> -> vector<1000x256xf32>
    %add3A_531 = arith.addf %dot_general3A_530, %add3A_25 : vector<1000x256xf32>
    %dot_general3A_532 = arith.constant dense<0.000000e+00> : vector<1000x256xf32>
    %dot_general3A_533 = tpu.matmul %mul3A_525, %get3A_31, %dot_general3A_532 {dimension_numbers = #tpu.dot_dimension_numbers<[1], [0], [0], [1], [0, 0, 1, 1], [], []>, transpose_lhs_hint = false} : vector<1000x64xf32>, vector<64x256xf32>, vector<1000x256xf32> -> vector<1000x256xf32>
    %add3A_534 = arith.addf %add3A_531, %dot_general3A_533 : vector<1000x256xf32>
    %slice3A_535 = vector.extract_strided_slice %add3A_534 {offsets = [0, 0], sizes = [1000, 192], strides = [1, 1]} : vector<1000x256xf32> to vector<1000x192xf32>
    %logistic3A_536 = arith.negf %slice3A_535 : vector<1000x192xf32>
    %logistic3A_537 = math.exp %logistic3A_536 : vector<1000x192xf32>
    %logistic3A_538 = arith.constant 1.000000e+00 : f32
    %logistic3A_539 = vector.broadcast %logistic3A_538 : f32 to vector<1000x192xf32>
    %logistic3A_540 = arith.addf %logistic3A_539, %logistic3A_537 : vector<1000x192xf32>
    %logistic3A_541 = arith.divf %logistic3A_539, %logistic3A_540 : vector<1000x192xf32>
    %slice3A_542 = vector.extract_strided_slice %logistic3A_541 {offsets = [0, 0], sizes = [1000, 64], strides = [1, 1]} : vector<1000x192xf32> to vector<1000x64xf32>
    %slice3A_543 = vector.extract_strided_slice %logistic3A_541 {offsets = [0, 64], sizes = [1000, 64], strides = [1, 1]} : vector<1000x192xf32> to vector<1000x64xf32>
    %slice3A_544 = vector.extract_strided_slice %logistic3A_541 {offsets = [0, 128], sizes = [1000, 64], strides = [1, 1]} : vector<1000x192xf32> to vector<1000x64xf32>
    %slice3A_545 = vector.extract_strided_slice %add3A_534 {offsets = [0, 192], sizes = [1000, 64], strides = [1, 1]} : vector<1000x256xf32> to vector<1000x64xf32>
    %tanh3A_546 = math.tanh %slice3A_545 : vector<1000x64xf32>
    %mul3A_547 = arith.mulf %slice3A_543, %add3A_523 : vector<1000x64xf32>
    %mul3A_548 = arith.mulf %slice3A_542, %tanh3A_546 : vector<1000x64xf32>
    %add3A_549 = arith.addf %mul3A_547, %mul3A_548 : vector<1000x64xf32>
    %tanh3A_550 = math.tanh %add3A_549 : vector<1000x64xf32>
    %mul3A_551 = arith.mulf %slice3A_544, %tanh3A_550 : vector<1000x64xf32>
    %get3A_552 = arith.constant 0 : index
    %get3A_553 = arith.constant 0 : index
    %get3A_554 = vector.load %arg9[%get3A_552, %get3A_553] : memref<64x1xf32, #tpu.memory_space<vmem>>, vector<64x1xf32>
    %dot_general3A_555 = arith.constant dense<0.000000e+00> : vector<1000x1xf32>
    %dot_general3A_556 = tpu.matmul %mul3A_551, %get3A_554, %dot_general3A_555 {dimension_numbers = #tpu.dot_dimension_numbers<[1], [0], [0], [1], [0, 0, 1, 1], [], []>, transpose_lhs_hint = false} : vector<1000x64xf32>, vector<64x1xf32>, vector<1000x1xf32> -> vector<1000x1xf32>
    %get3A_557 = arith.constant 0 : index
    %get3A_558 = arith.constant 0 : index
    %get3A_559 = vector.load %arg10[%get3A_557, %get3A_558] : memref<1x1xf32, #tpu.memory_space<vmem>>, vector<1x1xf32>
    %add3A_560 = vector.broadcast %get3A_559 : vector<1x1xf32> to vector<1000x1xf32>
    %add3A_561 = arith.addf %dot_general3A_556, %add3A_560 : vector<1000x1xf32>
    %swap3A = arith.constant 0 : index
    %swap3A_562 = arith.constant 0 : index
    %swap3A_563 = vector.load %arg11[%swap3A, %swap3A_562] : memref<1000x1xf32, #tpu.memory_space<vmem>>, vector<1000x1xf32>
    tpu.vector_store %arg11[%swap3A, %swap3A_562], %add3A_561 {strides = array<i32>} : memref<1000x1xf32, #tpu.memory_space<vmem>>, vector<1000x1xf32>,
    return
  }
  func.func @transform_0(%arg0: i32) -> (i32, i32) {
    %c0_i32 = arith.constant 0 : i32
    %c0_i32_0 = arith.constant 0 : i32
    return %arg0, %c0_i32 : i32, i32
  }
  func.func @transform_1(%arg0: i32) -> (i32, i32, i32) {
    %c0_i32 = arith.constant 0 : i32
    %c0_i32_0 = arith.constant 0 : i32
    %c0_i32_1 = arith.constant 0 : i32
    return %c0_i32, %arg0, %c0_i32_0 : i32, i32, i32
  }
  func.func @transform_2(%arg0: i32) -> (i32, i32) {
    %c0_i32 = arith.constant 0 : i32
    %c0_i32_0 = arith.constant 0 : i32
    return %arg0, %c0_i32 : i32, i32
  }
  func.func @transform_3(%arg0: i32) -> (i32, i32) {
    %c0_i32 = arith.constant 0 : i32
    %c0_i32_0 = arith.constant 0 : i32
    return %arg0, %c0_i32 : i32, i32
  }
  func.func @transform_4(%arg0: i32) -> (i32, i32) {
    %c0_i32 = arith.constant 0 : i32
    %c0_i32_0 = arith.constant 0 : i32
    %c0_i32_1 = arith.constant 0 : i32
    return %c0_i32, %c0_i32_0 : i32, i32
  }
  func.func @transform_5(%arg0: i32) -> (i32, i32) {
    %c0_i32 = arith.constant 0 : i32
    %c0_i32_0 = arith.constant 0 : i32
    %c0_i32_1 = arith.constant 0 : i32
    return %c0_i32, %c0_i32_0 : i32, i32
  }
  func.func @transform_6(%arg0: i32) -> (i32, i32) {
    %c0_i32 = arith.constant 0 : i32
    %c0_i32_0 = arith.constant 0 : i32
    %c0_i32_1 = arith.constant 0 : i32
    return %c0_i32, %c0_i32_0 : i32, i32
  }
  func.func @transform_7(%arg0: i32) -> (i32, i32) {
    %c0_i32 = arith.constant 0 : i32
    %c0_i32_0 = arith.constant 0 : i32
    %c0_i32_1 = arith.constant 0 : i32
    return %c0_i32, %c0_i32_0 : i32, i32
  }
  func.func @transform_8(%arg0: i32) -> (i32, i32) {
    %c0_i32 = arith.constant 0 : i32
    %c0_i32_0 = arith.constant 0 : i32
    %c0_i32_1 = arith.constant 0 : i32
    return %c0_i32, %c0_i32_0 : i32, i32
  }
  func.func @transform_9(%arg0: i32) -> (i32, i32) {
    %c0_i32 = arith.constant 0 : i32
    %c0_i32_0 = arith.constant 0 : i32
    %c0_i32_1 = arith.constant 0 : i32
    return %c0_i32, %c0_i32_0 : i32, i32
  }
  func.func @transform_10(%arg0: i32) -> (i32, i32) {
    %c0_i32 = arith.constant 0 : i32
    %c0_i32_0 = arith.constant 0 : i32
    return %arg0, %c0_i32 : i32, i32
  }
}

</mosaic_0001>

<sc_bundles>
// kernel: kernel.6.cloned.1.call-start
scs
__scs_entry_jumppad:
0x0: {  	(pc) =	sbr.rel $0x88, $3  }
0x1: {  	(tag) =	ssettag $0x0;
	lr =	simm.s32 $0x1  }
0x2: {  	[smem:$0x3F96] =	sst lr;
	_ =	strace $0xD0000000  }
0x3: {  	_ = 	snop  }
0x4: {  	_ = 	snop  }
0x5: {  	_ = 	snop  }
0x6: {  	_ = 	snop  }
0x7: {  	_ = 	snop  }
__scs_overlays_trampoline_lowered:
0x8: {  	[smem:$0x3FA5] =	sst s0  }
0x9: {  	[smem:$0x3FA6] =	sst s1  }
0xa: {  	[smem:$0x3FA7] =	sst s2  }
0xb: {  	[smem:$0x3FA8] =	sst s3  }
0xc: {  	[smem:$0x3FA9] =	sst s4  }
0xd: {  	[smem:$0x3FAA] =	sst s5  }
0xe: {  	[smem:$0x3FAB] =	sst s6  }
0xf: {  	[smem:$0x3FAC] =	sst s7  }
0x10: {  	[smem:$0x3FAD] =	sst s8  }
0x11: {  	[smem:$0x3FAE] =	sst s9;
	s0 =	simm.s32 @!p0 $0x0  }
0x12: {  	s1 =	sld [smem:$0x3F94];
	s0 =	simm.s32 @p0 $0x1  }
0x13: {  	[smem:$0x3FAF] =	sst s0;
	s0 =	simm.s32 @!p1 $0x0  }
0x14: {  	s2 =	sld [smem:$0x3F93];
	s0 =	simm.s32 @p1 $0x1  }
0x15: {  	[smem:$0x3FB0] =	sst s0;
	s0 =	simm.s32 @!p2 $0x0  }
0x16: {  	s3 =	sld [smem:$0x3FDB];
	s0 =	simm.s32 @p2 $0x1  }
0x17: {  	s4 =	simm.s32 $0x1BF5;
	[smem:$0x3FB2] =	sst s0  }
0x18: {  	s0 =	sld [smem:$0x3F95];
	_ =	swait.ge [sflag:s4], $0x0  }
0x19: {  	s7 =	sld [smem:$0x3F96]  }
0x1a: {  	s8 =	sadd.s32 $0xFFFFE003, lr  }
0x1b: {  	s9 =	sadd.s32 $0xFFFFFEF7, lr;
	s5 =	simm.s32 $0xFFFFFFFF;
	p2 =	slt.u32 s8, $0xFFFFF086  }
0x1c: {  	p1 =	slt.u32 s9, $0xF7A;
	s5 =	simm.s32 @!p2 $0x0  }
0x1d: {  	s5 =	simm.s32 @p1 $0x1;
	p0 =	seq.s32 s7, s2  }
0x1e: {  	s7 =	smul.u32 @!p0 $0xF7A, s2;
	p2 =	seq.s32 @!p0 s5, $0x0  }
0x1f: {  	s9 =	smul.u32 $0xF7A, s1;
	s8 =	simm.s32 @!p0 $0x1BF5;
	p2 =	por !p2, p0  }
0x20: {  	[sflag:s8] =	ssyncset.s32 @!p0 $0xFFFFF086;
	s6 =	sadd.s32 @!p0 s3, s7;
	s7 =	simm.s32 @!p0 $0x108  }
0x21: {  	s3 =	sadd.s32 s3, s9;
	s6 =	sadd.s32 @!p0 $0x88, s6;
	s7 =	simm.s32 @p2 $0x1082  }
0x22: {  	[simem:s7], [sflag:s8] =	dma.local @!p0 [hbm:s6], $0xF7A  }
0x23: {  	s9 =	sor.u32 $0xD0000000, s2;
	s6 =	simm.s32 $0x108;
	_ =	swait.ge @!p0 [sflag:s8], $0x0  }
0x24: {  	s3 =	sadd.s32 $0x88, s3;
	s6 =	simm.s32 @!p1 $0x1082;
	[sflag:s4] =	ssyncset.s32 $0xFFFFF086  }
0x25: {  	[simem:s6], [sflag:s4] =	dma.local [hbm:s3], $0xF7A  }
0x26: {  	[smem:$0x3F96] =	sst s1;
	(tag) =	ssettag s2;
	_ =	strace s9  }
0x27: {  	s1 =	sld [smem:$0x3FA6]  }
0x28: {  	s2 =	sld [smem:$0x3FA7]  }
0x29: {  	s4 =	sld [smem:$0x3FA9]  }
0x2a: {  	p0 =	seq.s32 s5, $0x0;
	s5 =	sld [smem:$0x3FAA]  }
0x2b: {  	s6 =	sld [smem:$0x3FAB]  }
0x2c: {  	s7 =	sld [smem:$0x3FAC]  }
0x2d: {  	s3 =	simm.s32 $0x108;
	s8 =	sld [smem:$0x3FAD]  }
0x2e: {  	s3 =	simm.s32 @!p0 $0x1082;
	s9 =	sld [smem:$0x3FAE]  }
0x2f: {  	lr =	sadd.s32 s0, s3;
	s0 =	sld [smem:$0x3FA5]  }
0x30: {  	s3 =	sld [smem:$0x3FA8]  }
0x31: {  	[smem:$0x3FB1] =	sst s10  }
0x32: {  	s10 =	sld [smem:$0x3FAF];
	_ =	sdelay $0x3  }
0x33: {  	p0 =	seq.s32 s10, $0x1;
	s10 =	sld [smem:$0x3FB1];
	_ =	sdelay $0x3  }
0x34: {  	[smem:$0x3FB1] =	sst s10  }
0x35: {  	s10 =	sld [smem:$0x3FB0];
	_ =	sdelay $0x3  }
0x36: {  	p1 =	seq.s32 s10, $0x1;
	s10 =	sld [smem:$0x3FB1];
	_ =	sdelay $0x3  }
0x37: {  	[smem:$0x3FB1] =	sst s10  }
0x38: {  	s10 =	sld [smem:$0x3FB2]  }
0x39: {  	_ = 	snop;
	(pc) =	sbr.ind lr, $3  }
0x3a: {  	_ = 	snop  }
0x3b: {  	_ = 	snop  }
0x3c: {  	p2 =	seq.s32 s10, $0x1;
	s10 =	sld [smem:$0x3FB1]  }
0x3d: {  	_ =	shalt  }
0x3e: {  	_ =	shalt  }
0x3f: {  	_ =	shalt  }
0x40: {  	_ =	shalt  }
0x41: {  	_ =	shalt  }
0x42: {  	_ =	shalt  }
0x43: {  	_ =	shalt  }
0x44: {  	_ =	shalt  }
0x45: {  	_ =	shalt  }
0x46: {  	_ =	shalt  }
0x47: {  	_ =	shalt  }
0x48: {  	_ =	shalt  }
0x49: {  	_ =	shalt  }
0x4a: {  	_ =	shalt  }
0x4b: {  	_ =	shalt  }
0x4c: {  	_ =	shalt  }
0x4d: {  	_ =	shalt  }
0x4e: {  	_ =	shalt  }
0x4f: {  	_ =	shalt  }
0x50: {  	_ =	shalt  }
0x51: {  	_ =	shalt  }
0x52: {  	_ =	shalt  }
0x53: {  	_ =	shalt  }
0x54: {  	_ =	shalt  }
0x55: {  	_ =	shalt  }
0x56: {  	_ =	shalt  }
0x57: {  	_ =	shalt  }
0x58: {  	_ =	shalt  }
0x59: {  	_ =	shalt  }
0x5a: {  	_ =	shalt  }
0x5b: {  	_ =	shalt  }
0x5c: {  	_ =	shalt  }
0x5d: {  	_ =	shalt  }
0x5e: {  	_ =	shalt  }
0x5f: {  	_ =	shalt  }
0x60: {  	_ =	shalt  }
0x61: {  	_ =	shalt  }
0x62: {  	_ =	shalt  }
0x63: {  	_ =	shalt  }
0x64: {  	_ =	shalt  }
0x65: {  	_ =	shalt  }
0x66: {  	_ =	shalt  }
0x67: {  	_ =	shalt  }
0x68: {  	_ =	shalt  }
0x69: {  	_ =	shalt  }
0x6a: {  	_ =	shalt  }
0x6b: {  	_ =	shalt  }
0x6c: {  	_ =	shalt  }
0x6d: {  	_ =	shalt  }
0x6e: {  	_ =	shalt  }
0x6f: {  	_ =	shalt  }
0x70: {  	_ =	shalt  }
0x71: {  	_ =	shalt  }
0x72: {  	_ =	shalt  }
0x73: {  	_ =	shalt  }
0x74: {  	_ =	shalt  }
0x75: {  	_ =	shalt  }
0x76: {  	_ =	shalt  }
0x77: {  	_ =	shalt  }
0x78: {  	_ =	shalt  }
0x79: {  	_ =	shalt  }
0x7a: {  	_ =	shalt  }
0x7b: {  	_ =	shalt  }
0x7c: {  	_ =	shalt  }
0x7d: {  	_ =	shalt  }
0x7e: {  	_ =	shalt  }
0x7f: {  	_ =	shalt  }
0x80: {  	_ =	shalt  }
0x81: {  	_ =	shalt  }
0x82: {  	_ =	shalt  }
0x83: {  	_ =	shalt  }
0x84: {  	_ =	shalt  }
0x85: {  	_ =	shalt  }
0x86: {  	_ =	shalt  }
0x87: {  	_ =	shalt  }
.Lfunc_end0:
.L_simem_size_0:
called_computation_lowered:
.L_overlay_start_0:
0x88: {  	s2 =	sld [smem:$0x3FD9]  }
0x89: {  	s3 =	sld [smem:$0x3FFE];
	_ =	sdelay $0x1  }
0x8a: {  	s1 =	srdreg.scid  }
0x8b: {  	s0 =	sand.u32 $0x1, s1  }
0x8c: {  	s16 =	sshll.u32 s0, $0xA;
	s2 =	sadd.s32 s3, s2  }
0x8d: {  	s2 =	sadd.s32 s2, s16  }
0x8e: {  	[smem:$0x3FBD] =	sst s2  }
0x8f: {  	_ = 	snop  }
0x90: {  	(tm) =	ssettm $0x1  }
0x91: {  	s17 =	sld [smem:$0x3FFB];
	_ =	sdelay $0x3  }
0x92: {  	_ =	strace s17  }
0x93: {  	s2 =	sld [smem:$0x3FFC];
	_ =	sdelay $0x3  }
0x94: {  	_ =	strace s2  }
0x95: {  	s2 =	sld [smem:$0x3FFD];
	_ =	sdelay $0x3  }
0x96: {  	_ =	strace s2  }
0x97: {  	_ =	strace $0x8FFFFFFF  }
0x98: {  	s18 =	sld [smem:$0x3FDB];
	_ =	sdelay $0x1  }
0x99: {  	s19 =	simm.s32 $_scs_section_size  }
0x9a: {  	s4 =	simm.s32 $_size__tile_overlayer_lowered;
	s5 =	simm.s32 $_tile_overlayer_lowered  }
0x9b: {  	s22 =	simm.s32 $0x1BFF;
	s21 =	sshll.u32 s5, $0x1;
	s2 =	sadd.s32 s19, s18  }
0x9c: {  	s6 =	simm.s32 $0x0;
	s20 =	sshll.u32 s4, $0x1;
	s4 =	sadd.s32 s21, s2  }
0x9d: {  	[timem:s6], [sflag:s22] =	dma.local [hbm:s4], s20  }
0x9e: {  	_ =	swait.ge [sflag:s22], s20  }
0x9f: {  	s3 =	ssub.s32 $0x0, s20;
	[sflag:s22] =	ssyncset.done $0x0  }
0xa0: {  	[sflag:s22] =	ssyncadd.s32 s3;
	_ =	sdelay $0x1  }
0xa1: {  	s23 =	simm.s32 $0x1B8B  }
0xa2: {  	_ =	swait.ge [sflag:s23], $0x1  }
0xa3: {  	[sflag:s23] =	ssyncset.done $0x0  }
0xa4: {  	s25 =	simm.s32 $0x1B8E;
	s24 =	sld [smem:$0x3FFE];
	[sflag:s23] =	ssyncadd.s32 $0xFFFFFFFF  }
0xa5: {  	s26 =	simm.s32 $execute0_lowered;
	[smem:$0x3FD2] =	sst s25  }
0xa6: {  	s4 =	sshll.u32 s26, $0x1;
	_ =	strace $0x80000046;
	[dreg:$0x1] =	wrdreg $0xFFFFFFFF  }
0xa7: {  	s28 =	simm.s32 $_size_execute0_lowered;
	s2 =	sadd.s32 s2, s4;
	[dreg:$0x0] =	wrdreg $0x0  }
0xa8: {  	s4 =	sshll.u32 s28, $0x1;
	[dreg:$0x2] =	wrdreg s2  }
0xa9: {  	[dreg:$0x3] =	wrdreg s4  }
0xaa: {  	[dreg:$0x4] =	wrdreg $0xC0  }
0xab: {  	_ =	task [dreg:s6], $0x5FFFF  }
0xac: {  	[dreg:$0x1] =	wrdreg $0xFFFFFFFF  }
0xad: {  	[dreg:$0x0] =	wrdreg $0x60  }
0xae: {  	[dreg:$0x2] =	wrdreg s24  }
0xaf: {  	[dreg:$0x3] =	wrdreg $0x9  }
0xb0: {  	_ =	task.clear_ibuf [dreg:s6], $0x4FFFF;
	_ =	strace $0x90000046  }
0xb1: {  	s29 =	simm.s32 $0x9;
	_ =	strace $0x80000048  }
0xb2: {  	_ =	swait.ge [sflag:s29], $0x1  }
0xb3: {  	[sflag:s29] =	ssyncadd.s32 $0xFFFFFFFF  }
0xb4: {  	_ =	strace $0x90000048  }
0xb5: {  	_ =	sfence  }
0xb6: {  	s30 =	sld [smem:$0x0];
	_ =	sdelay $0x2  }
0xb7: {  	s31 =	sshll.u32 s1, $0xD;
	s1 =	sshrl.u32 s1, $0x2  }
0xb8: {  	s3 =	sand.u32 $0x4000, s31;
	s1 =	sadd.s32 s1, s30  }
0xb9: {  	s0 =	sor.u32 s3, s0;
	s1 =	sshll.u32 s1, $0x11  }
0xba: {  	s0 =	sor.u32 s1, s0  }
0xbb: {  	s0 =	sadd.s32 $0x8F2B, s0  }
0xbc: {  	[sflag:s0] =	ssyncadd.remote.s32 $0x1  }
0xbd: {  	_ =	sfence.sel $0xFFFF  }
0xbe: {  	[dreg:$0x0] =	wrdreg $0xFFFFFFFF;
	(pc) =	sbr.abs _section_cstart, $3  }
0xbf: {  	[dreg:$0x1] =	wrdreg $0xFFFFFFFF  }
0xc0: {  	_ =	task.clear_ibuf [dreg:s6], $0x2FFFF;
	_ =	strace $0x9FFFFFFF  }
0xc1: {  	(tm) =	ssettm $0x7FFFFFFF  }
tec
execute0_lowered:
.L_overlay_start_1:
0x0: {  	(tag) =	ssettag $0x1  }
0x1: {  	s1 =	srdreg.scid;
	s0 =	stileid.u32  }
0x2: {  	s3 =	rddreg [dreg:$0x0];
	s8 =	simm.s32 $0x80;
	s9 =	simm.s32 $0x400  }
0x3: {  	s4 =	sand.u32 $0x1, s1;
	s2 =	sshll.u32 s0, $0x1;
	s1 =	rddreg [dreg:$0x1]  }
0x4: {  	s6 =	sshrl.u32 s0, $0x2;
	s5 =	sor.u32 s4, s2;
	s2 =	simm.s32 $0x0  }
0x5: {  	s6 =	smul.u32 $0x14000, s6;
	s4 =	ssub.s32 $0x2, s4;
	s7 =	sshll.u32 s5, $0x7  }
0x6: {  	[smem:$0x7FF] =	sst s2;
	s5 =	smul.u32 $0x4E2, s5;
	s7 =	sand.u32 $0x380, s7  }
0x7: {  	s31 =	sshrl.u32 s4, $0x1;
	_ =	strace $0x80000047;
	s6 =	sor.u32 s6, s7  }
0x8: {  	s5 =	sadd.s32 s5, s3;
	s7 =	ssub.s32 s4, s31;
	s6 =	sshrl.u32 s6, $0x3  }
0x9: {  	s6 =	sadd.s32 s6, s3;
	s3 =	sadd.s32 $0x2200, s5;
	s5 =	smax.u32 s7, $0x1  }
0xa: {  	v0 =	vimm.f32 $0.0e+00;
	v1 =	vimm.f32 $1.000000000e+00;
	s7 =	simm.s32 $0x2780;
	s4 =	sadd.s32 $0xC000, s6;
	s6 =	simm.s32 $0x1  }
.LBB2_1:
0xb: {  	s10 =	simm.s32 $0x40;
	s11 =	simm.s32 $0x0  }
.LBB2_2:
0xc: {  	p0 =	sne.s32 s10, $0x9FC0;
	[tilespmem:s11+$0x2780] =	vst v0;
	s11 =	smov.u32 s10;
	s10 =	sadd.s32 $0x40, s10  }
.Ltmp0:
0xd: {  	(pc) =	sbr.rel @p0 .LBB2_2-.Ltmp0, $2  }
0xe: {  	_ =	sdelay $0x2  }
0xf: {  	s11 =	sshra.s32 s11, $0x2  }
0x10: {  	[tilespmem:s11+$0x2780] =	vst v0;
	s10 =	simm.s32 $0x0  }
0x11: {  	[tilespmem:s10], [sflag:$0x1] =	stream.linear.gather [hbm4b:s3+s10], $0x2710, $0x38;
	[tilespmem:$0x4F80] =	vst v63  }
0x12: {  	_ =	swait.ge [sflag:s6], $0x2710  }
0x13: {  	[sflag:s6] =	ssyncset.done $0x0  }
0x14: {  	s11 =	simm.s32 $0x0;
	s10 =	simm.s32 $0x40;
	[sflag:s6] =	ssyncadd.s32 $0xFFFFD8F0  }
.LBB2_4:
0x15: {  	p0 =	sne.s32 s10, $0x9C00;
	v2 =	vld [tilespmem:s11+$0x0];
	_ =	sdelay $0x3  }
.Ltmp1:
0x16: {  	(pc) =	sbr.rel @p0 .LBB2_4-.Ltmp1, $2  }
0x17: {  	_ =	sdelay $0x2  }
0x18: {  	s11 =	sshra.s32 s10, $0x2;
	s10 =	sadd.s32 $0x40, s10;
	[tilespmem:v2+s7+$0x0] =	vst.idx.add.f32.msk $0xffff, v1  }
0x19: {  	v2 =	vld [tilespmem:s11+$0x0];
	_ =	sdelay $0x5  }
0x1a: {  	s2 =	sadd.s32 $0x1, s2  }
0x1b: {  	p0 =	sne.s32 s2, s5  }
.Ltmp2:
0x1c: {  	[tilespmem:v2+s7+$0x0] =	vst.idx.add.f32.msk $0xffff, v1;
	(pc) =	sbr.rel @p0 .LBB2_1-.Ltmp2, $4  }
0x1d: {  	[hbm4b:s4+s8] =	stream.strided.scatter [tilespmem:s7], [sflag:$0x1], $0x2800, s9, s8, $0x38;
	[tilespmem:$0x4F80] =	vst v63  }
0x1e: {  	_ =	swait.ge [sflag:s6], $0x2800  }
0x1f: {  	[sflag:s6] =	ssyncset.done $0x0  }
0x20: {  	[sflag:s6] =	ssyncadd.s32 $0xFFFFD800  }
0x21: {  	_ =	sfence.sel $0x180000  }
0x22: {  	[bflag:$0x0] =	sbarrier.arrive $0xFFFF  }
0x23: {  	p0 =	sne.s32 s0, $0x0;
	_ =	strace $0x90000047  }
0x24: {  	s0 =	sadd.s32 @!p0 $0x100000, s1;
	[bflag:$0x2] =	sbarrier.arrive $0xFFFF  }
0x25: {  	[sflag:s0] =	ssyncadd.tile.s32 @!p0 $0x1;
	_ =	shalt  }
.Lfunc_end2:
_tile_overlayer_lowered:
.L_overlay_start_2:
0x26: {  	(tag) =	ssettag $0x2  }
0x27: {  	s0 =	rddreg [dreg:$0x0];
	s2 =	stileid.u32  }
0x28: {  	s1 =	rddreg [dreg:$0x1];
	p0 =	sne.s32 s2, $0x0  }
0x29: {  	s3 =	rddreg [dreg:$0x2];
	[bflag:$0x3] =	sbarrier.arrive $0xFFFF;
	s2 =	simm.s32 @!p0 $0x1C01  }
0x2a: {  	[timem:s3], [sflag:s2] =	dma.local @!p0 [hbm:s0], s1  }
0x2b: {  	s0 =	simm.s32 @!p0 $0x1  }
0x2c: {  	_ =	swait.ge @!p0 [sflag:s0], s1  }
0x2d: {  	s1 =	ssub.s32 @!p0 $0x0, s1;
	[sflag:s0] =	ssyncset.done @!p0 $0x0  }
0x2e: {  	[sflag:s0] =	ssyncadd.s32 @!p0 s1  }
0x2f: {  	[bflag:$0x3] =	sbarrier.arrive $0xFFFF  }
0x30: {  	_ =	shalt  }

// kernel: kernel.9.cloned.1.call-start
scs
__scs_entry_jumppad:
0x0: {  	(pc) =	sbr.rel $0x88, $3  }
0x1: {  	(tag) =	ssettag $0x0;
	lr =	simm.s32 $0x1  }
0x2: {  	[smem:$0x3F96] =	sst lr;
	_ =	strace $0xD0000000  }
0x3: {  	_ = 	snop  }
0x4: {  	_ = 	snop  }
0x5: {  	_ = 	snop  }
0x6: {  	_ = 	snop  }
0x7: {  	_ = 	snop  }
__scs_overlays_trampoline_lowered:
0x8: {  	[smem:$0x3FA5] =	sst s0  }
0x9: {  	[smem:$0x3FA6] =	sst s1  }
0xa: {  	[smem:$0x3FA7] =	sst s2  }
0xb: {  	[smem:$0x3FA8] =	sst s3  }
0xc: {  	[smem:$0x3FA9] =	sst s4  }
0xd: {  	[smem:$0x3FAA] =	sst s5  }
0xe: {  	[smem:$0x3FAB] =	sst s6  }
0xf: {  	[smem:$0x3FAC] =	sst s7  }
0x10: {  	[smem:$0x3FAD] =	sst s8  }
0x11: {  	[smem:$0x3FAE] =	sst s9;
	s0 =	simm.s32 @!p0 $0x0  }
0x12: {  	s1 =	sld [smem:$0x3F94];
	s0 =	simm.s32 @p0 $0x1  }
0x13: {  	[smem:$0x3FAF] =	sst s0;
	s0 =	simm.s32 @!p1 $0x0  }
0x14: {  	s2 =	sld [smem:$0x3F93];
	s0 =	simm.s32 @p1 $0x1  }
0x15: {  	[smem:$0x3FB0] =	sst s0;
	s0 =	simm.s32 @!p2 $0x0  }
0x16: {  	s3 =	sld [smem:$0x3FDB];
	s0 =	simm.s32 @p2 $0x1  }
0x17: {  	s4 =	simm.s32 $0x1BF5;
	[smem:$0x3FB2] =	sst s0  }
0x18: {  	s0 =	sld [smem:$0x3F95];
	_ =	swait.ge [sflag:s4], $0x0  }
0x19: {  	s7 =	sld [smem:$0x3F96]  }
0x1a: {  	s8 =	sadd.s32 $0xFFFFE003, lr  }
0x1b: {  	s9 =	sadd.s32 $0xFFFFFEF7, lr;
	s5 =	simm.s32 $0xFFFFFFFF;
	p2 =	slt.u32 s8, $0xFFFFF086  }
0x1c: {  	p1 =	slt.u32 s9, $0xF7A;
	s5 =	simm.s32 @!p2 $0x0  }
0x1d: {  	s5 =	simm.s32 @p1 $0x1;
	p0 =	seq.s32 s7, s2  }
0x1e: {  	s7 =	smul.u32 @!p0 $0xF7A, s2;
	p2 =	seq.s32 @!p0 s5, $0x0  }
0x1f: {  	s9 =	smul.u32 $0xF7A, s1;
	s8 =	simm.s32 @!p0 $0x1BF5;
	p2 =	por !p2, p0  }
0x20: {  	[sflag:s8] =	ssyncset.s32 @!p0 $0xFFFFF086;
	s6 =	sadd.s32 @!p0 s3, s7;
	s7 =	simm.s32 @!p0 $0x108  }
0x21: {  	s3 =	sadd.s32 s3, s9;
	s6 =	sadd.s32 @!p0 $0x88, s6;
	s7 =	simm.s32 @p2 $0x1082  }
0x22: {  	[simem:s7], [sflag:s8] =	dma.local @!p0 [hbm:s6], $0xF7A  }
0x23: {  	s9 =	sor.u32 $0xD0000000, s2;
	s6 =	simm.s32 $0x108;
	_ =	swait.ge @!p0 [sflag:s8], $0x0  }
0x24: {  	s3 =	sadd.s32 $0x88, s3;
	s6 =	simm.s32 @!p1 $0x1082;
	[sflag:s4] =	ssyncset.s32 $0xFFFFF086  }
0x25: {  	[simem:s6], [sflag:s4] =	dma.local [hbm:s3], $0xF7A  }
0x26: {  	[smem:$0x3F96] =	sst s1;
	(tag) =	ssettag s2;
	_ =	strace s9  }
0x27: {  	s1 =	sld [smem:$0x3FA6]  }
0x28: {  	s2 =	sld [smem:$0x3FA7]  }
0x29: {  	s4 =	sld [smem:$0x3FA9]  }
0x2a: {  	p0 =	seq.s32 s5, $0x0;
	s5 =	sld [smem:$0x3FAA]  }
0x2b: {  	s6 =	sld [smem:$0x3FAB]  }
0x2c: {  	s7 =	sld [smem:$0x3FAC]  }
0x2d: {  	s3 =	simm.s32 $0x108;
	s8 =	sld [smem:$0x3FAD]  }
0x2e: {  	s3 =	simm.s32 @!p0 $0x1082;
	s9 =	sld [smem:$0x3FAE]  }
0x2f: {  	lr =	sadd.s32 s0, s3;
	s0 =	sld [smem:$0x3FA5]  }
0x30: {  	s3 =	sld [smem:$0x3FA8]  }
0x31: {  	[smem:$0x3FB1] =	sst s10  }
0x32: {  	s10 =	sld [smem:$0x3FAF];
	_ =	sdelay $0x3  }
0x33: {  	p0 =	seq.s32 s10, $0x1;
	s10 =	sld [smem:$0x3FB1];
	_ =	sdelay $0x3  }
0x34: {  	[smem:$0x3FB1] =	sst s10  }
0x35: {  	s10 =	sld [smem:$0x3FB0];
	_ =	sdelay $0x3  }
0x36: {  	p1 =	seq.s32 s10, $0x1;
	s10 =	sld [smem:$0x3FB1];
	_ =	sdelay $0x3  }
0x37: {  	[smem:$0x3FB1] =	sst s10  }
0x38: {  	s10 =	sld [smem:$0x3FB2]  }
0x39: {  	_ = 	snop;
	(pc) =	sbr.ind lr, $3  }
0x3a: {  	_ = 	snop  }
0x3b: {  	_ = 	snop  }
0x3c: {  	p2 =	seq.s32 s10, $0x1;
	s10 =	sld [smem:$0x3FB1]  }
0x3d: {  	_ =	shalt  }
0x3e: {  	_ =	shalt  }
0x3f: {  	_ =	shalt  }
0x40: {  	_ =	shalt  }
0x41: {  	_ =	shalt  }
0x42: {  	_ =	shalt  }
0x43: {  	_ =	shalt  }
0x44: {  	_ =	shalt  }
0x45: {  	_ =	shalt  }
0x46: {  	_ =	shalt  }
0x47: {  	_ =	shalt  }
0x48: {  	_ =	shalt  }
0x49: {  	_ =	shalt  }
0x4a: {  	_ =	shalt  }
0x4b: {  	_ =	shalt  }
0x4c: {  	_ =	shalt  }
0x4d: {  	_ =	shalt  }
0x4e: {  	_ =	shalt  }
0x4f: {  	_ =	shalt  }
0x50: {  	_ =	shalt  }
0x51: {  	_ =	shalt  }
0x52: {  	_ =	shalt  }
0x53: {  	_ =	shalt  }
0x54: {  	_ =	shalt  }
0x55: {  	_ =	shalt  }
0x56: {  	_ =	shalt  }
0x57: {  	_ =	shalt  }
0x58: {  	_ =	shalt  }
0x59: {  	_ =	shalt  }
0x5a: {  	_ =	shalt  }
0x5b: {  	_ =	shalt  }
0x5c: {  	_ =	shalt  }
0x5d: {  	_ =	shalt  }
0x5e: {  	_ =	shalt  }
0x5f: {  	_ =	shalt  }
0x60: {  	_ =	shalt  }
0x61: {  	_ =	shalt  }
0x62: {  	_ =	shalt  }
0x63: {  	_ =	shalt  }
0x64: {  	_ =	shalt  }
0x65: {  	_ =	shalt  }
0x66: {  	_ =	shalt  }
0x67: {  	_ =	shalt  }
0x68: {  	_ =	shalt  }
0x69: {  	_ =	shalt  }
0x6a: {  	_ =	shalt  }
0x6b: {  	_ =	shalt  }
0x6c: {  	_ =	shalt  }
0x6d: {  	_ =	shalt  }
0x6e: {  	_ =	shalt  }
0x6f: {  	_ =	shalt  }
0x70: {  	_ =	shalt  }
0x71: {  	_ =	shalt  }
0x72: {  	_ =	shalt  }
0x73: {  	_ =	shalt  }
0x74: {  	_ =	shalt  }
0x75: {  	_ =	shalt  }
0x76: {  	_ =	shalt  }
0x77: {  	_ =	shalt  }
0x78: {  	_ =	shalt  }
0x79: {  	_ =	shalt  }
0x7a: {  	_ =	shalt  }
0x7b: {  	_ =	shalt  }
0x7c: {  	_ =	shalt  }
0x7d: {  	_ =	shalt  }
0x7e: {  	_ =	shalt  }
0x7f: {  	_ =	shalt  }
0x80: {  	_ =	shalt  }
0x81: {  	_ =	shalt  }
0x82: {  	_ =	shalt  }
0x83: {  	_ =	shalt  }
0x84: {  	_ =	shalt  }
0x85: {  	_ =	shalt  }
0x86: {  	_ =	shalt  }
0x87: {  	_ =	shalt  }
.Lfunc_end0:
.L_simem_size_0:
called_computation.1_lowered:
.L_overlay_start_0:
0x88: {  	s2 =	sld [smem:$0x3FD9]  }
0x89: {  	s3 =	sld [smem:$0x3FFE];
	_ =	sdelay $0x1  }
0x8a: {  	s1 =	srdreg.scid  }
0x8b: {  	s0 =	sand.u32 $0x1, s1  }
0x8c: {  	s16 =	sshll.u32 s0, $0xA;
	s2 =	sadd.s32 s3, s2  }
0x8d: {  	s2 =	sadd.s32 s2, s16  }
0x8e: {  	[smem:$0x3FBD] =	sst s2  }
0x8f: {  	_ = 	snop  }
0x90: {  	(tm) =	ssettm $0x1  }
0x91: {  	s17 =	sld [smem:$0x3FFB];
	_ =	sdelay $0x3  }
0x92: {  	_ =	strace s17  }
0x93: {  	s2 =	sld [smem:$0x3FFC];
	_ =	sdelay $0x3  }
0x94: {  	_ =	strace s2  }
0x95: {  	s2 =	sld [smem:$0x3FFD];
	_ =	sdelay $0x3  }
0x96: {  	_ =	strace s2  }
0x97: {  	_ =	strace $0x8FFFFFFF  }
0x98: {  	s18 =	sld [smem:$0x3FDB];
	_ =	sdelay $0x1  }
0x99: {  	s19 =	simm.s32 $_scs_section_size  }
0x9a: {  	s4 =	simm.s32 $_size__tile_overlayer_lowered;
	s5 =	simm.s32 $_tile_overlayer_lowered  }
0x9b: {  	s22 =	simm.s32 $0x1BFF;
	s21 =	sshll.u32 s5, $0x1;
	s2 =	sadd.s32 s19, s18  }
0x9c: {  	s6 =	simm.s32 $0x0;
	s20 =	sshll.u32 s4, $0x1;
	s4 =	sadd.s32 s21, s2  }
0x9d: {  	[timem:s6], [sflag:s22] =	dma.local [hbm:s4], s20  }
0x9e: {  	_ =	swait.ge [sflag:s22], s20  }
0x9f: {  	s3 =	ssub.s32 $0x0, s20;
	[sflag:s22] =	ssyncset.done $0x0  }
0xa0: {  	[sflag:s22] =	ssyncadd.s32 s3;
	_ =	sdelay $0x1  }
0xa1: {  	s23 =	simm.s32 $0x1B8B  }
0xa2: {  	_ =	swait.ge [sflag:s23], $0x1  }
0xa3: {  	[sflag:s23] =	ssyncset.done $0x0  }
0xa4: {  	s25 =	simm.s32 $0x1B8E;
	s24 =	sld [smem:$0x3FFE];
	[sflag:s23] =	ssyncadd.s32 $0xFFFFFFFF  }
0xa5: {  	s26 =	simm.s32 $execute0_lowered;
	[smem:$0x3FD2] =	sst s25  }
0xa6: {  	s4 =	sshll.u32 s26, $0x1;
	_ =	strace $0x80000049;
	[dreg:$0x1] =	wrdreg $0xFFFFFFFF  }
0xa7: {  	s28 =	simm.s32 $_size_execute0_lowered;
	s2 =	sadd.s32 s2, s4;
	[dreg:$0x0] =	wrdreg $0x0  }
0xa8: {  	s4 =	sshll.u32 s28, $0x1;
	[dreg:$0x2] =	wrdreg s2  }
0xa9: {  	[dreg:$0x3] =	wrdreg s4  }
0xaa: {  	[dreg:$0x4] =	wrdreg $0xC0  }
0xab: {  	_ =	task [dreg:s6], $0x5FFFF  }
0xac: {  	[dreg:$0x1] =	wrdreg $0xFFFFFFFF  }
0xad: {  	[dreg:$0x0] =	wrdreg $0x60  }
0xae: {  	[dreg:$0x2] =	wrdreg s24  }
0xaf: {  	[dreg:$0x3] =	wrdreg $0x90000  }
0xb0: {  	[dreg:$0x4] =	wrdreg $0x9  }
0xb1: {  	_ =	task.clear_ibuf [dreg:s6], $0x5FFFF;
	_ =	strace $0x90000049  }
0xb2: {  	s29 =	simm.s32 $0x9;
	_ =	strace $0x8000004B  }
0xb3: {  	_ =	swait.ge [sflag:s29], $0x1  }
0xb4: {  	[sflag:s29] =	ssyncadd.s32 $0xFFFFFFFF  }
0xb5: {  	_ =	strace $0x9000004B  }
0xb6: {  	_ =	sfence  }
0xb7: {  	s30 =	sld [smem:$0x0];
	_ =	sdelay $0x2  }
0xb8: {  	s31 =	sshll.u32 s1, $0xD;
	s1 =	sshrl.u32 s1, $0x2  }
0xb9: {  	s3 =	sand.u32 $0x4000, s31;
	s1 =	sadd.s32 s1, s30  }
0xba: {  	s0 =	sor.u32 s3, s0;
	s1 =	sshll.u32 s1, $0x11  }
0xbb: {  	s0 =	sor.u32 s1, s0  }
0xbc: {  	s0 =	sadd.s32 $0x8F2B, s0  }
0xbd: {  	[sflag:s0] =	ssyncadd.remote.s32 $0x1  }
0xbe: {  	_ =	sfence.sel $0xFFFF  }
0xbf: {  	[dreg:$0x0] =	wrdreg $0xFFFFFFFF;
	(pc) =	sbr.abs _section_cstart, $3  }
0xc0: {  	[dreg:$0x1] =	wrdreg $0xFFFFFFFF  }
0xc1: {  	_ =	task.clear_ibuf [dreg:s6], $0x2FFFF;
	_ =	strace $0x9FFFFFFF  }
0xc2: {  	(tm) =	ssettm $0x7FFFFFFF  }
0xc3: {  	_ =	shalt  }
tec
execute0_lowered:
.L_overlay_start_1:
0x0: {  	(tag) =	ssettag $0x1  }
0x1: {  	s7 =	rddreg [dreg:$0x0]  }
0x2: {  	s2 =	rddreg [dreg:$0x1]  }
0x3: {  	s0 =	rddreg [dreg:$0x2]  }
0x4: {  	s3 =	simm.s32 $0x0;
	s1 =	stileid.u32;
	s4 =	srdreg.scid  }
0x5: {  	s16 =	simm.s32 $0xF;
	s18 =	simm.s32 $0x80;
	s19 =	simm.s32 $0x1000  }
0x6: {  	s20 =	simm.s32 $0x5000;
	s21 =	simm.s32 $0x1;
	s22 =	simm.s32 $0x2  }
0x7: {  	s23 =	simm.s32 $0x0;
	[smem:$0x7FF] =	sst s3;
	s8 =	smul.u32 $0x14000, s1  }
0x8: {  	s9 =	sand.u32 $0x1, s4;
	s4 =	sadd.s32 $0x20000, s7;
	s24 =	smul.u32 $0xA0, s1  }
0x9: {  	s5 =	sadd.s32 $0x16000, s7;
	s6 =	sadd.s32 $0x2A000, s7;
	s26 =	smul.u32 $0x50000, s1  }
0xa: {  	s29 =	sshll.u32 s1, $0x6;
	_ =	strace $0x8000004A;
	s10 =	smul.u32 $0x140000, s9  }
0xb: {  	s12 =	ssub.s32 $0x2, s9;
	s13 =	smul.u32 $0x78, s9;
	p0 =	seq.s32 s9, $0x0  }
0xc: {  	s9 =	sor.u32 $0x1C04, s29;
	s11 =	sshrl.u32 s8, $0x3;
	s25 =	sshrl.u32 s12, $0x1  }
0xd: {  	s16 =	simm.s32 @!p0 $0x5;
	s11 =	sadd.s32 s11, s7;
	s8 =	sadd.s32 s8, s10  }
0xe: {  	s15 =	ssub.s32 s12, s25;
	s28 =	sadd.s32 s13, s24;
	s31 =	sshll.u32 s16, $0xA  }
0xf: {  	s8 =	sshrl.u32 s8, $0x3;
	s30 =	sshll.u32 s28, $0x4;
	s12 =	sshrl.u32 s28, $0x3  }
0x10: {  	s13 =	smax.u32 s15, $0x1;
	[dreg:$0x4] =	wrdreg s31;
	s15 =	simm.s32 $0x4  }
0x11: {  	s14 =	sadd.s32 s8, s7;
	s8 =	sshrl.u32 s26, $0x2;
	s7 =	sadd.s32 $0xFFFFFFFF, s16  }
0x12: {  	s10 =	sadd.s32 s4, s30;
	[dreg:$0x3] =	wrdreg s12;
	s16 =	simm.s32 $0x800  }
0x13: {  	s17 =	sadd.s32 s8, s2;
	s8 =	sadd.s32 $0x52000, s11;
	s11 =	sadd.s32 s5, s30  }
0x14: {  	s12 =	sadd.s32 $0x7A000, s14;
	s14 =	sshrl.u32 s17, $0x3;
	s17 =	simm.s32 $0x3  }
.LBB2_1:
0x15: {  	[spmem:s14], [sflag:s9] =	dma.local [hbm:s8], $0x2800  }
0x16: {  	_ =	swait.ge [sflag:s15], $0x2800  }
0x17: {  	[sflag:s15] =	ssyncset.done $0x0  }
0x18: {  	[sflag:s15] =	ssyncadd.s32 $0xFFFFD800  }
0x19: {  	[tilespmem:s3], [sflag:$0x3] =	stream.linear.gather [hbm4b:s10+s3], $0x400, $0x38;
	[tilespmem:$0x1D000] =	vst v63  }
0x1a: {  	_ = 	snop  }
0x1b: {  	[tilespmem:s16], [sflag:$0x3] =	stream.linear.gather [hbm4b:s11+s3], $0x400, $0x38;
	[tilespmem:$0x1D000] =	vst v63  }
0x1c: {  	s24 =	simm.s32 $0x1;
	s25 =	simm.s32 $0x0;
	[bflag:$0x0] =	sbarrier.arrive $0xFFFF  }
.LBB2_2:
0x1d: {  	_ =	swait.ge [sflag:s17], $0x400  }
0x1e: {  	[sflag:s17] =	ssyncset.done $0x0  }
0x1f: {  	[sflag:s17] =	ssyncadd.s32 $0xFFFFFC00  }
0x20: {  	p0 =	slt.s32 s24, s7;
	s28 =	smov.u32 s7;
	_ =	swait.ge [sflag:s17], $0x400  }
0x21: {  	s28 =	smov.u32 @p0 s24;
	s26 =	rddreg [dreg:$0x3]  }
0x22: {  	s26 =	sadd.s32 s26, s28  }
0x23: {  	s28 =	sshll.u32 s26, $0x7  }
0x24: {  	[sflag:s17] =	ssyncset.done $0x0;
	s26 =	sand.u32 $0x400, s25;
	s28 =	sand.u32 $0x1FFFFF80, s28  }
0x25: {  	[sflag:s17] =	ssyncadd.s32 $0xFFFFFC00;
	s29 =	sxor.u32 $0x400, s26;
	s30 =	sadd.s32 s4, s28  }
0x26: {  	[tilespmem:s29], [sflag:$0x3] =	stream.linear.gather [hbm4b:s30+s3], $0x400, $0x38;
	[tilespmem:$0x1D000] =	vst v63  }
0x27: {  	s31 =	sxor.u32 $0xC00, s26;
	s28 =	sadd.s32 s5, s28  }
0x28: {  	[tilespmem:s31], [sflag:$0x3] =	stream.linear.gather [hbm4b:s28+s3], $0x400, $0x38;
	[tilespmem:$0x1D000] =	vst v63  }
0x29: {  	_ = 	snop  }
0x2a: {  	[tilespmem:s19], [sflag:$0x1] =	stream.indirect.gather [hbm4b:s6+s18], $0x80, s26, s18, $0xb8;
	[tilespmem:$0x1D000] =	vst v63  }
0x2b: {  	s29 =	sor.u32 $0x80, s26  }
0x2c: {  	[tilespmem:s20], [sflag:$0x2] =	stream.indirect.gather [hbm4b:s6+s18], $0x80, s29, s18, $0xb8;
	[tilespmem:$0x1D000] =	vst v63  }
0x2d: {  	_ =	swait.ge [sflag:s21], $0x4000  }
0x2e: {  	[sflag:s21] =	ssyncset.done $0x0  }
0x2f: {  	s30 =	sor.u32 $0x800, s26;
	[sflag:s21] =	ssyncadd.s32 $0xFFFFC000  }
0x30: {  	[spmem:s2] =	stream.indirect.scatter.add.f32 [tilespmem:s19], [sflag:$0x4], $0x80, s30, s18, $0xb8;
	[tilespmem:$0x1D000] =	vst v63  }
0x31: {  	_ =	swait.ge [sflag:s15], $0x4000  }
0x32: {  	[sflag:s15] =	ssyncset.done $0x0  }
0x33: {  	s31 =	sor.u32 $0x100, s26;
	[sflag:s15] =	ssyncadd.s32 $0xFFFFC000  }
0x34: {  	[tilespmem:s19], [sflag:$0x1] =	stream.indirect.gather [hbm4b:s6+s18], $0x80, s31, s18, $0xb8;
	[tilespmem:$0x1D000] =	vst v63  }
0x35: {  	_ =	swait.ge [sflag:s22], $0x4000  }
0x36: {  	[sflag:s22] =	ssyncset.done $0x0  }
0x37: {  	s29 =	sor.u32 $0x880, s26;
	[sflag:s22] =	ssyncadd.s32 $0xFFFFC000  }
0x38: {  	[spmem:s2] =	stream.indirect.scatter.add.f32 [tilespmem:s20], [sflag:$0x4], $0x80, s29, s18, $0xb8;
	[tilespmem:$0x1D000] =	vst v63  }
0x39: {  	_ =	swait.ge [sflag:s15], $0x4000  }
0x3a: {  	[sflag:s15] =	ssyncset.done $0x0  }
0x3b: {  	s30 =	sor.u32 $0x180, s26;
	[sflag:s15] =	ssyncadd.s32 $0xFFFFC000  }
0x3c: {  	[tilespmem:s20], [sflag:$0x2] =	stream.indirect.gather [hbm4b:s6+s18], $0x80, s30, s18, $0xb8;
	[tilespmem:$0x1D000] =	vst v63  }
0x3d: {  	_ =	swait.ge [sflag:s21], $0x4000  }
0x3e: {  	[sflag:s21] =	ssyncset.done $0x0  }
0x3f: {  	s31 =	sor.u32 $0x900, s26;
	[sflag:s21] =	ssyncadd.s32 $0xFFFFC000  }
0x40: {  	[spmem:s2] =	stream.indirect.scatter.add.f32 [tilespmem:s19], [sflag:$0x4], $0x80, s31, s18, $0xb8;
	[tilespmem:$0x1D000] =	vst v63  }
0x41: {  	_ =	swait.ge [sflag:s15], $0x4000  }
0x42: {  	[sflag:s15] =	ssyncset.done $0x0  }
0x43: {  	s29 =	sor.u32 $0x200, s26;
	[sflag:s15] =	ssyncadd.s32 $0xFFFFC000  }
0x44: {  	[tilespmem:s19], [sflag:$0x1] =	stream.indirect.gather [hbm4b:s6+s18], $0x80, s29, s18, $0xb8;
	[tilespmem:$0x1D000] =	vst v63  }
0x45: {  	_ =	swait.ge [sflag:s22], $0x4000  }
0x46: {  	[sflag:s22] =	ssyncset.done $0x0  }
0x47: {  	s30 =	sor.u32 $0x980, s26;
	[sflag:s22] =	ssyncadd.s32 $0xFFFFC000  }
0x48: {  	[spmem:s2] =	stream.indirect.scatter.add.f32 [tilespmem:s20], [sflag:$0x4], $0x80, s30, s18, $0xb8;
	[tilespmem:$0x1D000] =	vst v63  }
0x49: {  	_ =	swait.ge [sflag:s15], $0x4000  }
0x4a: {  	[sflag:s15] =	ssyncset.done $0x0  }
0x4b: {  	s31 =	sor.u32 $0x280, s26;
	[sflag:s15] =	ssyncadd.s32 $0xFFFFC000  }
0x4c: {  	[tilespmem:s20], [sflag:$0x2] =	stream.indirect.gather [hbm4b:s6+s18], $0x80, s31, s18, $0xb8;
	[tilespmem:$0x1D000] =	vst v63  }
0x4d: {  	_ =	swait.ge [sflag:s21], $0x4000  }
0x4e: {  	[sflag:s21] =	ssyncset.done $0x0  }
0x4f: {  	s29 =	sor.u32 $0xA00, s26;
	[sflag:s21] =	ssyncadd.s32 $0xFFFFC000  }
0x50: {  	[spmem:s2] =	stream.indirect.scatter.add.f32 [tilespmem:s19], [sflag:$0x4], $0x80, s29, s18, $0xb8;
	[tilespmem:$0x1D000] =	vst v63  }
0x51: {  	_ =	swait.ge [sflag:s15], $0x4000  }
0x52: {  	[sflag:s15] =	ssyncset.done $0x0  }
0x53: {  	s30 =	sor.u32 $0x300, s26;
	[sflag:s15] =	ssyncadd.s32 $0xFFFFC000  }
0x54: {  	[tilespmem:s19], [sflag:$0x1] =	stream.indirect.gather [hbm4b:s6+s18], $0x80, s30, s18, $0xb8;
	[tilespmem:$0x1D000] =	vst v63  }
0x55: {  	_ =	swait.ge [sflag:s22], $0x4000  }
0x56: {  	[sflag:s22] =	ssyncset.done $0x0  }
0x57: {  	s31 =	sor.u32 $0xA80, s26;
	[sflag:s22] =	ssyncadd.s32 $0xFFFFC000  }
0x58: {  	[spmem:s2] =	stream.indirect.scatter.add.f32 [tilespmem:s20], [sflag:$0x4], $0x80, s31, s18, $0xb8;
	[tilespmem:$0x1D000] =	vst v63  }
0x59: {  	_ =	swait.ge [sflag:s15], $0x4000  }
0x5a: {  	[sflag:s15] =	ssyncset.done $0x0  }
0x5b: {  	s29 =	sor.u32 $0x380, s26;
	[sflag:s15] =	ssyncadd.s32 $0xFFFFC000  }
0x5c: {  	[tilespmem:s20], [sflag:$0x2] =	stream.indirect.gather [hbm4b:s6+s18], $0x80, s29, s18, $0xb8;
	[tilespmem:$0x1D000] =	vst v63  }
0x5d: {  	_ =	swait.ge [sflag:s21], $0x4000  }
0x5e: {  	[sflag:s21] =	ssyncset.done $0x0  }
0x5f: {  	s30 =	sor.u32 $0xB00, s26;
	[sflag:s21] =	ssyncadd.s32 $0xFFFFC000  }
0x60: {  	[spmem:s2] =	stream.indirect.scatter.add.f32 [tilespmem:s19], [sflag:$0x4], $0x80, s30, s18, $0xb8;
	[tilespmem:$0x1D000] =	vst v63  }
0x61: {  	_ =	swait.ge [sflag:s15], $0x4000  }
0x62: {  	[sflag:s15] =	ssyncset.done $0x0  }
0x63: {  	[sflag:s15] =	ssyncadd.s32 $0xFFFFC000  }
0x64: {  	_ =	swait.ge [sflag:s22], $0x4000  }
0x65: {  	[sflag:s22] =	ssyncset.done $0x0  }
0x66: {  	s26 =	sor.u32 $0xB80, s26;
	[sflag:s22] =	ssyncadd.s32 $0xFFFFC000  }
0x67: {  	[spmem:s2] =	stream.indirect.scatter.add.f32 [tilespmem:s20], [sflag:$0x4], $0x80, s26, s18, $0xb8;
	[tilespmem:$0x1D000] =	vst v63  }
0x68: {  	_ =	swait.ge [sflag:s15], $0x4000  }
0x69: {  	s25 =	sadd.s32 $0x400, s25;
	s31 =	rddreg [dreg:$0x4]  }
0x6a: {  	p0 =	sne.s32 s31, s25  }
.Ltmp0:
0x6b: {  	_ = 	snop;
	(pc) =	sbr.rel @p0 .LBB2_2-.Ltmp0, $3  }
0x6c: {  	_ =	sdelay $0x1  }
0x6d: {  	[sflag:s15] =	ssyncset.done $0x0  }
0x6e: {  	s24 =	sadd.s32 $0x1, s24;
	[sflag:s15] =	ssyncadd.s32 $0xFFFFC000  }
0x6f: {  	_ =	swait.ge [sflag:s17], $0x400  }
0x70: {  	[sflag:s17] =	ssyncset.done $0x0  }
0x71: {  	[sflag:s17] =	ssyncadd.s32 $0xFFFFFC00  }
0x72: {  	_ =	swait.ge [sflag:s17], $0x400  }
0x73: {  	s23 =	sadd.s32 $0x1, s23;
	[sflag:s17] =	ssyncset.done $0x0  }
0x74: {  	p0 =	sne.s32 s23, s13;
	[sflag:s17] =	ssyncadd.s32 $0xFFFFFC00  }
.Ltmp1:
0x75: {  	[bflag:$0x0] =	sbarrier.arrive $0xFFFF;
	(pc) =	sbr.rel @p0 .LBB2_1-.Ltmp1, $4  }
0x76: {  	[hbm:s12], [sflag:s9] =	dma.local [spmem:s14], $0x2800  }
0x77: {  	_ =	swait.ge [sflag:s15], $0x2800  }
0x78: {  	[sflag:s15] =	ssyncset.done $0x0  }
0x79: {  	[sflag:s15] =	ssyncadd.s32 $0xFFFFD800  }
0x7a: {  	_ =	sfence.sel $0x180000  }
0x7b: {  	[bflag:$0x0] =	sbarrier.arrive $0xFFFF  }
0x7c: {  	p0 =	sne.s32 s1, $0x0;
	_ =	strace $0x9000004A  }
0x7d: {  	s0 =	sadd.s32 @!p0 $0x100000, s0;
	[bflag:$0x2] =	sbarrier.arrive $0xFFFF  }
0x7e: {  	[sflag:s0] =	ssyncadd.tile.s32 @!p0 $0x1;
	_ =	shalt  }
.Lfunc_end2:
_tile_overlayer_lowered:
.L_overlay_start_2:
0x7f: {  	(tag) =	ssettag $0x2  }
0x80: {  	s0 =	rddreg [dreg:$0x0];
	s2 =	stileid.u32  }
0x81: {  	s1 =	rddreg [dreg:$0x1];
	p0 =	sne.s32 s2, $0x0  }
0x82: {  	s3 =	rddreg [dreg:$0x2];
	[bflag:$0x3] =	sbarrier.arrive $0xFFFF;
	s2 =	simm.s32 @!p0 $0x1C04  }
0x83: {  	[timem:s3], [sflag:s2] =	dma.local @!p0 [hbm:s0], s1  }
0x84: {  	s0 =	simm.s32 @!p0 $0x4  }
0x85: {  	_ =	swait.ge @!p0 [sflag:s0], s1  }
0x86: {  	s1 =	ssub.s32 @!p0 $0x0, s1;
	[sflag:s0] =	ssyncset.done @!p0 $0x0  }
0x87: {  	[sflag:s0] =	ssyncadd.s32 @!p0 s1  }
0x88: {  	[bflag:$0x3] =	sbarrier.arrive $0xFFFF  }
0x89: {  	_ =	shalt  }

</sc_bundles>
